<compile_context>
chip_gen: v7x
topology: tpu7x:2x2x1
jax: 0.10.2.dev20260603
libtpu: 0.0.44.dev20260713+nightly
codegen_flags: <defaults>
</compile_context>

<pallas_src>
import functools

import jax
import jax.numpy as jnp
from jax import lax
from jax.experimental import pallas as pl
from jax.experimental.pallas import tpu as pltpu
from jax.experimental.pallas import tpu_sc as plsc

N = 10000
D_IN = 128
D_HID = 64
E = 320000
NC = 2
NS = 16
NW = NC * NS
EPW = E // NW
CH = 125
K = EPW // CH
NBUF = 8
NPAD = 10240
RT = NPAD // NS
NF = NPAD // 128
_BM = 2048
_GRID = NPAD // _BM

_mesh = plsc.VectorSubcoreMesh(core_axis_name="c", subcore_axis_name="s")
_sc_params = pltpu.CompilerParams(
    use_tc_tiling_on_sc=False, disable_bounds_checks=True)


@functools.partial(
    pl.kernel,
    out_type=jax.ShapeDtypeStruct((NC, NPAD), jnp.float32),
    mesh=_mesh,
    compiler_params=_sc_params,
    scratch_types=[
        pltpu.VMEM((K, CH), jnp.int32),
        pltpu.VMEM((128,), jnp.float32),
        pltpu.SemaphoreType.DMA,
        pltpu.SemaphoreType.DMA,
        pltpu.VMEM_SHARED((NPAD,), jnp.float32),
    ],
)
def _sc_degree(ei_hbm, ones_hbm, zeros_hbm, out_hbm, didx, ones_v, s0, s1, acc):
    cid = lax.axis_index("c")
    sid = lax.axis_index("s")
    wid = sid * NC + cid
    pltpu.sync_copy(ei_hbm.at[1, wid], didx)
    pltpu.sync_copy(ones_hbm, ones_v)
    pltpu.sync_copy(zeros_hbm.at[pl.ds(sid * RT, RT)], acc.at[pl.ds(sid * RT, RT)])
    plsc.subcore_barrier()

    ones_row = ones_v.at[pl.ds(0, CH)]

    def step(jj, carry):
        j0 = 2 * jj
        pltpu.async_copy(ones_row, acc.at[didx.at[j0]], s0, add=True)
        pltpu.async_copy(ones_row, acc.at[didx.at[j0 + 1]], s1, add=True)
        pltpu.make_async_copy(ones_row, acc.at[didx.at[j0]], s0).wait()
        pltpu.make_async_copy(ones_row, acc.at[didx.at[j0 + 1]], s1).wait()
        return carry

    lax.fori_loop(0, K // 2, step, 0)
    plsc.subcore_barrier()
    pltpu.sync_copy(acc.at[pl.ds(sid * RT, RT)], out_hbm.at[cid, pl.ds(sid * RT, RT)])


@functools.partial(
    pl.kernel,
    out_type=jax.ShapeDtypeStruct((NC, NPAD, D_HID), jnp.float32),
    mesh=_mesh,
    compiler_params=_sc_params,
    scratch_types=(
        [pltpu.VMEM((K, CH), jnp.int32)] * 2
        + [pltpu.VMEM((CH, D_HID), jnp.float32)] * NBUF
        + [pltpu.SemaphoreType.DMA] * (2 * NBUF)
        + [pltpu.VMEM_SHARED((NPAD, D_HID), jnp.float32)]
    ),
)
def _sc_agg64(g1_hbm, ei_hbm, zeros_hbm, out_hbm, sidx, didx, *rest):
    rows = rest[:NBUF]
    gsem = rest[NBUF:2 * NBUF]
    ssem = rest[2 * NBUF:3 * NBUF]
    acc = rest[3 * NBUF]
    cid = lax.axis_index("c")
    sid = lax.axis_index("s")
    wid = sid * NC + cid
    pltpu.sync_copy(ei_hbm.at[0, wid], sidx)
    pltpu.sync_copy(ei_hbm.at[1, wid], didx)
    pltpu.sync_copy(zeros_hbm.at[pl.ds(sid * RT, RT)], acc.at[pl.ds(sid * RT, RT)])
    plsc.subcore_barrier()

    for b in range(NBUF):
        pltpu.async_copy(g1_hbm.at[sidx.at[b]], rows[b], gsem[b])

    def step(jj, carry):
        for b in range(NBUF):
            j = NBUF * jj + b
            pltpu.make_async_copy(g1_hbm.at[sidx.at[j]], rows[b], gsem[b]).wait()
            pltpu.async_copy(rows[b], acc.at[didx.at[j]], ssem[b], add=True)

            @pl.when(j + NBUF < K)
            def _refill():
                pltpu.make_async_copy(rows[b], acc.at[didx.at[j]], ssem[b]).wait()
                pltpu.async_copy(g1_hbm.at[sidx.at[j + NBUF]], rows[b], gsem[b])

        return carry

    lax.fori_loop(0, K // NBUF, step, 0)
    for b in range(NBUF):
        j = K - NBUF + b
        pltpu.make_async_copy(rows[b], acc.at[didx.at[j]], ssem[b]).wait()
    plsc.subcore_barrier()
    pltpu.sync_copy(acc.at[pl.ds(sid * RT, RT)], out_hbm.at[cid, pl.ds(sid * RT, RT)])


@functools.partial(
    pl.kernel,
    out_type=jax.ShapeDtypeStruct((NC, NPAD), jnp.float32),
    mesh=_mesh,
    compiler_params=_sc_params,
    scratch_types=(
        [pltpu.VMEM((K, CH), jnp.int32)] * 2
        + [pltpu.VMEM((CH,), jnp.float32)] * NBUF
        + [pltpu.SemaphoreType.DMA] * (2 * NBUF)
        + [pltpu.VMEM_SHARED((NPAD,), jnp.float32),
           pltpu.VMEM_SHARED((NPAD,), jnp.float32)]
    ),
)
def _sc_agg1(u_hbm, ei_hbm, zeros_hbm, out_hbm, sidx, didx, *rest):
    vals = rest[:NBUF]
    gsem = rest[NBUF:2 * NBUF]
    ssem = rest[2 * NBUF:3 * NBUF]
    acc = rest[3 * NBUF]
    us = rest[3 * NBUF + 1]
    cid = lax.axis_index("c")
    sid = lax.axis_index("s")
    wid = sid * NC + cid
    pltpu.sync_copy(ei_hbm.at[0, wid], sidx)
    pltpu.sync_copy(ei_hbm.at[1, wid], didx)
    pltpu.sync_copy(zeros_hbm.at[pl.ds(sid * RT, RT)], acc.at[pl.ds(sid * RT, RT)])
    pltpu.sync_copy(u_hbm.at[pl.ds(sid * RT, RT)], us.at[pl.ds(sid * RT, RT)])
    plsc.subcore_barrier()

    for b in range(NBUF):
        pltpu.async_copy(us.at[sidx.at[b]], vals[b], gsem[b])

    def step(jj, carry):
        for b in range(NBUF):
            j = NBUF * jj + b
            pltpu.make_async_copy(us.at[sidx.at[j]], vals[b], gsem[b]).wait()
            pltpu.async_copy(vals[b], acc.at[didx.at[j]], ssem[b], add=True)

            @pl.when(j + NBUF < K)
            def _refill():
                pltpu.make_async_copy(vals[b], acc.at[didx.at[j]], ssem[b]).wait()
                pltpu.async_copy(us.at[sidx.at[j + NBUF]], vals[b], gsem[b])

        return carry

    lax.fori_loop(0, K // NBUF, step, 0)
    for b in range(NBUF):
        j = K - NBUF + b
        pltpu.make_async_copy(vals[b], acc.at[didx.at[j]], ssem[b]).wait()
    plsc.subcore_barrier()
    pltpu.sync_copy(acc.at[pl.ds(sid * RT, RT)], out_hbm.at[cid, pl.ds(sid * RT, RT)])


def _tc1_body(deg_ref, x_ref, w1_ref, g1_ref):
    dinv_c = lax.rsqrt(deg_ref[0] + deg_ref[1] + 1.0)[:, None]
    h = jnp.dot(x_ref[...], w1_ref[...], preferred_element_type=jnp.float32)
    g1_ref[...] = h * dinv_c


def _tc2_body(deg_ref, s_ref, g1_ref, w2_ref, b1_ref, u_ref):
    dinv_c = lax.rsqrt(deg_ref[0] + deg_ref[1] + 1.0)[:, None]
    s = s_ref[0] + s_ref[1] + g1_ref[...]
    h = jnp.maximum(s * dinv_c + b1_ref[...], 0.0)
    u_col = jnp.dot(h, w2_ref[...], preferred_element_type=jnp.float32) * dinv_c
    u_ref[...] = u_col.reshape(_BM).reshape(_BM // 128, 128)


def _tc3_body(deg_ref, s2_ref, u_ref, b2_ref, o_ref):
    dinv = lax.rsqrt(deg_ref[0] + deg_ref[1] + 1.0)
    z = dinv * (s2_ref[0] + s2_ref[1] + u_ref[...]) + b2_ref[...]
    o_ref[...] = jax.nn.sigmoid(z)


def kernel(x, edge_index, W1, b1, W2, b2):
    ei4 = edge_index.astype(jnp.int32).reshape(2, NW, K, CH)
    zeros64 = jnp.zeros((NPAD, D_HID), jnp.float32)
    zeros1 = jnp.zeros((NPAD,), jnp.float32)
    ones128 = jnp.ones((128,), jnp.float32)

    deg2 = _sc_degree(ei4, ones128, zeros1)

    g1 = pl.pallas_call(
        _tc1_body,
        grid=(_GRID,),
        in_specs=[
            pl.BlockSpec((NC, _BM), lambda i: (0, i)),
            pl.BlockSpec((_BM, D_IN), lambda i: (i, 0)),
            pl.BlockSpec((D_IN, D_HID), lambda i: (0, 0)),
        ],
        out_specs=pl.BlockSpec((_BM, D_HID), lambda i: (i, 0)),
        out_shape=jax.ShapeDtypeStruct((NPAD, D_HID), jnp.float32),
    )(deg2, x, W1)

    s64 = _sc_agg64(g1, ei4, zeros64)

    u = pl.pallas_call(
        _tc2_body,
        grid=(_GRID,),
        in_specs=[
            pl.BlockSpec((NC, _BM), lambda i: (0, i)),
            pl.BlockSpec((NC, _BM, D_HID), lambda i: (0, i, 0)),
            pl.BlockSpec((_BM, D_HID), lambda i: (i, 0)),
            pl.BlockSpec((D_HID, 1), lambda i: (0, 0)),
            pl.BlockSpec((1, D_HID), lambda i: (0, 0)),
        ],
        out_specs=pl.BlockSpec((_BM // 128, 128), lambda i: (i, 0)),
        out_shape=jax.ShapeDtypeStruct((NF, 128), jnp.float32),
    )(deg2, s64, g1, W2, b1.reshape(1, D_HID))

    s2 = _sc_agg1(u.reshape(NPAD), ei4, zeros1)

    outf = pl.pallas_call(
        _tc3_body,
        out_shape=jax.ShapeDtypeStruct((NF, 128), jnp.float32),
    )(deg2.reshape(NC, NF, 128), s2.reshape(NC, NF, 128), u, b2.reshape(1, 1))

    return outf.reshape(NPAD)[:N].reshape(N, 1)

# --- scband reference (transcript-rebuilt; emitter-appended) ---
"""Pipeline reference for scband-gcn-23545010717095 (READ-ONLY COPY).

The authoritative reference and input builder live on the scoring server;
editing this copy changes nothing except your own understanding.
"""

import jax, jax.numpy as jnp
import numpy as np

N_NODES = 10000
D_IN = 128
D_HID = 64
D_OUT = 1
N_EDGES = 320000


def gcn_conv(x, edge_index, W, b):
    n = x.shape[0]
    src = edge_index[0]
    dst = edge_index[1]
    # add self-loops (PyG GCNConv default)
    loop = jnp.arange(n, dtype=edge_index.dtype)
    src = jnp.concatenate([src, loop])
    dst = jnp.concatenate([dst, loop])
    # symmetric normalization deg^{-1/2} A_hat deg^{-1/2}
    deg = jnp.zeros((n,), dtype=x.dtype).at[dst].add(1.0)
    deg_inv_sqrt = jnp.where(deg > 0, jax.lax.rsqrt(deg), 0.0)
    norm = deg_inv_sqrt[src] * deg_inv_sqrt[dst]
    # linear transform then message passing (gather -> scale -> scatter-add)
    h = x @ W
    msg = h[src] * norm[:, None]
    out = jnp.zeros((n, W.shape[1]), dtype=x.dtype).at[dst].add(msg)
    return out + b


def setup_inputs(seed: int = 0) -> dict:
    key = jax.random.key(seed)
    k_x, k_e, k_w1, k_b1, k_w2, k_b2 = jax.random.split(key, 6)
    x = jax.random.normal(k_x, (N_NODES, D_IN), dtype=jnp.float32)
    edge_index = jax.random.randint(k_e, (2, N_EDGES), 0, N_NODES, dtype=jnp.int64)
    # glorot-style init for GCNConv weights, zeros for bias (PyG defaults)
    s1 = float(np.sqrt(6.0 / (D_IN + D_HID)))
    W1 = jax.random.uniform(k_w1, (D_IN, D_HID), dtype=jnp.float32, minval=-s1, maxval=s1)
    b1 = jnp.zeros((D_HID,), dtype=jnp.float32)
    s2 = float(np.sqrt(6.0 / (D_HID + D_OUT)))
    W2 = jax.random.uniform(k_w2, (D_HID, D_OUT), dtype=jnp.float32, minval=-s2, maxval=s2)
    b2 = jnp.zeros((D_OUT,), dtype=jnp.float32)
    return {"x": x, "edge_index": edge_index, "W1": W1, "b1": b1, "W2": W2, "b2": b2}


def reference(x, edge_index, W1, b1, W2, b2):
    h = jax.nn.relu(gcn_conv(x, edge_index, W1, b1))
    h = gcn_conv(h, edge_index, W2, b2)
    return jax.nn.sigmoid(h)

if __name__ == "__main__":
    import jax
    _d = setup_inputs()
    print(jax.jit(kernel)(*tuple(_d.values())))

</pallas_src>

<mosaic_0001>
#map = affine_map<(d0, d1) -> (0, 0)>
#map1 = affine_map<(d0, d1) -> (0, 0, 0, 0)>
#map2 = affine_map<(d0, d1) -> (0, 0, 0)>
module attributes {stable_mosaic.version = 14 : i64} {
  func.func @_sc_agg64(%arg0: i32, %arg1: i32, %arg2: memref<10240x64xf32, #tpu.memory_space<hbm>>, %arg3: memref<2x32x80x125xi32, #tpu.memory_space<hbm>>, %arg4: memref<10240x64xf32, #tpu.memory_space<hbm>>, %arg5: memref<2x10240x64xf32, #tpu.memory_space<hbm>>, %arg6: memref<80x125xi32, #tpu.memory_space<vmem>>, %arg7: memref<80x125xi32, #tpu.memory_space<vmem>>, %arg8: memref<125x64xf32, #tpu.memory_space<vmem>>, %arg9: memref<125x64xf32, #tpu.memory_space<vmem>>, %arg10: memref<125x64xf32, #tpu.memory_space<vmem>>, %arg11: memref<125x64xf32, #tpu.memory_space<vmem>>, %arg12: memref<125x64xf32, #tpu.memory_space<vmem>>, %arg13: memref<125x64xf32, #tpu.memory_space<vmem>>, %arg14: memref<125x64xf32, #tpu.memory_space<vmem>>, %arg15: memref<125x64xf32, #tpu.memory_space<vmem>>, %arg16: memref<!tpu.dma_semaphore, #tpu.memory_space<semaphore_mem>>, %arg17: memref<!tpu.dma_semaphore, #tpu.memory_space<semaphore_mem>>, %arg18: memref<!tpu.dma_semaphore, #tpu.memory_space<semaphore_mem>>, %arg19: memref<!tpu.dma_semaphore, #tpu.memory_space<semaphore_mem>>, %arg20: memref<!tpu.dma_semaphore, #tpu.memory_space<semaphore_mem>>, %arg21: memref<!tpu.dma_semaphore, #tpu.memory_space<semaphore_mem>>, %arg22: memref<!tpu.dma_semaphore, #tpu.memory_space<semaphore_mem>>, %arg23: memref<!tpu.dma_semaphore, #tpu.memory_space<semaphore_mem>>, %arg24: memref<!tpu.dma_semaphore, #tpu.memory_space<semaphore_mem>>, %arg25: memref<!tpu.dma_semaphore, #tpu.memory_space<semaphore_mem>>, %arg26: memref<!tpu.dma_semaphore, #tpu.memory_space<semaphore_mem>>, %arg27: memref<!tpu.dma_semaphore, #tpu.memory_space<semaphore_mem>>, %arg28: memref<!tpu.dma_semaphore, #tpu.memory_space<semaphore_mem>>, %arg29: memref<!tpu.dma_semaphore, #tpu.memory_space<semaphore_mem>>, %arg30: memref<!tpu.dma_semaphore, #tpu.memory_space<semaphore_mem>>, %arg31: memref<!tpu.dma_semaphore, #tpu.memory_space<semaphore_mem>>, %arg32: memref<10240x64xf32, #tpu.memory_space<vmem_shared>>) attributes {dimension_semantics = [#tpu.dimension_semantics<core_parallel>, #tpu.dimension_semantics<subcore_parallel>], iteration_bounds = array<i64: 2, 16>, scalar_prefetch = 0 : i64, scratch_operands = 27 : i64, tpu.core_type = #tpu.core_type<sc_vector_subcore>, window_params = [{transform_indices = #map}, {transform_indices = #map1}, {transform_indices = #map}, {transform_indices = #map2}]} {
    %mul3A = arith.constant 2 : i32
    %mul3A_0 = arith.muli %arg1, %mul3A : i32
    %add3A = arith.addi %mul3A_0, %arg0 : i32
    %run_scoped3A = arith.constant 0 : i32
    "tpu.region"() ({
      %run_scoped3A_126 = tpu.sem_alloc : memref<!tpu.dma_semaphore, #tpu.memory_space<semaphore_mem>>
      %dma_start3A_127 = arith.constant 0 : i32
      %dma_start3A_128 = arith.constant 0 : i32
      %dma_start3A_129 = tpu.memref_slice %arg3[%run_scoped3A, %add3A, %dma_start3A_127, %dma_start3A_128] : memref<2x32x80x125xi32, #tpu.memory_space<hbm>> -> memref<1x1x80x125xi32, #tpu.memory_space<hbm>>
      %dma_start3A_130 = tpu.memref_squeeze %dma_start3A_129 : memref<1x1x80x125xi32, #tpu.memory_space<hbm>> -> memref<80x125xi32, #tpu.memory_space<hbm>>
      %dma_start3A_131 = arith.constant 0 : i32
      %dma_start3A_132 = arith.constant 0 : i32
      %dma_start3A_133 = tpu.memref_slice %arg3[%run_scoped3A, %add3A, %dma_start3A_131, %dma_start3A_132] : memref<2x32x80x125xi32, #tpu.memory_space<hbm>> -> memref<1x1x80x125xi32, #tpu.memory_space<hbm>>
      %dma_start3A_134 = tpu.memref_squeeze %dma_start3A_133 : memref<1x1x80x125xi32, #tpu.memory_space<hbm>> -> memref<80x125xi32, #tpu.memory_space<hbm>>
      tpu.enqueue_dma source(%dma_start3A_134 : memref<80x125xi32, #tpu.memory_space<hbm>>) target(%arg6 : memref<80x125xi32, #tpu.memory_space<vmem>>) target_semaphore(%run_scoped3A_126 : memref<!tpu.dma_semaphore, #tpu.memory_space<semaphore_mem>>)
      %dma_wait3A_135 = arith.constant 0 : i32
      %dma_wait3A_136 = arith.constant 0 : i32
      %dma_wait3A_137 = tpu.memref_slice %arg3[%run_scoped3A, %add3A, %dma_wait3A_135, %dma_wait3A_136] : memref<2x32x80x125xi32, #tpu.memory_space<hbm>> -> memref<1x1x80x125xi32, #tpu.memory_space<hbm>>
      %dma_wait3A_138 = tpu.memref_squeeze %dma_wait3A_137 : memref<1x1x80x125xi32, #tpu.memory_space<hbm>> -> memref<80x125xi32, #tpu.memory_space<hbm>>
      %dma_wait3A_139 = arith.constant 0 : i32
      %dma_wait3A_140 = arith.constant 0 : i32
      %dma_wait3A_141 = tpu.memref_slice %arg3[%run_scoped3A, %add3A, %dma_wait3A_139, %dma_wait3A_140] : memref<2x32x80x125xi32, #tpu.memory_space<hbm>> -> memref<1x1x80x125xi32, #tpu.memory_space<hbm>>
      %dma_wait3A_142 = tpu.memref_squeeze %dma_wait3A_141 : memref<1x1x80x125xi32, #tpu.memory_space<hbm>> -> memref<80x125xi32, #tpu.memory_space<hbm>>
      tpu.wait_dma2 semaphore(%run_scoped3A_126 : memref<!tpu.dma_semaphore, #tpu.memory_space<semaphore_mem>>) src(%dma_wait3A_142 : memref<80x125xi32, #tpu.memory_space<hbm>>) dst(%arg6 : memref<80x125xi32, #tpu.memory_space<vmem>>)
      tpu.yield
    }) : () -> ()
    %run_scoped3A_1 = arith.constant 1 : i32
    "tpu.region"() ({
      %run_scoped3A_126 = tpu.sem_alloc : memref<!tpu.dma_semaphore, #tpu.memory_space<semaphore_mem>>
      %dma_start3A_127 = arith.constant 0 : i32
      %dma_start3A_128 = arith.constant 0 : i32
      %dma_start3A_129 = tpu.memref_slice %arg3[%run_scoped3A_1, %add3A, %dma_start3A_127, %dma_start3A_128] : memref<2x32x80x125xi32, #tpu.memory_space<hbm>> -> memref<1x1x80x125xi32, #tpu.memory_space<hbm>>
      %dma_start3A_130 = tpu.memref_squeeze %dma_start3A_129 : memref<1x1x80x125xi32, #tpu.memory_space<hbm>> -> memref<80x125xi32, #tpu.memory_space<hbm>>
      %dma_start3A_131 = arith.constant 0 : i32
      %dma_start3A_132 = arith.constant 0 : i32
      %dma_start3A_133 = tpu.memref_slice %arg3[%run_scoped3A_1, %add3A, %dma_start3A_131, %dma_start3A_132] : memref<2x32x80x125xi32, #tpu.memory_space<hbm>> -> memref<1x1x80x125xi32, #tpu.memory_space<hbm>>
      %dma_start3A_134 = tpu.memref_squeeze %dma_start3A_133 : memref<1x1x80x125xi32, #tpu.memory_space<hbm>> -> memref<80x125xi32, #tpu.memory_space<hbm>>
      tpu.enqueue_dma source(%dma_start3A_134 : memref<80x125xi32, #tpu.memory_space<hbm>>) target(%arg7 : memref<80x125xi32, #tpu.memory_space<vmem>>) target_semaphore(%run_scoped3A_126 : memref<!tpu.dma_semaphore, #tpu.memory_space<semaphore_mem>>)
      %dma_wait3A_135 = arith.constant 0 : i32
      %dma_wait3A_136 = arith.constant 0 : i32
      %dma_wait3A_137 = tpu.memref_slice %arg3[%run_scoped3A_1, %add3A, %dma_wait3A_135, %dma_wait3A_136] : memref<2x32x80x125xi32, #tpu.memory_space<hbm>> -> memref<1x1x80x125xi32, #tpu.memory_space<hbm>>
      %dma_wait3A_138 = tpu.memref_squeeze %dma_wait3A_137 : memref<1x1x80x125xi32, #tpu.memory_space<hbm>> -> memref<80x125xi32, #tpu.memory_space<hbm>>
      %dma_wait3A_139 = arith.constant 0 : i32
      %dma_wait3A_140 = arith.constant 0 : i32
      %dma_wait3A_141 = tpu.memref_slice %arg3[%run_scoped3A_1, %add3A, %dma_wait3A_139, %dma_wait3A_140] : memref<2x32x80x125xi32, #tpu.memory_space<hbm>> -> memref<1x1x80x125xi32, #tpu.memory_space<hbm>>
      %dma_wait3A_142 = tpu.memref_squeeze %dma_wait3A_141 : memref<1x1x80x125xi32, #tpu.memory_space<hbm>> -> memref<80x125xi32, #tpu.memory_space<hbm>>
      tpu.wait_dma2 semaphore(%run_scoped3A_126 : memref<!tpu.dma_semaphore, #tpu.memory_space<semaphore_mem>>) src(%dma_wait3A_142 : memref<80x125xi32, #tpu.memory_space<hbm>>) dst(%arg7 : memref<80x125xi32, #tpu.memory_space<vmem>>)
      tpu.yield
    }) : () -> ()
    %mul3A_2 = arith.constant 640 : i32
    %mul3A_3 = arith.muli %arg1, %mul3A_2 : i32
    %mul3A_4 = arith.constant 640 : i32
    %mul3A_5 = arith.muli %arg1, %mul3A_4 : i32
    "tpu.region"() ({
      %run_scoped3A_126 = tpu.sem_alloc : memref<!tpu.dma_semaphore, #tpu.memory_space<semaphore_mem>>
      %dma_start3A_127 = arith.constant 0 : i32
      %dma_start3A_128 = tpu.memref_slice %arg32[%mul3A_5, %dma_start3A_127] : memref<10240x64xf32, #tpu.memory_space<vmem_shared>> -> memref<640x64xf32, #tpu.memory_space<vmem_shared>>
      %dma_start3A_129 = arith.constant 0 : i32
      %dma_start3A_130 = tpu.memref_slice %arg4[%mul3A_3, %dma_start3A_129] : memref<10240x64xf32, #tpu.memory_space<hbm>> -> memref<640x64xf32, #tpu.memory_space<hbm>>
      tpu.enqueue_dma source(%dma_start3A_130 : memref<640x64xf32, #tpu.memory_space<hbm>>) target(%dma_start3A_128 : memref<640x64xf32, #tpu.memory_space<vmem_shared>>) target_semaphore(%run_scoped3A_126 : memref<!tpu.dma_semaphore, #tpu.memory_space<semaphore_mem>>)
      %dma_wait3A_131 = arith.constant 0 : i32
      %dma_wait3A_132 = tpu.memref_slice %arg32[%mul3A_5, %dma_wait3A_131] : memref<10240x64xf32, #tpu.memory_space<vmem_shared>> -> memref<640x64xf32, #tpu.memory_space<vmem_shared>>
      %dma_wait3A_133 = arith.constant 0 : i32
      %dma_wait3A_134 = tpu.memref_slice %arg4[%mul3A_3, %dma_wait3A_133] : memref<10240x64xf32, #tpu.memory_space<hbm>> -> memref<640x64xf32, #tpu.memory_space<hbm>>
      tpu.wait_dma2 semaphore(%run_scoped3A_126 : memref<!tpu.dma_semaphore, #tpu.memory_space<semaphore_mem>>) src(%dma_wait3A_134 : memref<640x64xf32, #tpu.memory_space<hbm>>) dst(%dma_wait3A_132 : memref<640x64xf32, #tpu.memory_space<vmem_shared>>)
      tpu.yield
    }) : () -> ()
    %barrier3A = arith.constant 0 : index
    tpu.barrier barrier_id(%barrier3A)
    %dma_start3A = arith.constant 0 : i32
    %dma_start3A_6 = arith.constant 0 : i32
    %dma_start3A_7 = tpu.memref_slice %arg6[%dma_start3A, %dma_start3A_6] : memref<80x125xi32, #tpu.memory_space<vmem>> -> memref<1x125xi32, #tpu.memory_space<vmem>>
    %dma_start3A_8 = tpu.memref_squeeze %dma_start3A_7 : memref<1x125xi32, #tpu.memory_space<vmem>> -> memref<125xi32, #tpu.memory_space<vmem>>
    %dma_start3A_9 = arith.constant 0 : i32
    %dma_start3A_10 = arith.constant 0 : i32
    %dma_start3A_11 = tpu.memref_slice %arg2[%dma_start3A_9, %dma_start3A_10] : memref<10240x64xf32, #tpu.memory_space<hbm>> -> memref<10240x64xf32, #tpu.memory_space<hbm>>
    tpu.enqueue_indirect_dma source(%dma_start3A_11 : memref<10240x64xf32, #tpu.memory_space<hbm>>) target(%arg8 : memref<125x64xf32, #tpu.memory_space<vmem>>) offsets(%dma_start3A_8 : memref<125xi32, #tpu.memory_space<vmem>>) semaphore(%arg16 : memref<!tpu.dma_semaphore, #tpu.memory_space<semaphore_mem>>)
    %dma_start3A_12 = arith.constant 1 : i32
    %dma_start3A_13 = arith.constant 0 : i32
    %dma_start3A_14 = tpu.memref_slice %arg6[%dma_start3A_12, %dma_start3A_13] : memref<80x125xi32, #tpu.memory_space<vmem>> -> memref<1x125xi32, #tpu.memory_space<vmem>>
    %dma_start3A_15 = tpu.memref_squeeze %dma_start3A_14 : memref<1x125xi32, #tpu.memory_space<vmem>> -> memref<125xi32, #tpu.memory_space<vmem>>
    %dma_start3A_16 = arith.constant 0 : i32
    %dma_start3A_17 = arith.constant 0 : i32
    %dma_start3A_18 = tpu.memref_slice %arg2[%dma_start3A_16, %dma_start3A_17] : memref<10240x64xf32, #tpu.memory_space<hbm>> -> memref<10240x64xf32, #tpu.memory_space<hbm>>
    tpu.enqueue_indirect_dma source(%dma_start3A_18 : memref<10240x64xf32, #tpu.memory_space<hbm>>) target(%arg9 : memref<125x64xf32, #tpu.memory_space<vmem>>) offsets(%dma_start3A_15 : memref<125xi32, #tpu.memory_space<vmem>>) semaphore(%arg17 : memref<!tpu.dma_semaphore, #tpu.memory_space<semaphore_mem>>)
    %dma_start3A_19 = arith.constant 2 : i32
    %dma_start3A_20 = arith.constant 0 : i32
    %dma_start3A_21 = tpu.memref_slice %arg6[%dma_start3A_19, %dma_start3A_20] : memref<80x125xi32, #tpu.memory_space<vmem>> -> memref<1x125xi32, #tpu.memory_space<vmem>>
    %dma_start3A_22 = tpu.memref_squeeze %dma_start3A_21 : memref<1x125xi32, #tpu.memory_space<vmem>> -> memref<125xi32, #tpu.memory_space<vmem>>
    %dma_start3A_23 = arith.constant 0 : i32
    %dma_start3A_24 = arith.constant 0 : i32
    %dma_start3A_25 = tpu.memref_slice %arg2[%dma_start3A_23, %dma_start3A_24] : memref<10240x64xf32, #tpu.memory_space<hbm>> -> memref<10240x64xf32, #tpu.memory_space<hbm>>
    tpu.enqueue_indirect_dma source(%dma_start3A_25 : memref<10240x64xf32, #tpu.memory_space<hbm>>) target(%arg10 : memref<125x64xf32, #tpu.memory_space<vmem>>) offsets(%dma_start3A_22 : memref<125xi32, #tpu.memory_space<vmem>>) semaphore(%arg18 : memref<!tpu.dma_semaphore, #tpu.memory_space<semaphore_mem>>)
    %dma_start3A_26 = arith.constant 3 : i32
    %dma_start3A_27 = arith.constant 0 : i32
    %dma_start3A_28 = tpu.memref_slice %arg6[%dma_start3A_26, %dma_start3A_27] : memref<80x125xi32, #tpu.memory_space<vmem>> -> memref<1x125xi32, #tpu.memory_space<vmem>>
    %dma_start3A_29 = tpu.memref_squeeze %dma_start3A_28 : memref<1x125xi32, #tpu.memory_space<vmem>> -> memref<125xi32, #tpu.memory_space<vmem>>
    %dma_start3A_30 = arith.constant 0 : i32
    %dma_start3A_31 = arith.constant 0 : i32
    %dma_start3A_32 = tpu.memref_slice %arg2[%dma_start3A_30, %dma_start3A_31] : memref<10240x64xf32, #tpu.memory_space<hbm>> -> memref<10240x64xf32, #tpu.memory_space<hbm>>
    tpu.enqueue_indirect_dma source(%dma_start3A_32 : memref<10240x64xf32, #tpu.memory_space<hbm>>) target(%arg11 : memref<125x64xf32, #tpu.memory_space<vmem>>) offsets(%dma_start3A_29 : memref<125xi32, #tpu.memory_space<vmem>>) semaphore(%arg19 : memref<!tpu.dma_semaphore, #tpu.memory_space<semaphore_mem>>)
    %dma_start3A_33 = arith.constant 4 : i32
    %dma_start3A_34 = arith.constant 0 : i32
    %dma_start3A_35 = tpu.memref_slice %arg6[%dma_start3A_33, %dma_start3A_34] : memref<80x125xi32, #tpu.memory_space<vmem>> -> memref<1x125xi32, #tpu.memory_space<vmem>>
    %dma_start3A_36 = tpu.memref_squeeze %dma_start3A_35 : memref<1x125xi32, #tpu.memory_space<vmem>> -> memref<125xi32, #tpu.memory_space<vmem>>
    %dma_start3A_37 = arith.constant 0 : i32
    %dma_start3A_38 = arith.constant 0 : i32
    %dma_start3A_39 = tpu.memref_slice %arg2[%dma_start3A_37, %dma_start3A_38] : memref<10240x64xf32, #tpu.memory_space<hbm>> -> memref<10240x64xf32, #tpu.memory_space<hbm>>
    tpu.enqueue_indirect_dma source(%dma_start3A_39 : memref<10240x64xf32, #tpu.memory_space<hbm>>) target(%arg12 : memref<125x64xf32, #tpu.memory_space<vmem>>) offsets(%dma_start3A_36 : memref<125xi32, #tpu.memory_space<vmem>>) semaphore(%arg20 : memref<!tpu.dma_semaphore, #tpu.memory_space<semaphore_mem>>)
    %dma_start3A_40 = arith.constant 5 : i32
    %dma_start3A_41 = arith.constant 0 : i32
    %dma_start3A_42 = tpu.memref_slice %arg6[%dma_start3A_40, %dma_start3A_41] : memref<80x125xi32, #tpu.memory_space<vmem>> -> memref<1x125xi32, #tpu.memory_space<vmem>>
    %dma_start3A_43 = tpu.memref_squeeze %dma_start3A_42 : memref<1x125xi32, #tpu.memory_space<vmem>> -> memref<125xi32, #tpu.memory_space<vmem>>
    %dma_start3A_44 = arith.constant 0 : i32
    %dma_start3A_45 = arith.constant 0 : i32
    %dma_start3A_46 = tpu.memref_slice %arg2[%dma_start3A_44, %dma_start3A_45] : memref<10240x64xf32, #tpu.memory_space<hbm>> -> memref<10240x64xf32, #tpu.memory_space<hbm>>
    tpu.enqueue_indirect_dma source(%dma_start3A_46 : memref<10240x64xf32, #tpu.memory_space<hbm>>) target(%arg13 : memref<125x64xf32, #tpu.memory_space<vmem>>) offsets(%dma_start3A_43 : memref<125xi32, #tpu.memory_space<vmem>>) semaphore(%arg21 : memref<!tpu.dma_semaphore, #tpu.memory_space<semaphore_mem>>)
    %dma_start3A_47 = arith.constant 6 : i32
    %dma_start3A_48 = arith.constant 0 : i32
    %dma_start3A_49 = tpu.memref_slice %arg6[%dma_start3A_47, %dma_start3A_48] : memref<80x125xi32, #tpu.memory_space<vmem>> -> memref<1x125xi32, #tpu.memory_space<vmem>>
    %dma_start3A_50 = tpu.memref_squeeze %dma_start3A_49 : memref<1x125xi32, #tpu.memory_space<vmem>> -> memref<125xi32, #tpu.memory_space<vmem>>
    %dma_start3A_51 = arith.constant 0 : i32
    %dma_start3A_52 = arith.constant 0 : i32
    %dma_start3A_53 = tpu.memref_slice %arg2[%dma_start3A_51, %dma_start3A_52] : memref<10240x64xf32, #tpu.memory_space<hbm>> -> memref<10240x64xf32, #tpu.memory_space<hbm>>
    tpu.enqueue_indirect_dma source(%dma_start3A_53 : memref<10240x64xf32, #tpu.memory_space<hbm>>) target(%arg14 : memref<125x64xf32, #tpu.memory_space<vmem>>) offsets(%dma_start3A_50 : memref<125xi32, #tpu.memory_space<vmem>>) semaphore(%arg22 : memref<!tpu.dma_semaphore, #tpu.memory_space<semaphore_mem>>)
    %dma_start3A_54 = arith.constant 7 : i32
    %dma_start3A_55 = arith.constant 0 : i32
    %dma_start3A_56 = tpu.memref_slice %arg6[%dma_start3A_54, %dma_start3A_55] : memref<80x125xi32, #tpu.memory_space<vmem>> -> memref<1x125xi32, #tpu.memory_space<vmem>>
    %dma_start3A_57 = tpu.memref_squeeze %dma_start3A_56 : memref<1x125xi32, #tpu.memory_space<vmem>> -> memref<125xi32, #tpu.memory_space<vmem>>
    %dma_start3A_58 = arith.constant 0 : i32
    %dma_start3A_59 = arith.constant 0 : i32
    %dma_start3A_60 = tpu.memref_slice %arg2[%dma_start3A_58, %dma_start3A_59] : memref<10240x64xf32, #tpu.memory_space<hbm>> -> memref<10240x64xf32, #tpu.memory_space<hbm>>
    tpu.enqueue_indirect_dma source(%dma_start3A_60 : memref<10240x64xf32, #tpu.memory_space<hbm>>) target(%arg15 : memref<125x64xf32, #tpu.memory_space<vmem>>) offsets(%dma_start3A_57 : memref<125xi32, #tpu.memory_space<vmem>>) semaphore(%arg23 : memref<!tpu.dma_semaphore, #tpu.memory_space<semaphore_mem>>)
    %scan3A = arith.constant 0 : i32
    %scan3A_61 = arith.constant 0 : i32
    %scan3A_62 = arith.constant 10 : i32
    %scan3A_63 = arith.addi %scan3A_61, %scan3A_62 : i32
    %scan3A_64 = arith.constant 1 : i32
    scf.for %scan3A_126 = %scan3A_61 to %scan3A_63 step %scan3A_64  : i32 {
      %mul3A_127 = arith.constant 8 : i32
      %mul3A_128 = arith.muli %mul3A_127, %scan3A_126 : i32
      %add3A_129 = arith.constant 0 : i32
      %add3A_130 = arith.addi %mul3A_128, %add3A_129 : i32
      %dma_wait3A_131 = arith.constant 0 : i32
      %dma_wait3A_132 = tpu.memref_slice %arg6[%add3A_130, %dma_wait3A_131] : memref<80x125xi32, #tpu.memory_space<vmem>> -> memref<1x125xi32, #tpu.memory_space<vmem>>
      %dma_wait3A_133 = tpu.memref_squeeze %dma_wait3A_132 : memref<1x125xi32, #tpu.memory_space<vmem>> -> memref<125xi32, #tpu.memory_space<vmem>>
      %dma_wait3A_134 = arith.constant 0 : i32
      %dma_wait3A_135 = arith.constant 0 : i32
      %dma_wait3A_136 = tpu.memref_slice %arg2[%dma_wait3A_134, %dma_wait3A_135] : memref<10240x64xf32, #tpu.memory_space<hbm>> -> memref<10240x64xf32, #tpu.memory_space<hbm>>
      tpu.wait_indirect_dma semaphore(%arg16 : memref<!tpu.dma_semaphore, #tpu.memory_space<semaphore_mem>>) src(%dma_wait3A_136 : memref<10240x64xf32, #tpu.memory_space<hbm>>) dst(%arg8 : memref<125x64xf32, #tpu.memory_space<vmem>>)
      %dma_start3A_137 = arith.constant 0 : i32
      %dma_start3A_138 = tpu.memref_slice %arg7[%add3A_130, %dma_start3A_137] : memref<80x125xi32, #tpu.memory_space<vmem>> -> memref<1x125xi32, #tpu.memory_space<vmem>>
      %dma_start3A_139 = tpu.memref_squeeze %dma_start3A_138 : memref<1x125xi32, #tpu.memory_space<vmem>> -> memref<125xi32, #tpu.memory_space<vmem>>
      %dma_start3A_140 = arith.constant 0 : i32
      %dma_start3A_141 = arith.constant 0 : i32
      %dma_start3A_142 = tpu.memref_slice %arg32[%dma_start3A_140, %dma_start3A_141] : memref<10240x64xf32, #tpu.memory_space<vmem_shared>> -> memref<10240x64xf32, #tpu.memory_space<vmem_shared>>
      tpu.enqueue_indirect_dma source(%arg8 : memref<125x64xf32, #tpu.memory_space<vmem>>) target(%dma_start3A_142 : memref<10240x64xf32, #tpu.memory_space<vmem_shared>>) offsets(%dma_start3A_139 : memref<125xi32, #tpu.memory_space<vmem>>) semaphore(%arg24 : memref<!tpu.dma_semaphore, #tpu.memory_space<semaphore_mem>>) {add = true}
      %add3A_143 = arith.constant 8 : i32
      %add3A_144 = arith.addi %add3A_130, %add3A_143 : i32
      %lt3A = arith.constant 80 : i32
      %lt3A_145 = arith.cmpi slt, %add3A_144, %lt3A : i32
      %convert_element_type3A = arith.extui %lt3A_145 : i1 to i32
      %cond3A = arith.constant 0 : i32
      %cond3A_146 = arith.cmpi ne, %convert_element_type3A, %cond3A : i32
      scf.if %cond3A_146 {
        %dma_wait3A_308 = arith.constant 0 : i32
        %dma_wait3A_309 = tpu.memref_slice %arg7[%add3A_130, %dma_wait3A_308] : memref<80x125xi32, #tpu.memory_space<vmem>> -> memref<1x125xi32, #tpu.memory_space<vmem>>
        %dma_wait3A_310 = tpu.memref_squeeze %dma_wait3A_309 : memref<1x125xi32, #tpu.memory_space<vmem>> -> memref<125xi32, #tpu.memory_space<vmem>>
        %dma_wait3A_311 = arith.constant 0 : i32
        %dma_wait3A_312 = arith.constant 0 : i32
        %dma_wait3A_313 = tpu.memref_slice %arg32[%dma_wait3A_311, %dma_wait3A_312] : memref<10240x64xf32, #tpu.memory_space<vmem_shared>> -> memref<10240x64xf32, #tpu.memory_space<vmem_shared>>
        tpu.wait_indirect_dma semaphore(%arg24 : memref<!tpu.dma_semaphore, #tpu.memory_space<semaphore_mem>>) src(%arg8 : memref<125x64xf32, #tpu.memory_space<vmem>>) dst(%dma_wait3A_313 : memref<10240x64xf32, #tpu.memory_space<vmem_shared>>)
        %add3A_314 = arith.constant 8 : i32
        %add3A_315 = arith.addi %add3A_130, %add3A_314 : i32
        %dma_start3A_316 = arith.constant 0 : i32
        %dma_start3A_317 = tpu.memref_slice %arg6[%add3A_315, %dma_start3A_316] : memref<80x125xi32, #tpu.memory_space<vmem>> -> memref<1x125xi32, #tpu.memory_space<vmem>>
        %dma_start3A_318 = tpu.memref_squeeze %dma_start3A_317 : memref<1x125xi32, #tpu.memory_space<vmem>> -> memref<125xi32, #tpu.memory_space<vmem>>
        %dma_start3A_319 = arith.constant 0 : i32
        %dma_start3A_320 = arith.constant 0 : i32
        %dma_start3A_321 = tpu.memref_slice %arg2[%dma_start3A_319, %dma_start3A_320] : memref<10240x64xf32, #tpu.memory_space<hbm>> -> memref<10240x64xf32, #tpu.memory_space<hbm>>
        tpu.enqueue_indirect_dma source(%dma_start3A_321 : memref<10240x64xf32, #tpu.memory_space<hbm>>) target(%arg8 : memref<125x64xf32, #tpu.memory_space<vmem>>) offsets(%dma_start3A_318 : memref<125xi32, #tpu.memory_space<vmem>>) semaphore(%arg16 : memref<!tpu.dma_semaphore, #tpu.memory_space<semaphore_mem>>)
      } else {
      }
      %mul3A_147 = arith.constant 8 : i32
      %mul3A_148 = arith.muli %mul3A_147, %scan3A_126 : i32
      %add3A_149 = arith.constant 1 : i32
      %add3A_150 = arith.addi %mul3A_148, %add3A_149 : i32
      %dma_wait3A_151 = arith.constant 0 : i32
      %dma_wait3A_152 = tpu.memref_slice %arg6[%add3A_150, %dma_wait3A_151] : memref<80x125xi32, #tpu.memory_space<vmem>> -> memref<1x125xi32, #tpu.memory_space<vmem>>
      %dma_wait3A_153 = tpu.memref_squeeze %dma_wait3A_152 : memref<1x125xi32, #tpu.memory_space<vmem>> -> memref<125xi32, #tpu.memory_space<vmem>>
      %dma_wait3A_154 = arith.constant 0 : i32
      %dma_wait3A_155 = arith.constant 0 : i32
      %dma_wait3A_156 = tpu.memref_slice %arg2[%dma_wait3A_154, %dma_wait3A_155] : memref<10240x64xf32, #tpu.memory_space<hbm>> -> memref<10240x64xf32, #tpu.memory_space<hbm>>
      tpu.wait_indirect_dma semaphore(%arg17 : memref<!tpu.dma_semaphore, #tpu.memory_space<semaphore_mem>>) src(%dma_wait3A_156 : memref<10240x64xf32, #tpu.memory_space<hbm>>) dst(%arg9 : memref<125x64xf32, #tpu.memory_space<vmem>>)
      %dma_start3A_157 = arith.constant 0 : i32
      %dma_start3A_158 = tpu.memref_slice %arg7[%add3A_150, %dma_start3A_157] : memref<80x125xi32, #tpu.memory_space<vmem>> -> memref<1x125xi32, #tpu.memory_space<vmem>>
      %dma_start3A_159 = tpu.memref_squeeze %dma_start3A_158 : memref<1x125xi32, #tpu.memory_space<vmem>> -> memref<125xi32, #tpu.memory_space<vmem>>
      %dma_start3A_160 = arith.constant 0 : i32
      %dma_start3A_161 = arith.constant 0 : i32
      %dma_start3A_162 = tpu.memref_slice %arg32[%dma_start3A_160, %dma_start3A_161] : memref<10240x64xf32, #tpu.memory_space<vmem_shared>> -> memref<10240x64xf32, #tpu.memory_space<vmem_shared>>
      tpu.enqueue_indirect_dma source(%arg9 : memref<125x64xf32, #tpu.memory_space<vmem>>) target(%dma_start3A_162 : memref<10240x64xf32, #tpu.memory_space<vmem_shared>>) offsets(%dma_start3A_159 : memref<125xi32, #tpu.memory_space<vmem>>) semaphore(%arg25 : memref<!tpu.dma_semaphore, #tpu.memory_space<semaphore_mem>>) {add = true}
      %add3A_163 = arith.constant 8 : i32
      %add3A_164 = arith.addi %add3A_150, %add3A_163 : i32
      %lt3A_165 = arith.constant 80 : i32
      %lt3A_166 = arith.cmpi slt, %add3A_164, %lt3A_165 : i32
      %convert_element_type3A_167 = arith.extui %lt3A_166 : i1 to i32
      %cond3A_168 = arith.constant 0 : i32
      %cond3A_169 = arith.cmpi ne, %convert_element_type3A_167, %cond3A_168 : i32
      scf.if %cond3A_169 {
        %dma_wait3A_308 = arith.constant 0 : i32
        %dma_wait3A_309 = tpu.memref_slice %arg7[%add3A_150, %dma_wait3A_308] : memref<80x125xi32, #tpu.memory_space<vmem>> -> memref<1x125xi32, #tpu.memory_space<vmem>>
        %dma_wait3A_310 = tpu.memref_squeeze %dma_wait3A_309 : memref<1x125xi32, #tpu.memory_space<vmem>> -> memref<125xi32, #tpu.memory_space<vmem>>
        %dma_wait3A_311 = arith.constant 0 : i32
        %dma_wait3A_312 = arith.constant 0 : i32
        %dma_wait3A_313 = tpu.memref_slice %arg32[%dma_wait3A_311, %dma_wait3A_312] : memref<10240x64xf32, #tpu.memory_space<vmem_shared>> -> memref<10240x64xf32, #tpu.memory_space<vmem_shared>>
        tpu.wait_indirect_dma semaphore(%arg25 : memref<!tpu.dma_semaphore, #tpu.memory_space<semaphore_mem>>) src(%arg9 : memref<125x64xf32, #tpu.memory_space<vmem>>) dst(%dma_wait3A_313 : memref<10240x64xf32, #tpu.memory_space<vmem_shared>>)
        %add3A_314 = arith.constant 8 : i32
        %add3A_315 = arith.addi %add3A_150, %add3A_314 : i32
        %dma_start3A_316 = arith.constant 0 : i32
        %dma_start3A_317 = tpu.memref_slice %arg6[%add3A_315, %dma_start3A_316] : memref<80x125xi32, #tpu.memory_space<vmem>> -> memref<1x125xi32, #tpu.memory_space<vmem>>
        %dma_start3A_318 = tpu.memref_squeeze %dma_start3A_317 : memref<1x125xi32, #tpu.memory_space<vmem>> -> memref<125xi32, #tpu.memory_space<vmem>>
        %dma_start3A_319 = arith.constant 0 : i32
        %dma_start3A_320 = arith.constant 0 : i32
        %dma_start3A_321 = tpu.memref_slice %arg2[%dma_start3A_319, %dma_start3A_320] : memref<10240x64xf32, #tpu.memory_space<hbm>> -> memref<10240x64xf32, #tpu.memory_space<hbm>>
        tpu.enqueue_indirect_dma source(%dma_start3A_321 : memref<10240x64xf32, #tpu.memory_space<hbm>>) target(%arg9 : memref<125x64xf32, #tpu.memory_space<vmem>>) offsets(%dma_start3A_318 : memref<125xi32, #tpu.memory_space<vmem>>) semaphore(%arg17 : memref<!tpu.dma_semaphore, #tpu.memory_space<semaphore_mem>>)
      } else {
      }
      %mul3A_170 = arith.constant 8 : i32
      %mul3A_171 = arith.muli %mul3A_170, %scan3A_126 : i32
      %add3A_172 = arith.constant 2 : i32
      %add3A_173 = arith.addi %mul3A_171, %add3A_172 : i32
      %dma_wait3A_174 = arith.constant 0 : i32
      %dma_wait3A_175 = tpu.memref_slice %arg6[%add3A_173, %dma_wait3A_174] : memref<80x125xi32, #tpu.memory_space<vmem>> -> memref<1x125xi32, #tpu.memory_space<vmem>>
      %dma_wait3A_176 = tpu.memref_squeeze %dma_wait3A_175 : memref<1x125xi32, #tpu.memory_space<vmem>> -> memref<125xi32, #tpu.memory_space<vmem>>
      %dma_wait3A_177 = arith.constant 0 : i32
      %dma_wait3A_178 = arith.constant 0 : i32
      %dma_wait3A_179 = tpu.memref_slice %arg2[%dma_wait3A_177, %dma_wait3A_178] : memref<10240x64xf32, #tpu.memory_space<hbm>> -> memref<10240x64xf32, #tpu.memory_space<hbm>>
      tpu.wait_indirect_dma semaphore(%arg18 : memref<!tpu.dma_semaphore, #tpu.memory_space<semaphore_mem>>) src(%dma_wait3A_179 : memref<10240x64xf32, #tpu.memory_space<hbm>>) dst(%arg10 : memref<125x64xf32, #tpu.memory_space<vmem>>)
      %dma_start3A_180 = arith.constant 0 : i32
      %dma_start3A_181 = tpu.memref_slice %arg7[%add3A_173, %dma_start3A_180] : memref<80x125xi32, #tpu.memory_space<vmem>> -> memref<1x125xi32, #tpu.memory_space<vmem>>
      %dma_start3A_182 = tpu.memref_squeeze %dma_start3A_181 : memref<1x125xi32, #tpu.memory_space<vmem>> -> memref<125xi32, #tpu.memory_space<vmem>>
      %dma_start3A_183 = arith.constant 0 : i32
      %dma_start3A_184 = arith.constant 0 : i32
      %dma_start3A_185 = tpu.memref_slice %arg32[%dma_start3A_183, %dma_start3A_184] : memref<10240x64xf32, #tpu.memory_space<vmem_shared>> -> memref<10240x64xf32, #tpu.memory_space<vmem_shared>>
      tpu.enqueue_indirect_dma source(%arg10 : memref<125x64xf32, #tpu.memory_space<vmem>>) target(%dma_start3A_185 : memref<10240x64xf32, #tpu.memory_space<vmem_shared>>) offsets(%dma_start3A_182 : memref<125xi32, #tpu.memory_space<vmem>>) semaphore(%arg26 : memref<!tpu.dma_semaphore, #tpu.memory_space<semaphore_mem>>) {add = true}
      %add3A_186 = arith.constant 8 : i32
      %add3A_187 = arith.addi %add3A_173, %add3A_186 : i32
      %lt3A_188 = arith.constant 80 : i32
      %lt3A_189 = arith.cmpi slt, %add3A_187, %lt3A_188 : i32
      %convert_element_type3A_190 = arith.extui %lt3A_189 : i1 to i32
      %cond3A_191 = arith.constant 0 : i32
      %cond3A_192 = arith.cmpi ne, %convert_element_type3A_190, %cond3A_191 : i32
      scf.if %cond3A_192 {
        %dma_wait3A_308 = arith.constant 0 : i32
        %dma_wait3A_309 = tpu.memref_slice %arg7[%add3A_173, %dma_wait3A_308] : memref<80x125xi32, #tpu.memory_space<vmem>> -> memref<1x125xi32, #tpu.memory_space<vmem>>
        %dma_wait3A_310 = tpu.memref_squeeze %dma_wait3A_309 : memref<1x125xi32, #tpu.memory_space<vmem>> -> memref<125xi32, #tpu.memory_space<vmem>>
        %dma_wait3A_311 = arith.constant 0 : i32
        %dma_wait3A_312 = arith.constant 0 : i32
        %dma_wait3A_313 = tpu.memref_slice %arg32[%dma_wait3A_311, %dma_wait3A_312] : memref<10240x64xf32, #tpu.memory_space<vmem_shared>> -> memref<10240x64xf32, #tpu.memory_space<vmem_shared>>
        tpu.wait_indirect_dma semaphore(%arg26 : memref<!tpu.dma_semaphore, #tpu.memory_space<semaphore_mem>>) src(%arg10 : memref<125x64xf32, #tpu.memory_space<vmem>>) dst(%dma_wait3A_313 : memref<10240x64xf32, #tpu.memory_space<vmem_shared>>)
        %add3A_314 = arith.constant 8 : i32
        %add3A_315 = arith.addi %add3A_173, %add3A_314 : i32
        %dma_start3A_316 = arith.constant 0 : i32
        %dma_start3A_317 = tpu.memref_slice %arg6[%add3A_315, %dma_start3A_316] : memref<80x125xi32, #tpu.memory_space<vmem>> -> memref<1x125xi32, #tpu.memory_space<vmem>>
        %dma_start3A_318 = tpu.memref_squeeze %dma_start3A_317 : memref<1x125xi32, #tpu.memory_space<vmem>> -> memref<125xi32, #tpu.memory_space<vmem>>
        %dma_start3A_319 = arith.constant 0 : i32
        %dma_start3A_320 = arith.constant 0 : i32
        %dma_start3A_321 = tpu.memref_slice %arg2[%dma_start3A_319, %dma_start3A_320] : memref<10240x64xf32, #tpu.memory_space<hbm>> -> memref<10240x64xf32, #tpu.memory_space<hbm>>
        tpu.enqueue_indirect_dma source(%dma_start3A_321 : memref<10240x64xf32, #tpu.memory_space<hbm>>) target(%arg10 : memref<125x64xf32, #tpu.memory_space<vmem>>) offsets(%dma_start3A_318 : memref<125xi32, #tpu.memory_space<vmem>>) semaphore(%arg18 : memref<!tpu.dma_semaphore, #tpu.memory_space<semaphore_mem>>)
      } else {
      }
      %mul3A_193 = arith.constant 8 : i32
      %mul3A_194 = arith.muli %mul3A_193, %scan3A_126 : i32
      %add3A_195 = arith.constant 3 : i32
      %add3A_196 = arith.addi %mul3A_194, %add3A_195 : i32
      %dma_wait3A_197 = arith.constant 0 : i32
      %dma_wait3A_198 = tpu.memref_slice %arg6[%add3A_196, %dma_wait3A_197] : memref<80x125xi32, #tpu.memory_space<vmem>> -> memref<1x125xi32, #tpu.memory_space<vmem>>
      %dma_wait3A_199 = tpu.memref_squeeze %dma_wait3A_198 : memref<1x125xi32, #tpu.memory_space<vmem>> -> memref<125xi32, #tpu.memory_space<vmem>>
      %dma_wait3A_200 = arith.constant 0 : i32
      %dma_wait3A_201 = arith.constant 0 : i32
      %dma_wait3A_202 = tpu.memref_slice %arg2[%dma_wait3A_200, %dma_wait3A_201] : memref<10240x64xf32, #tpu.memory_space<hbm>> -> memref<10240x64xf32, #tpu.memory_space<hbm>>
      tpu.wait_indirect_dma semaphore(%arg19 : memref<!tpu.dma_semaphore, #tpu.memory_space<semaphore_mem>>) src(%dma_wait3A_202 : memref<10240x64xf32, #tpu.memory_space<hbm>>) dst(%arg11 : memref<125x64xf32, #tpu.memory_space<vmem>>)
      %dma_start3A_203 = arith.constant 0 : i32
      %dma_start3A_204 = tpu.memref_slice %arg7[%add3A_196, %dma_start3A_203] : memref<80x125xi32, #tpu.memory_space<vmem>> -> memref<1x125xi32, #tpu.memory_space<vmem>>
      %dma_start3A_205 = tpu.memref_squeeze %dma_start3A_204 : memref<1x125xi32, #tpu.memory_space<vmem>> -> memref<125xi32, #tpu.memory_space<vmem>>
      %dma_start3A_206 = arith.constant 0 : i32
      %dma_start3A_207 = arith.constant 0 : i32
      %dma_start3A_208 = tpu.memref_slice %arg32[%dma_start3A_206, %dma_start3A_207] : memref<10240x64xf32, #tpu.memory_space<vmem_shared>> -> memref<10240x64xf32, #tpu.memory_space<vmem_shared>>
      tpu.enqueue_indirect_dma source(%arg11 : memref<125x64xf32, #tpu.memory_space<vmem>>) target(%dma_start3A_208 : memref<10240x64xf32, #tpu.memory_space<vmem_shared>>) offsets(%dma_start3A_205 : memref<125xi32, #tpu.memory_space<vmem>>) semaphore(%arg27 : memref<!tpu.dma_semaphore, #tpu.memory_space<semaphore_mem>>) {add = true}
      %add3A_209 = arith.constant 8 : i32
      %add3A_210 = arith.addi %add3A_196, %add3A_209 : i32
      %lt3A_211 = arith.constant 80 : i32
      %lt3A_212 = arith.cmpi slt, %add3A_210, %lt3A_211 : i32
      %convert_element_type3A_213 = arith.extui %lt3A_212 : i1 to i32
      %cond3A_214 = arith.constant 0 : i32
      %cond3A_215 = arith.cmpi ne, %convert_element_type3A_213, %cond3A_214 : i32
      scf.if %cond3A_215 {
        %dma_wait3A_308 = arith.constant 0 : i32
        %dma_wait3A_309 = tpu.memref_slice %arg7[%add3A_196, %dma_wait3A_308] : memref<80x125xi32, #tpu.memory_space<vmem>> -> memref<1x125xi32, #tpu.memory_space<vmem>>
        %dma_wait3A_310 = tpu.memref_squeeze %dma_wait3A_309 : memref<1x125xi32, #tpu.memory_space<vmem>> -> memref<125xi32, #tpu.memory_space<vmem>>
        %dma_wait3A_311 = arith.constant 0 : i32
        %dma_wait3A_312 = arith.constant 0 : i32
        %dma_wait3A_313 = tpu.memref_slice %arg32[%dma_wait3A_311, %dma_wait3A_312] : memref<10240x64xf32, #tpu.memory_space<vmem_shared>> -> memref<10240x64xf32, #tpu.memory_space<vmem_shared>>
        tpu.wait_indirect_dma semaphore(%arg27 : memref<!tpu.dma_semaphore, #tpu.memory_space<semaphore_mem>>) src(%arg11 : memref<125x64xf32, #tpu.memory_space<vmem>>) dst(%dma_wait3A_313 : memref<10240x64xf32, #tpu.memory_space<vmem_shared>>)
        %add3A_314 = arith.constant 8 : i32
        %add3A_315 = arith.addi %add3A_196, %add3A_314 : i32
        %dma_start3A_316 = arith.constant 0 : i32
        %dma_start3A_317 = tpu.memref_slice %arg6[%add3A_315, %dma_start3A_316] : memref<80x125xi32, #tpu.memory_space<vmem>> -> memref<1x125xi32, #tpu.memory_space<vmem>>
        %dma_start3A_318 = tpu.memref_squeeze %dma_start3A_317 : memref<1x125xi32, #tpu.memory_space<vmem>> -> memref<125xi32, #tpu.memory_space<vmem>>
        %dma_start3A_319 = arith.constant 0 : i32
        %dma_start3A_320 = arith.constant 0 : i32
        %dma_start3A_321 = tpu.memref_slice %arg2[%dma_start3A_319, %dma_start3A_320] : memref<10240x64xf32, #tpu.memory_space<hbm>> -> memref<10240x64xf32, #tpu.memory_space<hbm>>
        tpu.enqueue_indirect_dma source(%dma_start3A_321 : memref<10240x64xf32, #tpu.memory_space<hbm>>) target(%arg11 : memref<125x64xf32, #tpu.memory_space<vmem>>) offsets(%dma_start3A_318 : memref<125xi32, #tpu.memory_space<vmem>>) semaphore(%arg19 : memref<!tpu.dma_semaphore, #tpu.memory_space<semaphore_mem>>)
      } else {
      }
      %mul3A_216 = arith.constant 8 : i32
      %mul3A_217 = arith.muli %mul3A_216, %scan3A_126 : i32
      %add3A_218 = arith.constant 4 : i32
      %add3A_219 = arith.addi %mul3A_217, %add3A_218 : i32
      %dma_wait3A_220 = arith.constant 0 : i32
      %dma_wait3A_221 = tpu.memref_slice %arg6[%add3A_219, %dma_wait3A_220] : memref<80x125xi32, #tpu.memory_space<vmem>> -> memref<1x125xi32, #tpu.memory_space<vmem>>
      %dma_wait3A_222 = tpu.memref_squeeze %dma_wait3A_221 : memref<1x125xi32, #tpu.memory_space<vmem>> -> memref<125xi32, #tpu.memory_space<vmem>>
      %dma_wait3A_223 = arith.constant 0 : i32
      %dma_wait3A_224 = arith.constant 0 : i32
      %dma_wait3A_225 = tpu.memref_slice %arg2[%dma_wait3A_223, %dma_wait3A_224] : memref<10240x64xf32, #tpu.memory_space<hbm>> -> memref<10240x64xf32, #tpu.memory_space<hbm>>
      tpu.wait_indirect_dma semaphore(%arg20 : memref<!tpu.dma_semaphore, #tpu.memory_space<semaphore_mem>>) src(%dma_wait3A_225 : memref<10240x64xf32, #tpu.memory_space<hbm>>) dst(%arg12 : memref<125x64xf32, #tpu.memory_space<vmem>>)
      %dma_start3A_226 = arith.constant 0 : i32
      %dma_start3A_227 = tpu.memref_slice %arg7[%add3A_219, %dma_start3A_226] : memref<80x125xi32, #tpu.memory_space<vmem>> -> memref<1x125xi32, #tpu.memory_space<vmem>>
      %dma_start3A_228 = tpu.memref_squeeze %dma_start3A_227 : memref<1x125xi32, #tpu.memory_space<vmem>> -> memref<125xi32, #tpu.memory_space<vmem>>
      %dma_start3A_229 = arith.constant 0 : i32
      %dma_start3A_230 = arith.constant 0 : i32
      %dma_start3A_231 = tpu.memref_slice %arg32[%dma_start3A_229, %dma_start3A_230] : memref<10240x64xf32, #tpu.memory_space<vmem_shared>> -> memref<10240x64xf32, #tpu.memory_space<vmem_shared>>
      tpu.enqueue_indirect_dma source(%arg12 : memref<125x64xf32, #tpu.memory_space<vmem>>) target(%dma_start3A_231 : memref<10240x64xf32, #tpu.memory_space<vmem_shared>>) offsets(%dma_start3A_228 : memref<125xi32, #tpu.memory_space<vmem>>) semaphore(%arg28 : memref<!tpu.dma_semaphore, #tpu.memory_space<semaphore_mem>>) {add = true}
      %add3A_232 = arith.constant 8 : i32
      %add3A_233 = arith.addi %add3A_219, %add3A_232 : i32
      %lt3A_234 = arith.constant 80 : i32
      %lt3A_235 = arith.cmpi slt, %add3A_233, %lt3A_234 : i32
      %convert_element_type3A_236 = arith.extui %lt3A_235 : i1 to i32
      %cond3A_237 = arith.constant 0 : i32
      %cond3A_238 = arith.cmpi ne, %convert_element_type3A_236, %cond3A_237 : i32
      scf.if %cond3A_238 {
        %dma_wait3A_308 = arith.constant 0 : i32
        %dma_wait3A_309 = tpu.memref_slice %arg7[%add3A_219, %dma_wait3A_308] : memref<80x125xi32, #tpu.memory_space<vmem>> -> memref<1x125xi32, #tpu.memory_space<vmem>>
        %dma_wait3A_310 = tpu.memref_squeeze %dma_wait3A_309 : memref<1x125xi32, #tpu.memory_space<vmem>> -> memref<125xi32, #tpu.memory_space<vmem>>
        %dma_wait3A_311 = arith.constant 0 : i32
        %dma_wait3A_312 = arith.constant 0 : i32
        %dma_wait3A_313 = tpu.memref_slice %arg32[%dma_wait3A_311, %dma_wait3A_312] : memref<10240x64xf32, #tpu.memory_space<vmem_shared>> -> memref<10240x64xf32, #tpu.memory_space<vmem_shared>>
        tpu.wait_indirect_dma semaphore(%arg28 : memref<!tpu.dma_semaphore, #tpu.memory_space<semaphore_mem>>) src(%arg12 : memref<125x64xf32, #tpu.memory_space<vmem>>) dst(%dma_wait3A_313 : memref<10240x64xf32, #tpu.memory_space<vmem_shared>>)
        %add3A_314 = arith.constant 8 : i32
        %add3A_315 = arith.addi %add3A_219, %add3A_314 : i32
        %dma_start3A_316 = arith.constant 0 : i32
        %dma_start3A_317 = tpu.memref_slice %arg6[%add3A_315, %dma_start3A_316] : memref<80x125xi32, #tpu.memory_space<vmem>> -> memref<1x125xi32, #tpu.memory_space<vmem>>
        %dma_start3A_318 = tpu.memref_squeeze %dma_start3A_317 : memref<1x125xi32, #tpu.memory_space<vmem>> -> memref<125xi32, #tpu.memory_space<vmem>>
        %dma_start3A_319 = arith.constant 0 : i32
        %dma_start3A_320 = arith.constant 0 : i32
        %dma_start3A_321 = tpu.memref_slice %arg2[%dma_start3A_319, %dma_start3A_320] : memref<10240x64xf32, #tpu.memory_space<hbm>> -> memref<10240x64xf32, #tpu.memory_space<hbm>>
        tpu.enqueue_indirect_dma source(%dma_start3A_321 : memref<10240x64xf32, #tpu.memory_space<hbm>>) target(%arg12 : memref<125x64xf32, #tpu.memory_space<vmem>>) offsets(%dma_start3A_318 : memref<125xi32, #tpu.memory_space<vmem>>) semaphore(%arg20 : memref<!tpu.dma_semaphore, #tpu.memory_space<semaphore_mem>>)
      } else {
      }
      %mul3A_239 = arith.constant 8 : i32
      %mul3A_240 = arith.muli %mul3A_239, %scan3A_126 : i32
      %add3A_241 = arith.constant 5 : i32
      %add3A_242 = arith.addi %mul3A_240, %add3A_241 : i32
      %dma_wait3A_243 = arith.constant 0 : i32
      %dma_wait3A_244 = tpu.memref_slice %arg6[%add3A_242, %dma_wait3A_243] : memref<80x125xi32, #tpu.memory_space<vmem>> -> memref<1x125xi32, #tpu.memory_space<vmem>>
      %dma_wait3A_245 = tpu.memref_squeeze %dma_wait3A_244 : memref<1x125xi32, #tpu.memory_space<vmem>> -> memref<125xi32, #tpu.memory_space<vmem>>
      %dma_wait3A_246 = arith.constant 0 : i32
      %dma_wait3A_247 = arith.constant 0 : i32
      %dma_wait3A_248 = tpu.memref_slice %arg2[%dma_wait3A_246, %dma_wait3A_247] : memref<10240x64xf32, #tpu.memory_space<hbm>> -> memref<10240x64xf32, #tpu.memory_space<hbm>>
      tpu.wait_indirect_dma semaphore(%arg21 : memref<!tpu.dma_semaphore, #tpu.memory_space<semaphore_mem>>) src(%dma_wait3A_248 : memref<10240x64xf32, #tpu.memory_space<hbm>>) dst(%arg13 : memref<125x64xf32, #tpu.memory_space<vmem>>)
      %dma_start3A_249 = arith.constant 0 : i32
      %dma_start3A_250 = tpu.memref_slice %arg7[%add3A_242, %dma_start3A_249] : memref<80x125xi32, #tpu.memory_space<vmem>> -> memref<1x125xi32, #tpu.memory_space<vmem>>
      %dma_start3A_251 = tpu.memref_squeeze %dma_start3A_250 : memref<1x125xi32, #tpu.memory_space<vmem>> -> memref<125xi32, #tpu.memory_space<vmem>>
      %dma_start3A_252 = arith.constant 0 : i32
      %dma_start3A_253 = arith.constant 0 : i32
      %dma_start3A_254 = tpu.memref_slice %arg32[%dma_start3A_252, %dma_start3A_253] : memref<10240x64xf32, #tpu.memory_space<vmem_shared>> -> memref<10240x64xf32, #tpu.memory_space<vmem_shared>>
      tpu.enqueue_indirect_dma source(%arg13 : memref<125x64xf32, #tpu.memory_space<vmem>>) target(%dma_start3A_254 : memref<10240x64xf32, #tpu.memory_space<vmem_shared>>) offsets(%dma_start3A_251 : memref<125xi32, #tpu.memory_space<vmem>>) semaphore(%arg29 : memref<!tpu.dma_semaphore, #tpu.memory_space<semaphore_mem>>) {add = true}
      %add3A_255 = arith.constant 8 : i32
      %add3A_256 = arith.addi %add3A_242, %add3A_255 : i32
      %lt3A_257 = arith.constant 80 : i32
      %lt3A_258 = arith.cmpi slt, %add3A_256, %lt3A_257 : i32
      %convert_element_type3A_259 = arith.extui %lt3A_258 : i1 to i32
      %cond3A_260 = arith.constant 0 : i32
      %cond3A_261 = arith.cmpi ne, %convert_element_type3A_259, %cond3A_260 : i32
      scf.if %cond3A_261 {
        %dma_wait3A_308 = arith.constant 0 : i32
        %dma_wait3A_309 = tpu.memref_slice %arg7[%add3A_242, %dma_wait3A_308] : memref<80x125xi32, #tpu.memory_space<vmem>> -> memref<1x125xi32, #tpu.memory_space<vmem>>
        %dma_wait3A_310 = tpu.memref_squeeze %dma_wait3A_309 : memref<1x125xi32, #tpu.memory_space<vmem>> -> memref<125xi32, #tpu.memory_space<vmem>>
        %dma_wait3A_311 = arith.constant 0 : i32
        %dma_wait3A_312 = arith.constant 0 : i32
        %dma_wait3A_313 = tpu.memref_slice %arg32[%dma_wait3A_311, %dma_wait3A_312] : memref<10240x64xf32, #tpu.memory_space<vmem_shared>> -> memref<10240x64xf32, #tpu.memory_space<vmem_shared>>
        tpu.wait_indirect_dma semaphore(%arg29 : memref<!tpu.dma_semaphore, #tpu.memory_space<semaphore_mem>>) src(%arg13 : memref<125x64xf32, #tpu.memory_space<vmem>>) dst(%dma_wait3A_313 : memref<10240x64xf32, #tpu.memory_space<vmem_shared>>)
        %add3A_314 = arith.constant 8 : i32
        %add3A_315 = arith.addi %add3A_242, %add3A_314 : i32
        %dma_start3A_316 = arith.constant 0 : i32
        %dma_start3A_317 = tpu.memref_slice %arg6[%add3A_315, %dma_start3A_316] : memref<80x125xi32, #tpu.memory_space<vmem>> -> memref<1x125xi32, #tpu.memory_space<vmem>>
        %dma_start3A_318 = tpu.memref_squeeze %dma_start3A_317 : memref<1x125xi32, #tpu.memory_space<vmem>> -> memref<125xi32, #tpu.memory_space<vmem>>
        %dma_start3A_319 = arith.constant 0 : i32
        %dma_start3A_320 = arith.constant 0 : i32
        %dma_start3A_321 = tpu.memref_slice %arg2[%dma_start3A_319, %dma_start3A_320] : memref<10240x64xf32, #tpu.memory_space<hbm>> -> memref<10240x64xf32, #tpu.memory_space<hbm>>
        tpu.enqueue_indirect_dma source(%dma_start3A_321 : memref<10240x64xf32, #tpu.memory_space<hbm>>) target(%arg13 : memref<125x64xf32, #tpu.memory_space<vmem>>) offsets(%dma_start3A_318 : memref<125xi32, #tpu.memory_space<vmem>>) semaphore(%arg21 : memref<!tpu.dma_semaphore, #tpu.memory_space<semaphore_mem>>)
      } else {
      }
      %mul3A_262 = arith.constant 8 : i32
      %mul3A_263 = arith.muli %mul3A_262, %scan3A_126 : i32
      %add3A_264 = arith.constant 6 : i32
      %add3A_265 = arith.addi %mul3A_263, %add3A_264 : i32
      %dma_wait3A_266 = arith.constant 0 : i32
      %dma_wait3A_267 = tpu.memref_slice %arg6[%add3A_265, %dma_wait3A_266] : memref<80x125xi32, #tpu.memory_space<vmem>> -> memref<1x125xi32, #tpu.memory_space<vmem>>
      %dma_wait3A_268 = tpu.memref_squeeze %dma_wait3A_267 : memref<1x125xi32, #tpu.memory_space<vmem>> -> memref<125xi32, #tpu.memory_space<vmem>>
      %dma_wait3A_269 = arith.constant 0 : i32
      %dma_wait3A_270 = arith.constant 0 : i32
      %dma_wait3A_271 = tpu.memref_slice %arg2[%dma_wait3A_269, %dma_wait3A_270] : memref<10240x64xf32, #tpu.memory_space<hbm>> -> memref<10240x64xf32, #tpu.memory_space<hbm>>
      tpu.wait_indirect_dma semaphore(%arg22 : memref<!tpu.dma_semaphore, #tpu.memory_space<semaphore_mem>>) src(%dma_wait3A_271 : memref<10240x64xf32, #tpu.memory_space<hbm>>) dst(%arg14 : memref<125x64xf32, #tpu.memory_space<vmem>>)
      %dma_start3A_272 = arith.constant 0 : i32
      %dma_start3A_273 = tpu.memref_slice %arg7[%add3A_265, %dma_start3A_272] : memref<80x125xi32, #tpu.memory_space<vmem>> -> memref<1x125xi32, #tpu.memory_space<vmem>>
      %dma_start3A_274 = tpu.memref_squeeze %dma_start3A_273 : memref<1x125xi32, #tpu.memory_space<vmem>> -> memref<125xi32, #tpu.memory_space<vmem>>
      %dma_start3A_275 = arith.constant 0 : i32
      %dma_start3A_276 = arith.constant 0 : i32
      %dma_start3A_277 = tpu.memref_slice %arg32[%dma_start3A_275, %dma_start3A_276] : memref<10240x64xf32, #tpu.memory_space<vmem_shared>> -> memref<10240x64xf32, #tpu.memory_space<vmem_shared>>
      tpu.enqueue_indirect_dma source(%arg14 : memref<125x64xf32, #tpu.memory_space<vmem>>) target(%dma_start3A_277 : memref<10240x64xf32, #tpu.memory_space<vmem_shared>>) offsets(%dma_start3A_274 : memref<125xi32, #tpu.memory_space<vmem>>) semaphore(%arg30 : memref<!tpu.dma_semaphore, #tpu.memory_space<semaphore_mem>>) {add = true}
      %add3A_278 = arith.constant 8 : i32
      %add3A_279 = arith.addi %add3A_265, %add3A_278 : i32
      %lt3A_280 = arith.constant 80 : i32
      %lt3A_281 = arith.cmpi slt, %add3A_279, %lt3A_280 : i32
      %convert_element_type3A_282 = arith.extui %lt3A_281 : i1 to i32
      %cond3A_283 = arith.constant 0 : i32
      %cond3A_284 = arith.cmpi ne, %convert_element_type3A_282, %cond3A_283 : i32
      scf.if %cond3A_284 {
        %dma_wait3A_308 = arith.constant 0 : i32
        %dma_wait3A_309 = tpu.memref_slice %arg7[%add3A_265, %dma_wait3A_308] : memref<80x125xi32, #tpu.memory_space<vmem>> -> memref<1x125xi32, #tpu.memory_space<vmem>>
        %dma_wait3A_310 = tpu.memref_squeeze %dma_wait3A_309 : memref<1x125xi32, #tpu.memory_space<vmem>> -> memref<125xi32, #tpu.memory_space<vmem>>
        %dma_wait3A_311 = arith.constant 0 : i32
        %dma_wait3A_312 = arith.constant 0 : i32
        %dma_wait3A_313 = tpu.memref_slice %arg32[%dma_wait3A_311, %dma_wait3A_312] : memref<10240x64xf32, #tpu.memory_space<vmem_shared>> -> memref<10240x64xf32, #tpu.memory_space<vmem_shared>>
        tpu.wait_indirect_dma semaphore(%arg30 : memref<!tpu.dma_semaphore, #tpu.memory_space<semaphore_mem>>) src(%arg14 : memref<125x64xf32, #tpu.memory_space<vmem>>) dst(%dma_wait3A_313 : memref<10240x64xf32, #tpu.memory_space<vmem_shared>>)
        %add3A_314 = arith.constant 8 : i32
        %add3A_315 = arith.addi %add3A_265, %add3A_314 : i32
        %dma_start3A_316 = arith.constant 0 : i32
        %dma_start3A_317 = tpu.memref_slice %arg6[%add3A_315, %dma_start3A_316] : memref<80x125xi32, #tpu.memory_space<vmem>> -> memref<1x125xi32, #tpu.memory_space<vmem>>
        %dma_start3A_318 = tpu.memref_squeeze %dma_start3A_317 : memref<1x125xi32, #tpu.memory_space<vmem>> -> memref<125xi32, #tpu.memory_space<vmem>>
        %dma_start3A_319 = arith.constant 0 : i32
        %dma_start3A_320 = arith.constant 0 : i32
        %dma_start3A_321 = tpu.memref_slice %arg2[%dma_start3A_319, %dma_start3A_320] : memref<10240x64xf32, #tpu.memory_space<hbm>> -> memref<10240x64xf32, #tpu.memory_space<hbm>>
        tpu.enqueue_indirect_dma source(%dma_start3A_321 : memref<10240x64xf32, #tpu.memory_space<hbm>>) target(%arg14 : memref<125x64xf32, #tpu.memory_space<vmem>>) offsets(%dma_start3A_318 : memref<125xi32, #tpu.memory_space<vmem>>) semaphore(%arg22 : memref<!tpu.dma_semaphore, #tpu.memory_space<semaphore_mem>>)
      } else {
      }
      %mul3A_285 = arith.constant 8 : i32
      %mul3A_286 = arith.muli %mul3A_285, %scan3A_126 : i32
      %add3A_287 = arith.constant 7 : i32
      %add3A_288 = arith.addi %mul3A_286, %add3A_287 : i32
      %dma_wait3A_289 = arith.constant 0 : i32
      %dma_wait3A_290 = tpu.memref_slice %arg6[%add3A_288, %dma_wait3A_289] : memref<80x125xi32, #tpu.memory_space<vmem>> -> memref<1x125xi32, #tpu.memory_space<vmem>>
      %dma_wait3A_291 = tpu.memref_squeeze %dma_wait3A_290 : memref<1x125xi32, #tpu.memory_space<vmem>> -> memref<125xi32, #tpu.memory_space<vmem>>
      %dma_wait3A_292 = arith.constant 0 : i32
      %dma_wait3A_293 = arith.constant 0 : i32
      %dma_wait3A_294 = tpu.memref_slice %arg2[%dma_wait3A_292, %dma_wait3A_293] : memref<10240x64xf32, #tpu.memory_space<hbm>> -> memref<10240x64xf32, #tpu.memory_space<hbm>>
      tpu.wait_indirect_dma semaphore(%arg23 : memref<!tpu.dma_semaphore, #tpu.memory_space<semaphore_mem>>) src(%dma_wait3A_294 : memref<10240x64xf32, #tpu.memory_space<hbm>>) dst(%arg15 : memref<125x64xf32, #tpu.memory_space<vmem>>)
      %dma_start3A_295 = arith.constant 0 : i32
      %dma_start3A_296 = tpu.memref_slice %arg7[%add3A_288, %dma_start3A_295] : memref<80x125xi32, #tpu.memory_space<vmem>> -> memref<1x125xi32, #tpu.memory_space<vmem>>
      %dma_start3A_297 = tpu.memref_squeeze %dma_start3A_296 : memref<1x125xi32, #tpu.memory_space<vmem>> -> memref<125xi32, #tpu.memory_space<vmem>>
      %dma_start3A_298 = arith.constant 0 : i32
      %dma_start3A_299 = arith.constant 0 : i32
      %dma_start3A_300 = tpu.memref_slice %arg32[%dma_start3A_298, %dma_start3A_299] : memref<10240x64xf32, #tpu.memory_space<vmem_shared>> -> memref<10240x64xf32, #tpu.memory_space<vmem_shared>>
      tpu.enqueue_indirect_dma source(%arg15 : memref<125x64xf32, #tpu.memory_space<vmem>>) target(%dma_start3A_300 : memref<10240x64xf32, #tpu.memory_space<vmem_shared>>) offsets(%dma_start3A_297 : memref<125xi32, #tpu.memory_space<vmem>>) semaphore(%arg31 : memref<!tpu.dma_semaphore, #tpu.memory_space<semaphore_mem>>) {add = true}
      %add3A_301 = arith.constant 8 : i32
      %add3A_302 = arith.addi %add3A_288, %add3A_301 : i32
      %lt3A_303 = arith.constant 80 : i32
      %lt3A_304 = arith.cmpi slt, %add3A_302, %lt3A_303 : i32
      %convert_element_type3A_305 = arith.extui %lt3A_304 : i1 to i32
      %cond3A_306 = arith.constant 0 : i32
      %cond3A_307 = arith.cmpi ne, %convert_element_type3A_305, %cond3A_306 : i32
      scf.if %cond3A_307 {
        %dma_wait3A_308 = arith.constant 0 : i32
        %dma_wait3A_309 = tpu.memref_slice %arg7[%add3A_288, %dma_wait3A_308] : memref<80x125xi32, #tpu.memory_space<vmem>> -> memref<1x125xi32, #tpu.memory_space<vmem>>
        %dma_wait3A_310 = tpu.memref_squeeze %dma_wait3A_309 : memref<1x125xi32, #tpu.memory_space<vmem>> -> memref<125xi32, #tpu.memory_space<vmem>>
        %dma_wait3A_311 = arith.constant 0 : i32
        %dma_wait3A_312 = arith.constant 0 : i32
        %dma_wait3A_313 = tpu.memref_slice %arg32[%dma_wait3A_311, %dma_wait3A_312] : memref<10240x64xf32, #tpu.memory_space<vmem_shared>> -> memref<10240x64xf32, #tpu.memory_space<vmem_shared>>
        tpu.wait_indirect_dma semaphore(%arg31 : memref<!tpu.dma_semaphore, #tpu.memory_space<semaphore_mem>>) src(%arg15 : memref<125x64xf32, #tpu.memory_space<vmem>>) dst(%dma_wait3A_313 : memref<10240x64xf32, #tpu.memory_space<vmem_shared>>)
        %add3A_314 = arith.constant 8 : i32
        %add3A_315 = arith.addi %add3A_288, %add3A_314 : i32
        %dma_start3A_316 = arith.constant 0 : i32
        %dma_start3A_317 = tpu.memref_slice %arg6[%add3A_315, %dma_start3A_316] : memref<80x125xi32, #tpu.memory_space<vmem>> -> memref<1x125xi32, #tpu.memory_space<vmem>>
        %dma_start3A_318 = tpu.memref_squeeze %dma_start3A_317 : memref<1x125xi32, #tpu.memory_space<vmem>> -> memref<125xi32, #tpu.memory_space<vmem>>
        %dma_start3A_319 = arith.constant 0 : i32
        %dma_start3A_320 = arith.constant 0 : i32
        %dma_start3A_321 = tpu.memref_slice %arg2[%dma_start3A_319, %dma_start3A_320] : memref<10240x64xf32, #tpu.memory_space<hbm>> -> memref<10240x64xf32, #tpu.memory_space<hbm>>
        tpu.enqueue_indirect_dma source(%dma_start3A_321 : memref<10240x64xf32, #tpu.memory_space<hbm>>) target(%arg15 : memref<125x64xf32, #tpu.memory_space<vmem>>) offsets(%dma_start3A_318 : memref<125xi32, #tpu.memory_space<vmem>>) semaphore(%arg23 : memref<!tpu.dma_semaphore, #tpu.memory_space<semaphore_mem>>)
      } else {
      }
    }
    %scan3A_65 = arith.constant 10 : i32
    %dma_wait3A = arith.constant 72 : i32
    %dma_wait3A_66 = arith.constant 0 : i32
    %dma_wait3A_67 = tpu.memref_slice %arg7[%dma_wait3A, %dma_wait3A_66] : memref<80x125xi32, #tpu.memory_space<vmem>> -> memref<1x125xi32, #tpu.memory_space<vmem>>
    %dma_wait3A_68 = tpu.memref_squeeze %dma_wait3A_67 : memref<1x125xi32, #tpu.memory_space<vmem>> -> memref<125xi32, #tpu.memory_space<vmem>>
    %dma_wait3A_69 = arith.constant 0 : i32
    %dma_wait3A_70 = arith.constant 0 : i32
    %dma_wait3A_71 = tpu.memref_slice %arg32[%dma_wait3A_69, %dma_wait3A_70] : memref<10240x64xf32, #tpu.memory_space<vmem_shared>> -> memref<10240x64xf32, #tpu.memory_space<vmem_shared>>
    tpu.wait_indirect_dma semaphore(%arg24 : memref<!tpu.dma_semaphore, #tpu.memory_space<semaphore_mem>>) src(%arg8 : memref<125x64xf32, #tpu.memory_space<vmem>>) dst(%dma_wait3A_71 : memref<10240x64xf32, #tpu.memory_space<vmem_shared>>)
    %dma_wait3A_72 = arith.constant 73 : i32
    %dma_wait3A_73 = arith.constant 0 : i32
    %dma_wait3A_74 = tpu.memref_slice %arg7[%dma_wait3A_72, %dma_wait3A_73] : memref<80x125xi32, #tpu.memory_space<vmem>> -> memref<1x125xi32, #tpu.memory_space<vmem>>
    %dma_wait3A_75 = tpu.memref_squeeze %dma_wait3A_74 : memref<1x125xi32, #tpu.memory_space<vmem>> -> memref<125xi32, #tpu.memory_space<vmem>>
    %dma_wait3A_76 = arith.constant 0 : i32
    %dma_wait3A_77 = arith.constant 0 : i32
    %dma_wait3A_78 = tpu.memref_slice %arg32[%dma_wait3A_76, %dma_wait3A_77] : memref<10240x64xf32, #tpu.memory_space<vmem_shared>> -> memref<10240x64xf32, #tpu.memory_space<vmem_shared>>
    tpu.wait_indirect_dma semaphore(%arg25 : memref<!tpu.dma_semaphore, #tpu.memory_space<semaphore_mem>>) src(%arg9 : memref<125x64xf32, #tpu.memory_space<vmem>>) dst(%dma_wait3A_78 : memref<10240x64xf32, #tpu.memory_space<vmem_shared>>)
    %dma_wait3A_79 = arith.constant 74 : i32
    %dma_wait3A_80 = arith.constant 0 : i32
    %dma_wait3A_81 = tpu.memref_slice %arg7[%dma_wait3A_79, %dma_wait3A_80] : memref<80x125xi32, #tpu.memory_space<vmem>> -> memref<1x125xi32, #tpu.memory_space<vmem>>
    %dma_wait3A_82 = tpu.memref_squeeze %dma_wait3A_81 : memref<1x125xi32, #tpu.memory_space<vmem>> -> memref<125xi32, #tpu.memory_space<vmem>>
    %dma_wait3A_83 = arith.constant 0 : i32
    %dma_wait3A_84 = arith.constant 0 : i32
    %dma_wait3A_85 = tpu.memref_slice %arg32[%dma_wait3A_83, %dma_wait3A_84] : memref<10240x64xf32, #tpu.memory_space<vmem_shared>> -> memref<10240x64xf32, #tpu.memory_space<vmem_shared>>
    tpu.wait_indirect_dma semaphore(%arg26 : memref<!tpu.dma_semaphore, #tpu.memory_space<semaphore_mem>>) src(%arg10 : memref<125x64xf32, #tpu.memory_space<vmem>>) dst(%dma_wait3A_85 : memref<10240x64xf32, #tpu.memory_space<vmem_shared>>)
    %dma_wait3A_86 = arith.constant 75 : i32
    %dma_wait3A_87 = arith.constant 0 : i32
    %dma_wait3A_88 = tpu.memref_slice %arg7[%dma_wait3A_86, %dma_wait3A_87] : memref<80x125xi32, #tpu.memory_space<vmem>> -> memref<1x125xi32, #tpu.memory_space<vmem>>
    %dma_wait3A_89 = tpu.memref_squeeze %dma_wait3A_88 : memref<1x125xi32, #tpu.memory_space<vmem>> -> memref<125xi32, #tpu.memory_space<vmem>>
    %dma_wait3A_90 = arith.constant 0 : i32
    %dma_wait3A_91 = arith.constant 0 : i32
    %dma_wait3A_92 = tpu.memref_slice %arg32[%dma_wait3A_90, %dma_wait3A_91] : memref<10240x64xf32, #tpu.memory_space<vmem_shared>> -> memref<10240x64xf32, #tpu.memory_space<vmem_shared>>
    tpu.wait_indirect_dma semaphore(%arg27 : memref<!tpu.dma_semaphore, #tpu.memory_space<semaphore_mem>>) src(%arg11 : memref<125x64xf32, #tpu.memory_space<vmem>>) dst(%dma_wait3A_92 : memref<10240x64xf32, #tpu.memory_space<vmem_shared>>)
    %dma_wait3A_93 = arith.constant 76 : i32
    %dma_wait3A_94 = arith.constant 0 : i32
    %dma_wait3A_95 = tpu.memref_slice %arg7[%dma_wait3A_93, %dma_wait3A_94] : memref<80x125xi32, #tpu.memory_space<vmem>> -> memref<1x125xi32, #tpu.memory_space<vmem>>
    %dma_wait3A_96 = tpu.memref_squeeze %dma_wait3A_95 : memref<1x125xi32, #tpu.memory_space<vmem>> -> memref<125xi32, #tpu.memory_space<vmem>>
    %dma_wait3A_97 = arith.constant 0 : i32
    %dma_wait3A_98 = arith.constant 0 : i32
    %dma_wait3A_99 = tpu.memref_slice %arg32[%dma_wait3A_97, %dma_wait3A_98] : memref<10240x64xf32, #tpu.memory_space<vmem_shared>> -> memref<10240x64xf32, #tpu.memory_space<vmem_shared>>
    tpu.wait_indirect_dma semaphore(%arg28 : memref<!tpu.dma_semaphore, #tpu.memory_space<semaphore_mem>>) src(%arg12 : memref<125x64xf32, #tpu.memory_space<vmem>>) dst(%dma_wait3A_99 : memref<10240x64xf32, #tpu.memory_space<vmem_shared>>)
    %dma_wait3A_100 = arith.constant 77 : i32
    %dma_wait3A_101 = arith.constant 0 : i32
    %dma_wait3A_102 = tpu.memref_slice %arg7[%dma_wait3A_100, %dma_wait3A_101] : memref<80x125xi32, #tpu.memory_space<vmem>> -> memref<1x125xi32, #tpu.memory_space<vmem>>
    %dma_wait3A_103 = tpu.memref_squeeze %dma_wait3A_102 : memref<1x125xi32, #tpu.memory_space<vmem>> -> memref<125xi32, #tpu.memory_space<vmem>>
    %dma_wait3A_104 = arith.constant 0 : i32
    %dma_wait3A_105 = arith.constant 0 : i32
    %dma_wait3A_106 = tpu.memref_slice %arg32[%dma_wait3A_104, %dma_wait3A_105] : memref<10240x64xf32, #tpu.memory_space<vmem_shared>> -> memref<10240x64xf32, #tpu.memory_space<vmem_shared>>
    tpu.wait_indirect_dma semaphore(%arg29 : memref<!tpu.dma_semaphore, #tpu.memory_space<semaphore_mem>>) src(%arg13 : memref<125x64xf32, #tpu.memory_space<vmem>>) dst(%dma_wait3A_106 : memref<10240x64xf32, #tpu.memory_space<vmem_shared>>)
    %dma_wait3A_107 = arith.constant 78 : i32
    %dma_wait3A_108 = arith.constant 0 : i32
    %dma_wait3A_109 = tpu.memref_slice %arg7[%dma_wait3A_107, %dma_wait3A_108] : memref<80x125xi32, #tpu.memory_space<vmem>> -> memref<1x125xi32, #tpu.memory_space<vmem>>
    %dma_wait3A_110 = tpu.memref_squeeze %dma_wait3A_109 : memref<1x125xi32, #tpu.memory_space<vmem>> -> memref<125xi32, #tpu.memory_space<vmem>>
    %dma_wait3A_111 = arith.constant 0 : i32
    %dma_wait3A_112 = arith.constant 0 : i32
    %dma_wait3A_113 = tpu.memref_slice %arg32[%dma_wait3A_111, %dma_wait3A_112] : memref<10240x64xf32, #tpu.memory_space<vmem_shared>> -> memref<10240x64xf32, #tpu.memory_space<vmem_shared>>
    tpu.wait_indirect_dma semaphore(%arg30 : memref<!tpu.dma_semaphore, #tpu.memory_space<semaphore_mem>>) src(%arg14 : memref<125x64xf32, #tpu.memory_space<vmem>>) dst(%dma_wait3A_113 : memref<10240x64xf32, #tpu.memory_space<vmem_shared>>)
    %dma_wait3A_114 = arith.constant 79 : i32
    %dma_wait3A_115 = arith.constant 0 : i32
    %dma_wait3A_116 = tpu.memref_slice %arg7[%dma_wait3A_114, %dma_wait3A_115] : memref<80x125xi32, #tpu.memory_space<vmem>> -> memref<1x125xi32, #tpu.memory_space<vmem>>
    %dma_wait3A_117 = tpu.memref_squeeze %dma_wait3A_116 : memref<1x125xi32, #tpu.memory_space<vmem>> -> memref<125xi32, #tpu.memory_space<vmem>>
    %dma_wait3A_118 = arith.constant 0 : i32
    %dma_wait3A_119 = arith.constant 0 : i32
    %dma_wait3A_120 = tpu.memref_slice %arg32[%dma_wait3A_118, %dma_wait3A_119] : memref<10240x64xf32, #tpu.memory_space<vmem_shared>> -> memref<10240x64xf32, #tpu.memory_space<vmem_shared>>
    tpu.wait_indirect_dma semaphore(%arg31 : memref<!tpu.dma_semaphore, #tpu.memory_space<semaphore_mem>>) src(%arg15 : memref<125x64xf32, #tpu.memory_space<vmem>>) dst(%dma_wait3A_120 : memref<10240x64xf32, #tpu.memory_space<vmem_shared>>)
    %barrier3A_121 = arith.constant 0 : index
    tpu.barrier barrier_id(%barrier3A_121)
    %mul3A_122 = arith.constant 640 : i32
    %mul3A_123 = arith.muli %arg1, %mul3A_122 : i32
    %mul3A_124 = arith.constant 640 : i32
    %mul3A_125 = arith.muli %arg1, %mul3A_124 : i32
    "tpu.region"() ({
      %run_scoped3A_126 = tpu.sem_alloc : memref<!tpu.dma_semaphore, #tpu.memory_space<semaphore_mem>>
      %dma_start3A_127 = arith.constant 0 : i32
      %dma_start3A_128 = tpu.memref_slice %arg5[%arg0, %mul3A_125, %dma_start3A_127] : memref<2x10240x64xf32, #tpu.memory_space<hbm>> -> memref<1x640x64xf32, #tpu.memory_space<hbm>>
      %dma_start3A_129 = tpu.memref_squeeze %dma_start3A_128 : memref<1x640x64xf32, #tpu.memory_space<hbm>> -> memref<640x64xf32, #tpu.memory_space<hbm>>
      %dma_start3A_130 = arith.constant 0 : i32
      %dma_start3A_131 = tpu.memref_slice %arg32[%mul3A_123, %dma_start3A_130] : memref<10240x64xf32, #tpu.memory_space<vmem_shared>> -> memref<640x64xf32, #tpu.memory_space<vmem_shared>>
      tpu.enqueue_dma source(%dma_start3A_131 : memref<640x64xf32, #tpu.memory_space<vmem_shared>>) target(%dma_start3A_129 : memref<640x64xf32, #tpu.memory_space<hbm>>) target_semaphore(%run_scoped3A_126 : memref<!tpu.dma_semaphore, #tpu.memory_space<semaphore_mem>>)
      %dma_wait3A_132 = arith.constant 0 : i32
      %dma_wait3A_133 = tpu.memref_slice %arg5[%arg0, %mul3A_125, %dma_wait3A_132] : memref<2x10240x64xf32, #tpu.memory_space<hbm>> -> memref<1x640x64xf32, #tpu.memory_space<hbm>>
      %dma_wait3A_134 = tpu.memref_squeeze %dma_wait3A_133 : memref<1x640x64xf32, #tpu.memory_space<hbm>> -> memref<640x64xf32, #tpu.memory_space<hbm>>
      %dma_wait3A_135 = arith.constant 0 : i32
      %dma_wait3A_136 = tpu.memref_slice %arg32[%mul3A_123, %dma_wait3A_135] : memref<10240x64xf32, #tpu.memory_space<vmem_shared>> -> memref<640x64xf32, #tpu.memory_space<vmem_shared>>
      tpu.wait_dma2 semaphore(%run_scoped3A_126 : memref<!tpu.dma_semaphore, #tpu.memory_space<semaphore_mem>>) src(%dma_wait3A_136 : memref<640x64xf32, #tpu.memory_space<vmem_shared>>) dst(%dma_wait3A_134 : memref<640x64xf32, #tpu.memory_space<hbm>>)
      tpu.yield
    }) : () -> ()
    return
  }
}

#map = affine_map<(d0, d1) -> (0)>
#map1 = affine_map<(d0, d1) -> (0, 0, 0, 0)>
#map2 = affine_map<(d0, d1) -> (0, 0)>
module attributes {stable_mosaic.version = 14 : i64} {
  func.func @_sc_agg1(%arg0: i32, %arg1: i32, %arg2: memref<10240xf32, #tpu.memory_space<hbm>>, %arg3: memref<2x32x80x125xi32, #tpu.memory_space<hbm>>, %arg4: memref<10240xf32, #tpu.memory_space<hbm>>, %arg5: memref<2x10240xf32, #tpu.memory_space<hbm>>, %arg6: memref<80x125xi32, #tpu.memory_space<vmem>>, %arg7: memref<80x125xi32, #tpu.memory_space<vmem>>, %arg8: memref<125xf32, #tpu.memory_space<vmem>>, %arg9: memref<125xf32, #tpu.memory_space<vmem>>, %arg10: memref<125xf32, #tpu.memory_space<vmem>>, %arg11: memref<125xf32, #tpu.memory_space<vmem>>, %arg12: memref<125xf32, #tpu.memory_space<vmem>>, %arg13: memref<125xf32, #tpu.memory_space<vmem>>, %arg14: memref<125xf32, #tpu.memory_space<vmem>>, %arg15: memref<125xf32, #tpu.memory_space<vmem>>, %arg16: memref<!tpu.dma_semaphore, #tpu.memory_space<semaphore_mem>>, %arg17: memref<!tpu.dma_semaphore, #tpu.memory_space<semaphore_mem>>, %arg18: memref<!tpu.dma_semaphore, #tpu.memory_space<semaphore_mem>>, %arg19: memref<!tpu.dma_semaphore, #tpu.memory_space<semaphore_mem>>, %arg20: memref<!tpu.dma_semaphore, #tpu.memory_space<semaphore_mem>>, %arg21: memref<!tpu.dma_semaphore, #tpu.memory_space<semaphore_mem>>, %arg22: memref<!tpu.dma_semaphore, #tpu.memory_space<semaphore_mem>>, %arg23: memref<!tpu.dma_semaphore, #tpu.memory_space<semaphore_mem>>, %arg24: memref<!tpu.dma_semaphore, #tpu.memory_space<semaphore_mem>>, %arg25: memref<!tpu.dma_semaphore, #tpu.memory_space<semaphore_mem>>, %arg26: memref<!tpu.dma_semaphore, #tpu.memory_space<semaphore_mem>>, %arg27: memref<!tpu.dma_semaphore, #tpu.memory_space<semaphore_mem>>, %arg28: memref<!tpu.dma_semaphore, #tpu.memory_space<semaphore_mem>>, %arg29: memref<!tpu.dma_semaphore, #tpu.memory_space<semaphore_mem>>, %arg30: memref<!tpu.dma_semaphore, #tpu.memory_space<semaphore_mem>>, %arg31: memref<!tpu.dma_semaphore, #tpu.memory_space<semaphore_mem>>, %arg32: memref<10240xf32, #tpu.memory_space<vmem_shared>>, %arg33: memref<10240xf32, #tpu.memory_space<vmem_shared>>) attributes {dimension_semantics = [#tpu.dimension_semantics<core_parallel>, #tpu.dimension_semantics<subcore_parallel>], iteration_bounds = array<i64: 2, 16>, scalar_prefetch = 0 : i64, scratch_operands = 28 : i64, tpu.core_type = #tpu.core_type<sc_vector_subcore>, window_params = [{transform_indices = #map}, {transform_indices = #map1}, {transform_indices = #map}, {transform_indices = #map2}]} {
    %mul3A = arith.constant 2 : i32
    %mul3A_0 = arith.muli %arg1, %mul3A : i32
    %add3A = arith.addi %mul3A_0, %arg0 : i32
    %run_scoped3A = arith.constant 0 : i32
    "tpu.region"() ({
      %run_scoped3A_114 = tpu.sem_alloc : memref<!tpu.dma_semaphore, #tpu.memory_space<semaphore_mem>>
      %dma_start3A_115 = arith.constant 0 : i32
      %dma_start3A_116 = arith.constant 0 : i32
      %dma_start3A_117 = tpu.memref_slice %arg3[%run_scoped3A, %add3A, %dma_start3A_115, %dma_start3A_116] : memref<2x32x80x125xi32, #tpu.memory_space<hbm>> -> memref<1x1x80x125xi32, #tpu.memory_space<hbm>>
      %dma_start3A_118 = tpu.memref_squeeze %dma_start3A_117 : memref<1x1x80x125xi32, #tpu.memory_space<hbm>> -> memref<80x125xi32, #tpu.memory_space<hbm>>
      %dma_start3A_119 = arith.constant 0 : i32
      %dma_start3A_120 = arith.constant 0 : i32
      %dma_start3A_121 = tpu.memref_slice %arg3[%run_scoped3A, %add3A, %dma_start3A_119, %dma_start3A_120] : memref<2x32x80x125xi32, #tpu.memory_space<hbm>> -> memref<1x1x80x125xi32, #tpu.memory_space<hbm>>
      %dma_start3A_122 = tpu.memref_squeeze %dma_start3A_121 : memref<1x1x80x125xi32, #tpu.memory_space<hbm>> -> memref<80x125xi32, #tpu.memory_space<hbm>>
      tpu.enqueue_dma source(%dma_start3A_122 : memref<80x125xi32, #tpu.memory_space<hbm>>) target(%arg6 : memref<80x125xi32, #tpu.memory_space<vmem>>) target_semaphore(%run_scoped3A_114 : memref<!tpu.dma_semaphore, #tpu.memory_space<semaphore_mem>>)
      %dma_wait3A_123 = arith.constant 0 : i32
      %dma_wait3A_124 = arith.constant 0 : i32
      %dma_wait3A_125 = tpu.memref_slice %arg3[%run_scoped3A, %add3A, %dma_wait3A_123, %dma_wait3A_124] : memref<2x32x80x125xi32, #tpu.memory_space<hbm>> -> memref<1x1x80x125xi32, #tpu.memory_space<hbm>>
      %dma_wait3A_126 = tpu.memref_squeeze %dma_wait3A_125 : memref<1x1x80x125xi32, #tpu.memory_space<hbm>> -> memref<80x125xi32, #tpu.memory_space<hbm>>
      %dma_wait3A_127 = arith.constant 0 : i32
      %dma_wait3A_128 = arith.constant 0 : i32
      %dma_wait3A_129 = tpu.memref_slice %arg3[%run_scoped3A, %add3A, %dma_wait3A_127, %dma_wait3A_128] : memref<2x32x80x125xi32, #tpu.memory_space<hbm>> -> memref<1x1x80x125xi32, #tpu.memory_space<hbm>>
      %dma_wait3A_130 = tpu.memref_squeeze %dma_wait3A_129 : memref<1x1x80x125xi32, #tpu.memory_space<hbm>> -> memref<80x125xi32, #tpu.memory_space<hbm>>
      tpu.wait_dma2 semaphore(%run_scoped3A_114 : memref<!tpu.dma_semaphore, #tpu.memory_space<semaphore_mem>>) src(%dma_wait3A_130 : memref<80x125xi32, #tpu.memory_space<hbm>>) dst(%arg6 : memref<80x125xi32, #tpu.memory_space<vmem>>)
      tpu.yield
    }) : () -> ()
    %run_scoped3A_1 = arith.constant 1 : i32
    "tpu.region"() ({
      %run_scoped3A_114 = tpu.sem_alloc : memref<!tpu.dma_semaphore, #tpu.memory_space<semaphore_mem>>
      %dma_start3A_115 = arith.constant 0 : i32
      %dma_start3A_116 = arith.constant 0 : i32
      %dma_start3A_117 = tpu.memref_slice %arg3[%run_scoped3A_1, %add3A, %dma_start3A_115, %dma_start3A_116] : memref<2x32x80x125xi32, #tpu.memory_space<hbm>> -> memref<1x1x80x125xi32, #tpu.memory_space<hbm>>
      %dma_start3A_118 = tpu.memref_squeeze %dma_start3A_117 : memref<1x1x80x125xi32, #tpu.memory_space<hbm>> -> memref<80x125xi32, #tpu.memory_space<hbm>>
      %dma_start3A_119 = arith.constant 0 : i32
      %dma_start3A_120 = arith.constant 0 : i32
      %dma_start3A_121 = tpu.memref_slice %arg3[%run_scoped3A_1, %add3A, %dma_start3A_119, %dma_start3A_120] : memref<2x32x80x125xi32, #tpu.memory_space<hbm>> -> memref<1x1x80x125xi32, #tpu.memory_space<hbm>>
      %dma_start3A_122 = tpu.memref_squeeze %dma_start3A_121 : memref<1x1x80x125xi32, #tpu.memory_space<hbm>> -> memref<80x125xi32, #tpu.memory_space<hbm>>
      tpu.enqueue_dma source(%dma_start3A_122 : memref<80x125xi32, #tpu.memory_space<hbm>>) target(%arg7 : memref<80x125xi32, #tpu.memory_space<vmem>>) target_semaphore(%run_scoped3A_114 : memref<!tpu.dma_semaphore, #tpu.memory_space<semaphore_mem>>)
      %dma_wait3A_123 = arith.constant 0 : i32
      %dma_wait3A_124 = arith.constant 0 : i32
      %dma_wait3A_125 = tpu.memref_slice %arg3[%run_scoped3A_1, %add3A, %dma_wait3A_123, %dma_wait3A_124] : memref<2x32x80x125xi32, #tpu.memory_space<hbm>> -> memref<1x1x80x125xi32, #tpu.memory_space<hbm>>
      %dma_wait3A_126 = tpu.memref_squeeze %dma_wait3A_125 : memref<1x1x80x125xi32, #tpu.memory_space<hbm>> -> memref<80x125xi32, #tpu.memory_space<hbm>>
      %dma_wait3A_127 = arith.constant 0 : i32
      %dma_wait3A_128 = arith.constant 0 : i32
      %dma_wait3A_129 = tpu.memref_slice %arg3[%run_scoped3A_1, %add3A, %dma_wait3A_127, %dma_wait3A_128] : memref<2x32x80x125xi32, #tpu.memory_space<hbm>> -> memref<1x1x80x125xi32, #tpu.memory_space<hbm>>
      %dma_wait3A_130 = tpu.memref_squeeze %dma_wait3A_129 : memref<1x1x80x125xi32, #tpu.memory_space<hbm>> -> memref<80x125xi32, #tpu.memory_space<hbm>>
      tpu.wait_dma2 semaphore(%run_scoped3A_114 : memref<!tpu.dma_semaphore, #tpu.memory_space<semaphore_mem>>) src(%dma_wait3A_130 : memref<80x125xi32, #tpu.memory_space<hbm>>) dst(%arg7 : memref<80x125xi32, #tpu.memory_space<vmem>>)
      tpu.yield
    }) : () -> ()
    %mul3A_2 = arith.constant 640 : i32
    %mul3A_3 = arith.muli %arg1, %mul3A_2 : i32
    %mul3A_4 = arith.constant 640 : i32
    %mul3A_5 = arith.muli %arg1, %mul3A_4 : i32
    "tpu.region"() ({
      %run_scoped3A_114 = tpu.sem_alloc : memref<!tpu.dma_semaphore, #tpu.memory_space<semaphore_mem>>
      %dma_start3A_115 = tpu.memref_slice %arg32[%mul3A_5] : memref<10240xf32, #tpu.memory_space<vmem_shared>> -> memref<640xf32, #tpu.memory_space<vmem_shared>>
      %dma_start3A_116 = tpu.memref_slice %arg4[%mul3A_3] : memref<10240xf32, #tpu.memory_space<hbm>> -> memref<640xf32, #tpu.memory_space<hbm>>
      tpu.enqueue_dma source(%dma_start3A_116 : memref<640xf32, #tpu.memory_space<hbm>>) target(%dma_start3A_115 : memref<640xf32, #tpu.memory_space<vmem_shared>>) target_semaphore(%run_scoped3A_114 : memref<!tpu.dma_semaphore, #tpu.memory_space<semaphore_mem>>)
      %dma_wait3A_117 = tpu.memref_slice %arg32[%mul3A_5] : memref<10240xf32, #tpu.memory_space<vmem_shared>> -> memref<640xf32, #tpu.memory_space<vmem_shared>>
      %dma_wait3A_118 = tpu.memref_slice %arg4[%mul3A_3] : memref<10240xf32, #tpu.memory_space<hbm>> -> memref<640xf32, #tpu.memory_space<hbm>>
      tpu.wait_dma2 semaphore(%run_scoped3A_114 : memref<!tpu.dma_semaphore, #tpu.memory_space<semaphore_mem>>) src(%dma_wait3A_118 : memref<640xf32, #tpu.memory_space<hbm>>) dst(%dma_wait3A_117 : memref<640xf32, #tpu.memory_space<vmem_shared>>)
      tpu.yield
    }) : () -> ()
    %mul3A_6 = arith.constant 640 : i32
    %mul3A_7 = arith.muli %arg1, %mul3A_6 : i32
    %mul3A_8 = arith.constant 640 : i32
    %mul3A_9 = arith.muli %arg1, %mul3A_8 : i32
    "tpu.region"() ({
      %run_scoped3A_114 = tpu.sem_alloc : memref<!tpu.dma_semaphore, #tpu.memory_space<semaphore_mem>>
      %dma_start3A_115 = tpu.memref_slice %arg33[%mul3A_9] : memref<10240xf32, #tpu.memory_space<vmem_shared>> -> memref<640xf32, #tpu.memory_space<vmem_shared>>
      %dma_start3A_116 = tpu.memref_slice %arg2[%mul3A_7] : memref<10240xf32, #tpu.memory_space<hbm>> -> memref<640xf32, #tpu.memory_space<hbm>>
      tpu.enqueue_dma source(%dma_start3A_116 : memref<640xf32, #tpu.memory_space<hbm>>) target(%dma_start3A_115 : memref<640xf32, #tpu.memory_space<vmem_shared>>) target_semaphore(%run_scoped3A_114 : memref<!tpu.dma_semaphore, #tpu.memory_space<semaphore_mem>>)
      %dma_wait3A_117 = tpu.memref_slice %arg33[%mul3A_9] : memref<10240xf32, #tpu.memory_space<vmem_shared>> -> memref<640xf32, #tpu.memory_space<vmem_shared>>
      %dma_wait3A_118 = tpu.memref_slice %arg2[%mul3A_7] : memref<10240xf32, #tpu.memory_space<hbm>> -> memref<640xf32, #tpu.memory_space<hbm>>
      tpu.wait_dma2 semaphore(%run_scoped3A_114 : memref<!tpu.dma_semaphore, #tpu.memory_space<semaphore_mem>>) src(%dma_wait3A_118 : memref<640xf32, #tpu.memory_space<hbm>>) dst(%dma_wait3A_117 : memref<640xf32, #tpu.memory_space<vmem_shared>>)
      tpu.yield
    }) : () -> ()
    %barrier3A = arith.constant 0 : index
    tpu.barrier barrier_id(%barrier3A)
    %dma_start3A = arith.constant 0 : i32
    %dma_start3A_10 = arith.constant 0 : i32
    %dma_start3A_11 = tpu.memref_slice %arg6[%dma_start3A, %dma_start3A_10] : memref<80x125xi32, #tpu.memory_space<vmem>> -> memref<1x125xi32, #tpu.memory_space<vmem>>
    %dma_start3A_12 = tpu.memref_squeeze %dma_start3A_11 : memref<1x125xi32, #tpu.memory_space<vmem>> -> memref<125xi32, #tpu.memory_space<vmem>>
    %dma_start3A_13 = arith.constant 0 : i32
    %dma_start3A_14 = tpu.memref_slice %arg33[%dma_start3A_13] : memref<10240xf32, #tpu.memory_space<vmem_shared>> -> memref<10240xf32, #tpu.memory_space<vmem_shared>>
    tpu.enqueue_indirect_dma source(%dma_start3A_14 : memref<10240xf32, #tpu.memory_space<vmem_shared>>) target(%arg8 : memref<125xf32, #tpu.memory_space<vmem>>) offsets(%dma_start3A_12 : memref<125xi32, #tpu.memory_space<vmem>>) semaphore(%arg16 : memref<!tpu.dma_semaphore, #tpu.memory_space<semaphore_mem>>)
    %dma_start3A_15 = arith.constant 1 : i32
    %dma_start3A_16 = arith.constant 0 : i32
    %dma_start3A_17 = tpu.memref_slice %arg6[%dma_start3A_15, %dma_start3A_16] : memref<80x125xi32, #tpu.memory_space<vmem>> -> memref<1x125xi32, #tpu.memory_space<vmem>>
    %dma_start3A_18 = tpu.memref_squeeze %dma_start3A_17 : memref<1x125xi32, #tpu.memory_space<vmem>> -> memref<125xi32, #tpu.memory_space<vmem>>
    %dma_start3A_19 = arith.constant 0 : i32
    %dma_start3A_20 = tpu.memref_slice %arg33[%dma_start3A_19] : memref<10240xf32, #tpu.memory_space<vmem_shared>> -> memref<10240xf32, #tpu.memory_space<vmem_shared>>
    tpu.enqueue_indirect_dma source(%dma_start3A_20 : memref<10240xf32, #tpu.memory_space<vmem_shared>>) target(%arg9 : memref<125xf32, #tpu.memory_space<vmem>>) offsets(%dma_start3A_18 : memref<125xi32, #tpu.memory_space<vmem>>) semaphore(%arg17 : memref<!tpu.dma_semaphore, #tpu.memory_space<semaphore_mem>>)
    %dma_start3A_21 = arith.constant 2 : i32
    %dma_start3A_22 = arith.constant 0 : i32
    %dma_start3A_23 = tpu.memref_slice %arg6[%dma_start3A_21, %dma_start3A_22] : memref<80x125xi32, #tpu.memory_space<vmem>> -> memref<1x125xi32, #tpu.memory_space<vmem>>
    %dma_start3A_24 = tpu.memref_squeeze %dma_start3A_23 : memref<1x125xi32, #tpu.memory_space<vmem>> -> memref<125xi32, #tpu.memory_space<vmem>>
    %dma_start3A_25 = arith.constant 0 : i32
    %dma_start3A_26 = tpu.memref_slice %arg33[%dma_start3A_25] : memref<10240xf32, #tpu.memory_space<vmem_shared>> -> memref<10240xf32, #tpu.memory_space<vmem_shared>>
    tpu.enqueue_indirect_dma source(%dma_start3A_26 : memref<10240xf32, #tpu.memory_space<vmem_shared>>) target(%arg10 : memref<125xf32, #tpu.memory_space<vmem>>) offsets(%dma_start3A_24 : memref<125xi32, #tpu.memory_space<vmem>>) semaphore(%arg18 : memref<!tpu.dma_semaphore, #tpu.memory_space<semaphore_mem>>)
    %dma_start3A_27 = arith.constant 3 : i32
    %dma_start3A_28 = arith.constant 0 : i32
    %dma_start3A_29 = tpu.memref_slice %arg6[%dma_start3A_27, %dma_start3A_28] : memref<80x125xi32, #tpu.memory_space<vmem>> -> memref<1x125xi32, #tpu.memory_space<vmem>>
    %dma_start3A_30 = tpu.memref_squeeze %dma_start3A_29 : memref<1x125xi32, #tpu.memory_space<vmem>> -> memref<125xi32, #tpu.memory_space<vmem>>
    %dma_start3A_31 = arith.constant 0 : i32
    %dma_start3A_32 = tpu.memref_slice %arg33[%dma_start3A_31] : memref<10240xf32, #tpu.memory_space<vmem_shared>> -> memref<10240xf32, #tpu.memory_space<vmem_shared>>
    tpu.enqueue_indirect_dma source(%dma_start3A_32 : memref<10240xf32, #tpu.memory_space<vmem_shared>>) target(%arg11 : memref<125xf32, #tpu.memory_space<vmem>>) offsets(%dma_start3A_30 : memref<125xi32, #tpu.memory_space<vmem>>) semaphore(%arg19 : memref<!tpu.dma_semaphore, #tpu.memory_space<semaphore_mem>>)
    %dma_start3A_33 = arith.constant 4 : i32
    %dma_start3A_34 = arith.constant 0 : i32
    %dma_start3A_35 = tpu.memref_slice %arg6[%dma_start3A_33, %dma_start3A_34] : memref<80x125xi32, #tpu.memory_space<vmem>> -> memref<1x125xi32, #tpu.memory_space<vmem>>
    %dma_start3A_36 = tpu.memref_squeeze %dma_start3A_35 : memref<1x125xi32, #tpu.memory_space<vmem>> -> memref<125xi32, #tpu.memory_space<vmem>>
    %dma_start3A_37 = arith.constant 0 : i32
    %dma_start3A_38 = tpu.memref_slice %arg33[%dma_start3A_37] : memref<10240xf32, #tpu.memory_space<vmem_shared>> -> memref<10240xf32, #tpu.memory_space<vmem_shared>>
    tpu.enqueue_indirect_dma source(%dma_start3A_38 : memref<10240xf32, #tpu.memory_space<vmem_shared>>) target(%arg12 : memref<125xf32, #tpu.memory_space<vmem>>) offsets(%dma_start3A_36 : memref<125xi32, #tpu.memory_space<vmem>>) semaphore(%arg20 : memref<!tpu.dma_semaphore, #tpu.memory_space<semaphore_mem>>)
    %dma_start3A_39 = arith.constant 5 : i32
    %dma_start3A_40 = arith.constant 0 : i32
    %dma_start3A_41 = tpu.memref_slice %arg6[%dma_start3A_39, %dma_start3A_40] : memref<80x125xi32, #tpu.memory_space<vmem>> -> memref<1x125xi32, #tpu.memory_space<vmem>>
    %dma_start3A_42 = tpu.memref_squeeze %dma_start3A_41 : memref<1x125xi32, #tpu.memory_space<vmem>> -> memref<125xi32, #tpu.memory_space<vmem>>
    %dma_start3A_43 = arith.constant 0 : i32
    %dma_start3A_44 = tpu.memref_slice %arg33[%dma_start3A_43] : memref<10240xf32, #tpu.memory_space<vmem_shared>> -> memref<10240xf32, #tpu.memory_space<vmem_shared>>
    tpu.enqueue_indirect_dma source(%dma_start3A_44 : memref<10240xf32, #tpu.memory_space<vmem_shared>>) target(%arg13 : memref<125xf32, #tpu.memory_space<vmem>>) offsets(%dma_start3A_42 : memref<125xi32, #tpu.memory_space<vmem>>) semaphore(%arg21 : memref<!tpu.dma_semaphore, #tpu.memory_space<semaphore_mem>>)
    %dma_start3A_45 = arith.constant 6 : i32
    %dma_start3A_46 = arith.constant 0 : i32
    %dma_start3A_47 = tpu.memref_slice %arg6[%dma_start3A_45, %dma_start3A_46] : memref<80x125xi32, #tpu.memory_space<vmem>> -> memref<1x125xi32, #tpu.memory_space<vmem>>
    %dma_start3A_48 = tpu.memref_squeeze %dma_start3A_47 : memref<1x125xi32, #tpu.memory_space<vmem>> -> memref<125xi32, #tpu.memory_space<vmem>>
    %dma_start3A_49 = arith.constant 0 : i32
    %dma_start3A_50 = tpu.memref_slice %arg33[%dma_start3A_49] : memref<10240xf32, #tpu.memory_space<vmem_shared>> -> memref<10240xf32, #tpu.memory_space<vmem_shared>>
    tpu.enqueue_indirect_dma source(%dma_start3A_50 : memref<10240xf32, #tpu.memory_space<vmem_shared>>) target(%arg14 : memref<125xf32, #tpu.memory_space<vmem>>) offsets(%dma_start3A_48 : memref<125xi32, #tpu.memory_space<vmem>>) semaphore(%arg22 : memref<!tpu.dma_semaphore, #tpu.memory_space<semaphore_mem>>)
    %dma_start3A_51 = arith.constant 7 : i32
    %dma_start3A_52 = arith.constant 0 : i32
    %dma_start3A_53 = tpu.memref_slice %arg6[%dma_start3A_51, %dma_start3A_52] : memref<80x125xi32, #tpu.memory_space<vmem>> -> memref<1x125xi32, #tpu.memory_space<vmem>>
    %dma_start3A_54 = tpu.memref_squeeze %dma_start3A_53 : memref<1x125xi32, #tpu.memory_space<vmem>> -> memref<125xi32, #tpu.memory_space<vmem>>
    %dma_start3A_55 = arith.constant 0 : i32
    %dma_start3A_56 = tpu.memref_slice %arg33[%dma_start3A_55] : memref<10240xf32, #tpu.memory_space<vmem_shared>> -> memref<10240xf32, #tpu.memory_space<vmem_shared>>
    tpu.enqueue_indirect_dma source(%dma_start3A_56 : memref<10240xf32, #tpu.memory_space<vmem_shared>>) target(%arg15 : memref<125xf32, #tpu.memory_space<vmem>>) offsets(%dma_start3A_54 : memref<125xi32, #tpu.memory_space<vmem>>) semaphore(%arg23 : memref<!tpu.dma_semaphore, #tpu.memory_space<semaphore_mem>>)
    %scan3A = arith.constant 0 : i32
    %scan3A_57 = arith.constant 0 : i32
    %scan3A_58 = arith.constant 10 : i32
    %scan3A_59 = arith.addi %scan3A_57, %scan3A_58 : i32
    %scan3A_60 = arith.constant 1 : i32
    scf.for %scan3A_114 = %scan3A_57 to %scan3A_59 step %scan3A_60  : i32 {
      %mul3A_115 = arith.constant 8 : i32
      %mul3A_116 = arith.muli %mul3A_115, %scan3A_114 : i32
      %add3A_117 = arith.constant 0 : i32
      %add3A_118 = arith.addi %mul3A_116, %add3A_117 : i32
      %dma_wait3A_119 = arith.constant 0 : i32
      %dma_wait3A_120 = tpu.memref_slice %arg6[%add3A_118, %dma_wait3A_119] : memref<80x125xi32, #tpu.memory_space<vmem>> -> memref<1x125xi32, #tpu.memory_space<vmem>>
      %dma_wait3A_121 = tpu.memref_squeeze %dma_wait3A_120 : memref<1x125xi32, #tpu.memory_space<vmem>> -> memref<125xi32, #tpu.memory_space<vmem>>
      %dma_wait3A_122 = arith.constant 0 : i32
      %dma_wait3A_123 = tpu.memref_slice %arg33[%dma_wait3A_122] : memref<10240xf32, #tpu.memory_space<vmem_shared>> -> memref<10240xf32, #tpu.memory_space<vmem_shared>>
      tpu.wait_indirect_dma semaphore(%arg16 : memref<!tpu.dma_semaphore, #tpu.memory_space<semaphore_mem>>) src(%dma_wait3A_123 : memref<10240xf32, #tpu.memory_space<vmem_shared>>) dst(%arg8 : memref<125xf32, #tpu.memory_space<vmem>>)
      %dma_start3A_124 = arith.constant 0 : i32
      %dma_start3A_125 = tpu.memref_slice %arg7[%add3A_118, %dma_start3A_124] : memref<80x125xi32, #tpu.memory_space<vmem>> -> memref<1x125xi32, #tpu.memory_space<vmem>>
      %dma_start3A_126 = tpu.memref_squeeze %dma_start3A_125 : memref<1x125xi32, #tpu.memory_space<vmem>> -> memref<125xi32, #tpu.memory_space<vmem>>
      %dma_start3A_127 = arith.constant 0 : i32
      %dma_start3A_128 = tpu.memref_slice %arg32[%dma_start3A_127] : memref<10240xf32, #tpu.memory_space<vmem_shared>> -> memref<10240xf32, #tpu.memory_space<vmem_shared>>
      tpu.enqueue_indirect_dma source(%arg8 : memref<125xf32, #tpu.memory_space<vmem>>) target(%dma_start3A_128 : memref<10240xf32, #tpu.memory_space<vmem_shared>>) offsets(%dma_start3A_126 : memref<125xi32, #tpu.memory_space<vmem>>) semaphore(%arg24 : memref<!tpu.dma_semaphore, #tpu.memory_space<semaphore_mem>>) {add = true}
      %add3A_129 = arith.constant 8 : i32
      %add3A_130 = arith.addi %add3A_118, %add3A_129 : i32
      %lt3A = arith.constant 80 : i32
      %lt3A_131 = arith.cmpi slt, %add3A_130, %lt3A : i32
      %convert_element_type3A = arith.extui %lt3A_131 : i1 to i32
      %cond3A = arith.constant 0 : i32
      %cond3A_132 = arith.cmpi ne, %convert_element_type3A, %cond3A : i32
      scf.if %cond3A_132 {
        %dma_wait3A_280 = arith.constant 0 : i32
        %dma_wait3A_281 = tpu.memref_slice %arg7[%add3A_118, %dma_wait3A_280] : memref<80x125xi32, #tpu.memory_space<vmem>> -> memref<1x125xi32, #tpu.memory_space<vmem>>
        %dma_wait3A_282 = tpu.memref_squeeze %dma_wait3A_281 : memref<1x125xi32, #tpu.memory_space<vmem>> -> memref<125xi32, #tpu.memory_space<vmem>>
        %dma_wait3A_283 = arith.constant 0 : i32
        %dma_wait3A_284 = tpu.memref_slice %arg32[%dma_wait3A_283] : memref<10240xf32, #tpu.memory_space<vmem_shared>> -> memref<10240xf32, #tpu.memory_space<vmem_shared>>
        tpu.wait_indirect_dma semaphore(%arg24 : memref<!tpu.dma_semaphore, #tpu.memory_space<semaphore_mem>>) src(%arg8 : memref<125xf32, #tpu.memory_space<vmem>>) dst(%dma_wait3A_284 : memref<10240xf32, #tpu.memory_space<vmem_shared>>)
        %add3A_285 = arith.constant 8 : i32
        %add3A_286 = arith.addi %add3A_118, %add3A_285 : i32
        %dma_start3A_287 = arith.constant 0 : i32
        %dma_start3A_288 = tpu.memref_slice %arg6[%add3A_286, %dma_start3A_287] : memref<80x125xi32, #tpu.memory_space<vmem>> -> memref<1x125xi32, #tpu.memory_space<vmem>>
        %dma_start3A_289 = tpu.memref_squeeze %dma_start3A_288 : memref<1x125xi32, #tpu.memory_space<vmem>> -> memref<125xi32, #tpu.memory_space<vmem>>
        %dma_start3A_290 = arith.constant 0 : i32
        %dma_start3A_291 = tpu.memref_slice %arg33[%dma_start3A_290] : memref<10240xf32, #tpu.memory_space<vmem_shared>> -> memref<10240xf32, #tpu.memory_space<vmem_shared>>
        tpu.enqueue_indirect_dma source(%dma_start3A_291 : memref<10240xf32, #tpu.memory_space<vmem_shared>>) target(%arg8 : memref<125xf32, #tpu.memory_space<vmem>>) offsets(%dma_start3A_289 : memref<125xi32, #tpu.memory_space<vmem>>) semaphore(%arg16 : memref<!tpu.dma_semaphore, #tpu.memory_space<semaphore_mem>>)
      } else {
      }
      %mul3A_133 = arith.constant 8 : i32
      %mul3A_134 = arith.muli %mul3A_133, %scan3A_114 : i32
      %add3A_135 = arith.constant 1 : i32
      %add3A_136 = arith.addi %mul3A_134, %add3A_135 : i32
      %dma_wait3A_137 = arith.constant 0 : i32
      %dma_wait3A_138 = tpu.memref_slice %arg6[%add3A_136, %dma_wait3A_137] : memref<80x125xi32, #tpu.memory_space<vmem>> -> memref<1x125xi32, #tpu.memory_space<vmem>>
      %dma_wait3A_139 = tpu.memref_squeeze %dma_wait3A_138 : memref<1x125xi32, #tpu.memory_space<vmem>> -> memref<125xi32, #tpu.memory_space<vmem>>
      %dma_wait3A_140 = arith.constant 0 : i32
      %dma_wait3A_141 = tpu.memref_slice %arg33[%dma_wait3A_140] : memref<10240xf32, #tpu.memory_space<vmem_shared>> -> memref<10240xf32, #tpu.memory_space<vmem_shared>>
      tpu.wait_indirect_dma semaphore(%arg17 : memref<!tpu.dma_semaphore, #tpu.memory_space<semaphore_mem>>) src(%dma_wait3A_141 : memref<10240xf32, #tpu.memory_space<vmem_shared>>) dst(%arg9 : memref<125xf32, #tpu.memory_space<vmem>>)
      %dma_start3A_142 = arith.constant 0 : i32
      %dma_start3A_143 = tpu.memref_slice %arg7[%add3A_136, %dma_start3A_142] : memref<80x125xi32, #tpu.memory_space<vmem>> -> memref<1x125xi32, #tpu.memory_space<vmem>>
      %dma_start3A_144 = tpu.memref_squeeze %dma_start3A_143 : memref<1x125xi32, #tpu.memory_space<vmem>> -> memref<125xi32, #tpu.memory_space<vmem>>
      %dma_start3A_145 = arith.constant 0 : i32
      %dma_start3A_146 = tpu.memref_slice %arg32[%dma_start3A_145] : memref<10240xf32, #tpu.memory_space<vmem_shared>> -> memref<10240xf32, #tpu.memory_space<vmem_shared>>
      tpu.enqueue_indirect_dma source(%arg9 : memref<125xf32, #tpu.memory_space<vmem>>) target(%dma_start3A_146 : memref<10240xf32, #tpu.memory_space<vmem_shared>>) offsets(%dma_start3A_144 : memref<125xi32, #tpu.memory_space<vmem>>) semaphore(%arg25 : memref<!tpu.dma_semaphore, #tpu.memory_space<semaphore_mem>>) {add = true}
      %add3A_147 = arith.constant 8 : i32
      %add3A_148 = arith.addi %add3A_136, %add3A_147 : i32
      %lt3A_149 = arith.constant 80 : i32
      %lt3A_150 = arith.cmpi slt, %add3A_148, %lt3A_149 : i32
      %convert_element_type3A_151 = arith.extui %lt3A_150 : i1 to i32
      %cond3A_152 = arith.constant 0 : i32
      %cond3A_153 = arith.cmpi ne, %convert_element_type3A_151, %cond3A_152 : i32
      scf.if %cond3A_153 {
        %dma_wait3A_280 = arith.constant 0 : i32
        %dma_wait3A_281 = tpu.memref_slice %arg7[%add3A_136, %dma_wait3A_280] : memref<80x125xi32, #tpu.memory_space<vmem>> -> memref<1x125xi32, #tpu.memory_space<vmem>>
        %dma_wait3A_282 = tpu.memref_squeeze %dma_wait3A_281 : memref<1x125xi32, #tpu.memory_space<vmem>> -> memref<125xi32, #tpu.memory_space<vmem>>
        %dma_wait3A_283 = arith.constant 0 : i32
        %dma_wait3A_284 = tpu.memref_slice %arg32[%dma_wait3A_283] : memref<10240xf32, #tpu.memory_space<vmem_shared>> -> memref<10240xf32, #tpu.memory_space<vmem_shared>>
        tpu.wait_indirect_dma semaphore(%arg25 : memref<!tpu.dma_semaphore, #tpu.memory_space<semaphore_mem>>) src(%arg9 : memref<125xf32, #tpu.memory_space<vmem>>) dst(%dma_wait3A_284 : memref<10240xf32, #tpu.memory_space<vmem_shared>>)
        %add3A_285 = arith.constant 8 : i32
        %add3A_286 = arith.addi %add3A_136, %add3A_285 : i32
        %dma_start3A_287 = arith.constant 0 : i32
        %dma_start3A_288 = tpu.memref_slice %arg6[%add3A_286, %dma_start3A_287] : memref<80x125xi32, #tpu.memory_space<vmem>> -> memref<1x125xi32, #tpu.memory_space<vmem>>
        %dma_start3A_289 = tpu.memref_squeeze %dma_start3A_288 : memref<1x125xi32, #tpu.memory_space<vmem>> -> memref<125xi32, #tpu.memory_space<vmem>>
        %dma_start3A_290 = arith.constant 0 : i32
        %dma_start3A_291 = tpu.memref_slice %arg33[%dma_start3A_290] : memref<10240xf32, #tpu.memory_space<vmem_shared>> -> memref<10240xf32, #tpu.memory_space<vmem_shared>>
        tpu.enqueue_indirect_dma source(%dma_start3A_291 : memref<10240xf32, #tpu.memory_space<vmem_shared>>) target(%arg9 : memref<125xf32, #tpu.memory_space<vmem>>) offsets(%dma_start3A_289 : memref<125xi32, #tpu.memory_space<vmem>>) semaphore(%arg17 : memref<!tpu.dma_semaphore, #tpu.memory_space<semaphore_mem>>)
      } else {
      }
      %mul3A_154 = arith.constant 8 : i32
      %mul3A_155 = arith.muli %mul3A_154, %scan3A_114 : i32
      %add3A_156 = arith.constant 2 : i32
      %add3A_157 = arith.addi %mul3A_155, %add3A_156 : i32
      %dma_wait3A_158 = arith.constant 0 : i32
      %dma_wait3A_159 = tpu.memref_slice %arg6[%add3A_157, %dma_wait3A_158] : memref<80x125xi32, #tpu.memory_space<vmem>> -> memref<1x125xi32, #tpu.memory_space<vmem>>
      %dma_wait3A_160 = tpu.memref_squeeze %dma_wait3A_159 : memref<1x125xi32, #tpu.memory_space<vmem>> -> memref<125xi32, #tpu.memory_space<vmem>>
      %dma_wait3A_161 = arith.constant 0 : i32
      %dma_wait3A_162 = tpu.memref_slice %arg33[%dma_wait3A_161] : memref<10240xf32, #tpu.memory_space<vmem_shared>> -> memref<10240xf32, #tpu.memory_space<vmem_shared>>
      tpu.wait_indirect_dma semaphore(%arg18 : memref<!tpu.dma_semaphore, #tpu.memory_space<semaphore_mem>>) src(%dma_wait3A_162 : memref<10240xf32, #tpu.memory_space<vmem_shared>>) dst(%arg10 : memref<125xf32, #tpu.memory_space<vmem>>)
      %dma_start3A_163 = arith.constant 0 : i32
      %dma_start3A_164 = tpu.memref_slice %arg7[%add3A_157, %dma_start3A_163] : memref<80x125xi32, #tpu.memory_space<vmem>> -> memref<1x125xi32, #tpu.memory_space<vmem>>
      %dma_start3A_165 = tpu.memref_squeeze %dma_start3A_164 : memref<1x125xi32, #tpu.memory_space<vmem>> -> memref<125xi32, #tpu.memory_space<vmem>>
      %dma_start3A_166 = arith.constant 0 : i32
      %dma_start3A_167 = tpu.memref_slice %arg32[%dma_start3A_166] : memref<10240xf32, #tpu.memory_space<vmem_shared>> -> memref<10240xf32, #tpu.memory_space<vmem_shared>>
      tpu.enqueue_indirect_dma source(%arg10 : memref<125xf32, #tpu.memory_space<vmem>>) target(%dma_start3A_167 : memref<10240xf32, #tpu.memory_space<vmem_shared>>) offsets(%dma_start3A_165 : memref<125xi32, #tpu.memory_space<vmem>>) semaphore(%arg26 : memref<!tpu.dma_semaphore, #tpu.memory_space<semaphore_mem>>) {add = true}
      %add3A_168 = arith.constant 8 : i32
      %add3A_169 = arith.addi %add3A_157, %add3A_168 : i32
      %lt3A_170 = arith.constant 80 : i32
      %lt3A_171 = arith.cmpi slt, %add3A_169, %lt3A_170 : i32
      %convert_element_type3A_172 = arith.extui %lt3A_171 : i1 to i32
      %cond3A_173 = arith.constant 0 : i32
      %cond3A_174 = arith.cmpi ne, %convert_element_type3A_172, %cond3A_173 : i32
      scf.if %cond3A_174 {
        %dma_wait3A_280 = arith.constant 0 : i32
        %dma_wait3A_281 = tpu.memref_slice %arg7[%add3A_157, %dma_wait3A_280] : memref<80x125xi32, #tpu.memory_space<vmem>> -> memref<1x125xi32, #tpu.memory_space<vmem>>
        %dma_wait3A_282 = tpu.memref_squeeze %dma_wait3A_281 : memref<1x125xi32, #tpu.memory_space<vmem>> -> memref<125xi32, #tpu.memory_space<vmem>>
        %dma_wait3A_283 = arith.constant 0 : i32
        %dma_wait3A_284 = tpu.memref_slice %arg32[%dma_wait3A_283] : memref<10240xf32, #tpu.memory_space<vmem_shared>> -> memref<10240xf32, #tpu.memory_space<vmem_shared>>
        tpu.wait_indirect_dma semaphore(%arg26 : memref<!tpu.dma_semaphore, #tpu.memory_space<semaphore_mem>>) src(%arg10 : memref<125xf32, #tpu.memory_space<vmem>>) dst(%dma_wait3A_284 : memref<10240xf32, #tpu.memory_space<vmem_shared>>)
        %add3A_285 = arith.constant 8 : i32
        %add3A_286 = arith.addi %add3A_157, %add3A_285 : i32
        %dma_start3A_287 = arith.constant 0 : i32
        %dma_start3A_288 = tpu.memref_slice %arg6[%add3A_286, %dma_start3A_287] : memref<80x125xi32, #tpu.memory_space<vmem>> -> memref<1x125xi32, #tpu.memory_space<vmem>>
        %dma_start3A_289 = tpu.memref_squeeze %dma_start3A_288 : memref<1x125xi32, #tpu.memory_space<vmem>> -> memref<125xi32, #tpu.memory_space<vmem>>
        %dma_start3A_290 = arith.constant 0 : i32
        %dma_start3A_291 = tpu.memref_slice %arg33[%dma_start3A_290] : memref<10240xf32, #tpu.memory_space<vmem_shared>> -> memref<10240xf32, #tpu.memory_space<vmem_shared>>
        tpu.enqueue_indirect_dma source(%dma_start3A_291 : memref<10240xf32, #tpu.memory_space<vmem_shared>>) target(%arg10 : memref<125xf32, #tpu.memory_space<vmem>>) offsets(%dma_start3A_289 : memref<125xi32, #tpu.memory_space<vmem>>) semaphore(%arg18 : memref<!tpu.dma_semaphore, #tpu.memory_space<semaphore_mem>>)
      } else {
      }
      %mul3A_175 = arith.constant 8 : i32
      %mul3A_176 = arith.muli %mul3A_175, %scan3A_114 : i32
      %add3A_177 = arith.constant 3 : i32
      %add3A_178 = arith.addi %mul3A_176, %add3A_177 : i32
      %dma_wait3A_179 = arith.constant 0 : i32
      %dma_wait3A_180 = tpu.memref_slice %arg6[%add3A_178, %dma_wait3A_179] : memref<80x125xi32, #tpu.memory_space<vmem>> -> memref<1x125xi32, #tpu.memory_space<vmem>>
      %dma_wait3A_181 = tpu.memref_squeeze %dma_wait3A_180 : memref<1x125xi32, #tpu.memory_space<vmem>> -> memref<125xi32, #tpu.memory_space<vmem>>
      %dma_wait3A_182 = arith.constant 0 : i32
      %dma_wait3A_183 = tpu.memref_slice %arg33[%dma_wait3A_182] : memref<10240xf32, #tpu.memory_space<vmem_shared>> -> memref<10240xf32, #tpu.memory_space<vmem_shared>>
      tpu.wait_indirect_dma semaphore(%arg19 : memref<!tpu.dma_semaphore, #tpu.memory_space<semaphore_mem>>) src(%dma_wait3A_183 : memref<10240xf32, #tpu.memory_space<vmem_shared>>) dst(%arg11 : memref<125xf32, #tpu.memory_space<vmem>>)
      %dma_start3A_184 = arith.constant 0 : i32
      %dma_start3A_185 = tpu.memref_slice %arg7[%add3A_178, %dma_start3A_184] : memref<80x125xi32, #tpu.memory_space<vmem>> -> memref<1x125xi32, #tpu.memory_space<vmem>>
      %dma_start3A_186 = tpu.memref_squeeze %dma_start3A_185 : memref<1x125xi32, #tpu.memory_space<vmem>> -> memref<125xi32, #tpu.memory_space<vmem>>
      %dma_start3A_187 = arith.constant 0 : i32
      %dma_start3A_188 = tpu.memref_slice %arg32[%dma_start3A_187] : memref<10240xf32, #tpu.memory_space<vmem_shared>> -> memref<10240xf32, #tpu.memory_space<vmem_shared>>
      tpu.enqueue_indirect_dma source(%arg11 : memref<125xf32, #tpu.memory_space<vmem>>) target(%dma_start3A_188 : memref<10240xf32, #tpu.memory_space<vmem_shared>>) offsets(%dma_start3A_186 : memref<125xi32, #tpu.memory_space<vmem>>) semaphore(%arg27 : memref<!tpu.dma_semaphore, #tpu.memory_space<semaphore_mem>>) {add = true}
      %add3A_189 = arith.constant 8 : i32
      %add3A_190 = arith.addi %add3A_178, %add3A_189 : i32
      %lt3A_191 = arith.constant 80 : i32
      %lt3A_192 = arith.cmpi slt, %add3A_190, %lt3A_191 : i32
      %convert_element_type3A_193 = arith.extui %lt3A_192 : i1 to i32
      %cond3A_194 = arith.constant 0 : i32
      %cond3A_195 = arith.cmpi ne, %convert_element_type3A_193, %cond3A_194 : i32
      scf.if %cond3A_195 {
        %dma_wait3A_280 = arith.constant 0 : i32
        %dma_wait3A_281 = tpu.memref_slice %arg7[%add3A_178, %dma_wait3A_280] : memref<80x125xi32, #tpu.memory_space<vmem>> -> memref<1x125xi32, #tpu.memory_space<vmem>>
        %dma_wait3A_282 = tpu.memref_squeeze %dma_wait3A_281 : memref<1x125xi32, #tpu.memory_space<vmem>> -> memref<125xi32, #tpu.memory_space<vmem>>
        %dma_wait3A_283 = arith.constant 0 : i32
        %dma_wait3A_284 = tpu.memref_slice %arg32[%dma_wait3A_283] : memref<10240xf32, #tpu.memory_space<vmem_shared>> -> memref<10240xf32, #tpu.memory_space<vmem_shared>>
        tpu.wait_indirect_dma semaphore(%arg27 : memref<!tpu.dma_semaphore, #tpu.memory_space<semaphore_mem>>) src(%arg11 : memref<125xf32, #tpu.memory_space<vmem>>) dst(%dma_wait3A_284 : memref<10240xf32, #tpu.memory_space<vmem_shared>>)
        %add3A_285 = arith.constant 8 : i32
        %add3A_286 = arith.addi %add3A_178, %add3A_285 : i32
        %dma_start3A_287 = arith.constant 0 : i32
        %dma_start3A_288 = tpu.memref_slice %arg6[%add3A_286, %dma_start3A_287] : memref<80x125xi32, #tpu.memory_space<vmem>> -> memref<1x125xi32, #tpu.memory_space<vmem>>
        %dma_start3A_289 = tpu.memref_squeeze %dma_start3A_288 : memref<1x125xi32, #tpu.memory_space<vmem>> -> memref<125xi32, #tpu.memory_space<vmem>>
        %dma_start3A_290 = arith.constant 0 : i32
        %dma_start3A_291 = tpu.memref_slice %arg33[%dma_start3A_290] : memref<10240xf32, #tpu.memory_space<vmem_shared>> -> memref<10240xf32, #tpu.memory_space<vmem_shared>>
        tpu.enqueue_indirect_dma source(%dma_start3A_291 : memref<10240xf32, #tpu.memory_space<vmem_shared>>) target(%arg11 : memref<125xf32, #tpu.memory_space<vmem>>) offsets(%dma_start3A_289 : memref<125xi32, #tpu.memory_space<vmem>>) semaphore(%arg19 : memref<!tpu.dma_semaphore, #tpu.memory_space<semaphore_mem>>)
      } else {
      }
      %mul3A_196 = arith.constant 8 : i32
      %mul3A_197 = arith.muli %mul3A_196, %scan3A_114 : i32
      %add3A_198 = arith.constant 4 : i32
      %add3A_199 = arith.addi %mul3A_197, %add3A_198 : i32
      %dma_wait3A_200 = arith.constant 0 : i32
      %dma_wait3A_201 = tpu.memref_slice %arg6[%add3A_199, %dma_wait3A_200] : memref<80x125xi32, #tpu.memory_space<vmem>> -> memref<1x125xi32, #tpu.memory_space<vmem>>
      %dma_wait3A_202 = tpu.memref_squeeze %dma_wait3A_201 : memref<1x125xi32, #tpu.memory_space<vmem>> -> memref<125xi32, #tpu.memory_space<vmem>>
      %dma_wait3A_203 = arith.constant 0 : i32
      %dma_wait3A_204 = tpu.memref_slice %arg33[%dma_wait3A_203] : memref<10240xf32, #tpu.memory_space<vmem_shared>> -> memref<10240xf32, #tpu.memory_space<vmem_shared>>
      tpu.wait_indirect_dma semaphore(%arg20 : memref<!tpu.dma_semaphore, #tpu.memory_space<semaphore_mem>>) src(%dma_wait3A_204 : memref<10240xf32, #tpu.memory_space<vmem_shared>>) dst(%arg12 : memref<125xf32, #tpu.memory_space<vmem>>)
      %dma_start3A_205 = arith.constant 0 : i32
      %dma_start3A_206 = tpu.memref_slice %arg7[%add3A_199, %dma_start3A_205] : memref<80x125xi32, #tpu.memory_space<vmem>> -> memref<1x125xi32, #tpu.memory_space<vmem>>
      %dma_start3A_207 = tpu.memref_squeeze %dma_start3A_206 : memref<1x125xi32, #tpu.memory_space<vmem>> -> memref<125xi32, #tpu.memory_space<vmem>>
      %dma_start3A_208 = arith.constant 0 : i32
      %dma_start3A_209 = tpu.memref_slice %arg32[%dma_start3A_208] : memref<10240xf32, #tpu.memory_space<vmem_shared>> -> memref<10240xf32, #tpu.memory_space<vmem_shared>>
      tpu.enqueue_indirect_dma source(%arg12 : memref<125xf32, #tpu.memory_space<vmem>>) target(%dma_start3A_209 : memref<10240xf32, #tpu.memory_space<vmem_shared>>) offsets(%dma_start3A_207 : memref<125xi32, #tpu.memory_space<vmem>>) semaphore(%arg28 : memref<!tpu.dma_semaphore, #tpu.memory_space<semaphore_mem>>) {add = true}
      %add3A_210 = arith.constant 8 : i32
      %add3A_211 = arith.addi %add3A_199, %add3A_210 : i32
      %lt3A_212 = arith.constant 80 : i32
      %lt3A_213 = arith.cmpi slt, %add3A_211, %lt3A_212 : i32
      %convert_element_type3A_214 = arith.extui %lt3A_213 : i1 to i32
      %cond3A_215 = arith.constant 0 : i32
      %cond3A_216 = arith.cmpi ne, %convert_element_type3A_214, %cond3A_215 : i32
      scf.if %cond3A_216 {
        %dma_wait3A_280 = arith.constant 0 : i32
        %dma_wait3A_281 = tpu.memref_slice %arg7[%add3A_199, %dma_wait3A_280] : memref<80x125xi32, #tpu.memory_space<vmem>> -> memref<1x125xi32, #tpu.memory_space<vmem>>
        %dma_wait3A_282 = tpu.memref_squeeze %dma_wait3A_281 : memref<1x125xi32, #tpu.memory_space<vmem>> -> memref<125xi32, #tpu.memory_space<vmem>>
        %dma_wait3A_283 = arith.constant 0 : i32
        %dma_wait3A_284 = tpu.memref_slice %arg32[%dma_wait3A_283] : memref<10240xf32, #tpu.memory_space<vmem_shared>> -> memref<10240xf32, #tpu.memory_space<vmem_shared>>
        tpu.wait_indirect_dma semaphore(%arg28 : memref<!tpu.dma_semaphore, #tpu.memory_space<semaphore_mem>>) src(%arg12 : memref<125xf32, #tpu.memory_space<vmem>>) dst(%dma_wait3A_284 : memref<10240xf32, #tpu.memory_space<vmem_shared>>)
        %add3A_285 = arith.constant 8 : i32
        %add3A_286 = arith.addi %add3A_199, %add3A_285 : i32
        %dma_start3A_287 = arith.constant 0 : i32
        %dma_start3A_288 = tpu.memref_slice %arg6[%add3A_286, %dma_start3A_287] : memref<80x125xi32, #tpu.memory_space<vmem>> -> memref<1x125xi32, #tpu.memory_space<vmem>>
        %dma_start3A_289 = tpu.memref_squeeze %dma_start3A_288 : memref<1x125xi32, #tpu.memory_space<vmem>> -> memref<125xi32, #tpu.memory_space<vmem>>
        %dma_start3A_290 = arith.constant 0 : i32
        %dma_start3A_291 = tpu.memref_slice %arg33[%dma_start3A_290] : memref<10240xf32, #tpu.memory_space<vmem_shared>> -> memref<10240xf32, #tpu.memory_space<vmem_shared>>
        tpu.enqueue_indirect_dma source(%dma_start3A_291 : memref<10240xf32, #tpu.memory_space<vmem_shared>>) target(%arg12 : memref<125xf32, #tpu.memory_space<vmem>>) offsets(%dma_start3A_289 : memref<125xi32, #tpu.memory_space<vmem>>) semaphore(%arg20 : memref<!tpu.dma_semaphore, #tpu.memory_space<semaphore_mem>>)
      } else {
      }
      %mul3A_217 = arith.constant 8 : i32
      %mul3A_218 = arith.muli %mul3A_217, %scan3A_114 : i32
      %add3A_219 = arith.constant 5 : i32
      %add3A_220 = arith.addi %mul3A_218, %add3A_219 : i32
      %dma_wait3A_221 = arith.constant 0 : i32
      %dma_wait3A_222 = tpu.memref_slice %arg6[%add3A_220, %dma_wait3A_221] : memref<80x125xi32, #tpu.memory_space<vmem>> -> memref<1x125xi32, #tpu.memory_space<vmem>>
      %dma_wait3A_223 = tpu.memref_squeeze %dma_wait3A_222 : memref<1x125xi32, #tpu.memory_space<vmem>> -> memref<125xi32, #tpu.memory_space<vmem>>
      %dma_wait3A_224 = arith.constant 0 : i32
      %dma_wait3A_225 = tpu.memref_slice %arg33[%dma_wait3A_224] : memref<10240xf32, #tpu.memory_space<vmem_shared>> -> memref<10240xf32, #tpu.memory_space<vmem_shared>>
      tpu.wait_indirect_dma semaphore(%arg21 : memref<!tpu.dma_semaphore, #tpu.memory_space<semaphore_mem>>) src(%dma_wait3A_225 : memref<10240xf32, #tpu.memory_space<vmem_shared>>) dst(%arg13 : memref<125xf32, #tpu.memory_space<vmem>>)
      %dma_start3A_226 = arith.constant 0 : i32
      %dma_start3A_227 = tpu.memref_slice %arg7[%add3A_220, %dma_start3A_226] : memref<80x125xi32, #tpu.memory_space<vmem>> -> memref<1x125xi32, #tpu.memory_space<vmem>>
      %dma_start3A_228 = tpu.memref_squeeze %dma_start3A_227 : memref<1x125xi32, #tpu.memory_space<vmem>> -> memref<125xi32, #tpu.memory_space<vmem>>
      %dma_start3A_229 = arith.constant 0 : i32
      %dma_start3A_230 = tpu.memref_slice %arg32[%dma_start3A_229] : memref<10240xf32, #tpu.memory_space<vmem_shared>> -> memref<10240xf32, #tpu.memory_space<vmem_shared>>
      tpu.enqueue_indirect_dma source(%arg13 : memref<125xf32, #tpu.memory_space<vmem>>) target(%dma_start3A_230 : memref<10240xf32, #tpu.memory_space<vmem_shared>>) offsets(%dma_start3A_228 : memref<125xi32, #tpu.memory_space<vmem>>) semaphore(%arg29 : memref<!tpu.dma_semaphore, #tpu.memory_space<semaphore_mem>>) {add = true}
      %add3A_231 = arith.constant 8 : i32
      %add3A_232 = arith.addi %add3A_220, %add3A_231 : i32
      %lt3A_233 = arith.constant 80 : i32
      %lt3A_234 = arith.cmpi slt, %add3A_232, %lt3A_233 : i32
      %convert_element_type3A_235 = arith.extui %lt3A_234 : i1 to i32
      %cond3A_236 = arith.constant 0 : i32
      %cond3A_237 = arith.cmpi ne, %convert_element_type3A_235, %cond3A_236 : i32
      scf.if %cond3A_237 {
        %dma_wait3A_280 = arith.constant 0 : i32
        %dma_wait3A_281 = tpu.memref_slice %arg7[%add3A_220, %dma_wait3A_280] : memref<80x125xi32, #tpu.memory_space<vmem>> -> memref<1x125xi32, #tpu.memory_space<vmem>>
        %dma_wait3A_282 = tpu.memref_squeeze %dma_wait3A_281 : memref<1x125xi32, #tpu.memory_space<vmem>> -> memref<125xi32, #tpu.memory_space<vmem>>
        %dma_wait3A_283 = arith.constant 0 : i32
        %dma_wait3A_284 = tpu.memref_slice %arg32[%dma_wait3A_283] : memref<10240xf32, #tpu.memory_space<vmem_shared>> -> memref<10240xf32, #tpu.memory_space<vmem_shared>>
        tpu.wait_indirect_dma semaphore(%arg29 : memref<!tpu.dma_semaphore, #tpu.memory_space<semaphore_mem>>) src(%arg13 : memref<125xf32, #tpu.memory_space<vmem>>) dst(%dma_wait3A_284 : memref<10240xf32, #tpu.memory_space<vmem_shared>>)
        %add3A_285 = arith.constant 8 : i32
        %add3A_286 = arith.addi %add3A_220, %add3A_285 : i32
        %dma_start3A_287 = arith.constant 0 : i32
        %dma_start3A_288 = tpu.memref_slice %arg6[%add3A_286, %dma_start3A_287] : memref<80x125xi32, #tpu.memory_space<vmem>> -> memref<1x125xi32, #tpu.memory_space<vmem>>
        %dma_start3A_289 = tpu.memref_squeeze %dma_start3A_288 : memref<1x125xi32, #tpu.memory_space<vmem>> -> memref<125xi32, #tpu.memory_space<vmem>>
        %dma_start3A_290 = arith.constant 0 : i32
        %dma_start3A_291 = tpu.memref_slice %arg33[%dma_start3A_290] : memref<10240xf32, #tpu.memory_space<vmem_shared>> -> memref<10240xf32, #tpu.memory_space<vmem_shared>>
        tpu.enqueue_indirect_dma source(%dma_start3A_291 : memref<10240xf32, #tpu.memory_space<vmem_shared>>) target(%arg13 : memref<125xf32, #tpu.memory_space<vmem>>) offsets(%dma_start3A_289 : memref<125xi32, #tpu.memory_space<vmem>>) semaphore(%arg21 : memref<!tpu.dma_semaphore, #tpu.memory_space<semaphore_mem>>)
      } else {
      }
      %mul3A_238 = arith.constant 8 : i32
      %mul3A_239 = arith.muli %mul3A_238, %scan3A_114 : i32
      %add3A_240 = arith.constant 6 : i32
      %add3A_241 = arith.addi %mul3A_239, %add3A_240 : i32
      %dma_wait3A_242 = arith.constant 0 : i32
      %dma_wait3A_243 = tpu.memref_slice %arg6[%add3A_241, %dma_wait3A_242] : memref<80x125xi32, #tpu.memory_space<vmem>> -> memref<1x125xi32, #tpu.memory_space<vmem>>
      %dma_wait3A_244 = tpu.memref_squeeze %dma_wait3A_243 : memref<1x125xi32, #tpu.memory_space<vmem>> -> memref<125xi32, #tpu.memory_space<vmem>>
      %dma_wait3A_245 = arith.constant 0 : i32
      %dma_wait3A_246 = tpu.memref_slice %arg33[%dma_wait3A_245] : memref<10240xf32, #tpu.memory_space<vmem_shared>> -> memref<10240xf32, #tpu.memory_space<vmem_shared>>
      tpu.wait_indirect_dma semaphore(%arg22 : memref<!tpu.dma_semaphore, #tpu.memory_space<semaphore_mem>>) src(%dma_wait3A_246 : memref<10240xf32, #tpu.memory_space<vmem_shared>>) dst(%arg14 : memref<125xf32, #tpu.memory_space<vmem>>)
      %dma_start3A_247 = arith.constant 0 : i32
      %dma_start3A_248 = tpu.memref_slice %arg7[%add3A_241, %dma_start3A_247] : memref<80x125xi32, #tpu.memory_space<vmem>> -> memref<1x125xi32, #tpu.memory_space<vmem>>
      %dma_start3A_249 = tpu.memref_squeeze %dma_start3A_248 : memref<1x125xi32, #tpu.memory_space<vmem>> -> memref<125xi32, #tpu.memory_space<vmem>>
      %dma_start3A_250 = arith.constant 0 : i32
      %dma_start3A_251 = tpu.memref_slice %arg32[%dma_start3A_250] : memref<10240xf32, #tpu.memory_space<vmem_shared>> -> memref<10240xf32, #tpu.memory_space<vmem_shared>>
      tpu.enqueue_indirect_dma source(%arg14 : memref<125xf32, #tpu.memory_space<vmem>>) target(%dma_start3A_251 : memref<10240xf32, #tpu.memory_space<vmem_shared>>) offsets(%dma_start3A_249 : memref<125xi32, #tpu.memory_space<vmem>>) semaphore(%arg30 : memref<!tpu.dma_semaphore, #tpu.memory_space<semaphore_mem>>) {add = true}
      %add3A_252 = arith.constant 8 : i32
      %add3A_253 = arith.addi %add3A_241, %add3A_252 : i32
      %lt3A_254 = arith.constant 80 : i32
      %lt3A_255 = arith.cmpi slt, %add3A_253, %lt3A_254 : i32
      %convert_element_type3A_256 = arith.extui %lt3A_255 : i1 to i32
      %cond3A_257 = arith.constant 0 : i32
      %cond3A_258 = arith.cmpi ne, %convert_element_type3A_256, %cond3A_257 : i32
      scf.if %cond3A_258 {
        %dma_wait3A_280 = arith.constant 0 : i32
        %dma_wait3A_281 = tpu.memref_slice %arg7[%add3A_241, %dma_wait3A_280] : memref<80x125xi32, #tpu.memory_space<vmem>> -> memref<1x125xi32, #tpu.memory_space<vmem>>
        %dma_wait3A_282 = tpu.memref_squeeze %dma_wait3A_281 : memref<1x125xi32, #tpu.memory_space<vmem>> -> memref<125xi32, #tpu.memory_space<vmem>>
        %dma_wait3A_283 = arith.constant 0 : i32
        %dma_wait3A_284 = tpu.memref_slice %arg32[%dma_wait3A_283] : memref<10240xf32, #tpu.memory_space<vmem_shared>> -> memref<10240xf32, #tpu.memory_space<vmem_shared>>
        tpu.wait_indirect_dma semaphore(%arg30 : memref<!tpu.dma_semaphore, #tpu.memory_space<semaphore_mem>>) src(%arg14 : memref<125xf32, #tpu.memory_space<vmem>>) dst(%dma_wait3A_284 : memref<10240xf32, #tpu.memory_space<vmem_shared>>)
        %add3A_285 = arith.constant 8 : i32
        %add3A_286 = arith.addi %add3A_241, %add3A_285 : i32
        %dma_start3A_287 = arith.constant 0 : i32
        %dma_start3A_288 = tpu.memref_slice %arg6[%add3A_286, %dma_start3A_287] : memref<80x125xi32, #tpu.memory_space<vmem>> -> memref<1x125xi32, #tpu.memory_space<vmem>>
        %dma_start3A_289 = tpu.memref_squeeze %dma_start3A_288 : memref<1x125xi32, #tpu.memory_space<vmem>> -> memref<125xi32, #tpu.memory_space<vmem>>
        %dma_start3A_290 = arith.constant 0 : i32
        %dma_start3A_291 = tpu.memref_slice %arg33[%dma_start3A_290] : memref<10240xf32, #tpu.memory_space<vmem_shared>> -> memref<10240xf32, #tpu.memory_space<vmem_shared>>
        tpu.enqueue_indirect_dma source(%dma_start3A_291 : memref<10240xf32, #tpu.memory_space<vmem_shared>>) target(%arg14 : memref<125xf32, #tpu.memory_space<vmem>>) offsets(%dma_start3A_289 : memref<125xi32, #tpu.memory_space<vmem>>) semaphore(%arg22 : memref<!tpu.dma_semaphore, #tpu.memory_space<semaphore_mem>>)
      } else {
      }
      %mul3A_259 = arith.constant 8 : i32
      %mul3A_260 = arith.muli %mul3A_259, %scan3A_114 : i32
      %add3A_261 = arith.constant 7 : i32
      %add3A_262 = arith.addi %mul3A_260, %add3A_261 : i32
      %dma_wait3A_263 = arith.constant 0 : i32
      %dma_wait3A_264 = tpu.memref_slice %arg6[%add3A_262, %dma_wait3A_263] : memref<80x125xi32, #tpu.memory_space<vmem>> -> memref<1x125xi32, #tpu.memory_space<vmem>>
      %dma_wait3A_265 = tpu.memref_squeeze %dma_wait3A_264 : memref<1x125xi32, #tpu.memory_space<vmem>> -> memref<125xi32, #tpu.memory_space<vmem>>
      %dma_wait3A_266 = arith.constant 0 : i32
      %dma_wait3A_267 = tpu.memref_slice %arg33[%dma_wait3A_266] : memref<10240xf32, #tpu.memory_space<vmem_shared>> -> memref<10240xf32, #tpu.memory_space<vmem_shared>>
      tpu.wait_indirect_dma semaphore(%arg23 : memref<!tpu.dma_semaphore, #tpu.memory_space<semaphore_mem>>) src(%dma_wait3A_267 : memref<10240xf32, #tpu.memory_space<vmem_shared>>) dst(%arg15 : memref<125xf32, #tpu.memory_space<vmem>>)
      %dma_start3A_268 = arith.constant 0 : i32
      %dma_start3A_269 = tpu.memref_slice %arg7[%add3A_262, %dma_start3A_268] : memref<80x125xi32, #tpu.memory_space<vmem>> -> memref<1x125xi32, #tpu.memory_space<vmem>>
      %dma_start3A_270 = tpu.memref_squeeze %dma_start3A_269 : memref<1x125xi32, #tpu.memory_space<vmem>> -> memref<125xi32, #tpu.memory_space<vmem>>
      %dma_start3A_271 = arith.constant 0 : i32
      %dma_start3A_272 = tpu.memref_slice %arg32[%dma_start3A_271] : memref<10240xf32, #tpu.memory_space<vmem_shared>> -> memref<10240xf32, #tpu.memory_space<vmem_shared>>
      tpu.enqueue_indirect_dma source(%arg15 : memref<125xf32, #tpu.memory_space<vmem>>) target(%dma_start3A_272 : memref<10240xf32, #tpu.memory_space<vmem_shared>>) offsets(%dma_start3A_270 : memref<125xi32, #tpu.memory_space<vmem>>) semaphore(%arg31 : memref<!tpu.dma_semaphore, #tpu.memory_space<semaphore_mem>>) {add = true}
      %add3A_273 = arith.constant 8 : i32
      %add3A_274 = arith.addi %add3A_262, %add3A_273 : i32
      %lt3A_275 = arith.constant 80 : i32
      %lt3A_276 = arith.cmpi slt, %add3A_274, %lt3A_275 : i32
      %convert_element_type3A_277 = arith.extui %lt3A_276 : i1 to i32
      %cond3A_278 = arith.constant 0 : i32
      %cond3A_279 = arith.cmpi ne, %convert_element_type3A_277, %cond3A_278 : i32
      scf.if %cond3A_279 {
        %dma_wait3A_280 = arith.constant 0 : i32
        %dma_wait3A_281 = tpu.memref_slice %arg7[%add3A_262, %dma_wait3A_280] : memref<80x125xi32, #tpu.memory_space<vmem>> -> memref<1x125xi32, #tpu.memory_space<vmem>>
        %dma_wait3A_282 = tpu.memref_squeeze %dma_wait3A_281 : memref<1x125xi32, #tpu.memory_space<vmem>> -> memref<125xi32, #tpu.memory_space<vmem>>
        %dma_wait3A_283 = arith.constant 0 : i32
        %dma_wait3A_284 = tpu.memref_slice %arg32[%dma_wait3A_283] : memref<10240xf32, #tpu.memory_space<vmem_shared>> -> memref<10240xf32, #tpu.memory_space<vmem_shared>>
        tpu.wait_indirect_dma semaphore(%arg31 : memref<!tpu.dma_semaphore, #tpu.memory_space<semaphore_mem>>) src(%arg15 : memref<125xf32, #tpu.memory_space<vmem>>) dst(%dma_wait3A_284 : memref<10240xf32, #tpu.memory_space<vmem_shared>>)
        %add3A_285 = arith.constant 8 : i32
        %add3A_286 = arith.addi %add3A_262, %add3A_285 : i32
        %dma_start3A_287 = arith.constant 0 : i32
        %dma_start3A_288 = tpu.memref_slice %arg6[%add3A_286, %dma_start3A_287] : memref<80x125xi32, #tpu.memory_space<vmem>> -> memref<1x125xi32, #tpu.memory_space<vmem>>
        %dma_start3A_289 = tpu.memref_squeeze %dma_start3A_288 : memref<1x125xi32, #tpu.memory_space<vmem>> -> memref<125xi32, #tpu.memory_space<vmem>>
        %dma_start3A_290 = arith.constant 0 : i32
        %dma_start3A_291 = tpu.memref_slice %arg33[%dma_start3A_290] : memref<10240xf32, #tpu.memory_space<vmem_shared>> -> memref<10240xf32, #tpu.memory_space<vmem_shared>>
        tpu.enqueue_indirect_dma source(%dma_start3A_291 : memref<10240xf32, #tpu.memory_space<vmem_shared>>) target(%arg15 : memref<125xf32, #tpu.memory_space<vmem>>) offsets(%dma_start3A_289 : memref<125xi32, #tpu.memory_space<vmem>>) semaphore(%arg23 : memref<!tpu.dma_semaphore, #tpu.memory_space<semaphore_mem>>)
      } else {
      }
    }
    %scan3A_61 = arith.constant 10 : i32
    %dma_wait3A = arith.constant 72 : i32
    %dma_wait3A_62 = arith.constant 0 : i32
    %dma_wait3A_63 = tpu.memref_slice %arg7[%dma_wait3A, %dma_wait3A_62] : memref<80x125xi32, #tpu.memory_space<vmem>> -> memref<1x125xi32, #tpu.memory_space<vmem>>
    %dma_wait3A_64 = tpu.memref_squeeze %dma_wait3A_63 : memref<1x125xi32, #tpu.memory_space<vmem>> -> memref<125xi32, #tpu.memory_space<vmem>>
    %dma_wait3A_65 = arith.constant 0 : i32
    %dma_wait3A_66 = tpu.memref_slice %arg32[%dma_wait3A_65] : memref<10240xf32, #tpu.memory_space<vmem_shared>> -> memref<10240xf32, #tpu.memory_space<vmem_shared>>
    tpu.wait_indirect_dma semaphore(%arg24 : memref<!tpu.dma_semaphore, #tpu.memory_space<semaphore_mem>>) src(%arg8 : memref<125xf32, #tpu.memory_space<vmem>>) dst(%dma_wait3A_66 : memref<10240xf32, #tpu.memory_space<vmem_shared>>)
    %dma_wait3A_67 = arith.constant 73 : i32
    %dma_wait3A_68 = arith.constant 0 : i32
    %dma_wait3A_69 = tpu.memref_slice %arg7[%dma_wait3A_67, %dma_wait3A_68] : memref<80x125xi32, #tpu.memory_space<vmem>> -> memref<1x125xi32, #tpu.memory_space<vmem>>
    %dma_wait3A_70 = tpu.memref_squeeze %dma_wait3A_69 : memref<1x125xi32, #tpu.memory_space<vmem>> -> memref<125xi32, #tpu.memory_space<vmem>>
    %dma_wait3A_71 = arith.constant 0 : i32
    %dma_wait3A_72 = tpu.memref_slice %arg32[%dma_wait3A_71] : memref<10240xf32, #tpu.memory_space<vmem_shared>> -> memref<10240xf32, #tpu.memory_space<vmem_shared>>
    tpu.wait_indirect_dma semaphore(%arg25 : memref<!tpu.dma_semaphore, #tpu.memory_space<semaphore_mem>>) src(%arg9 : memref<125xf32, #tpu.memory_space<vmem>>) dst(%dma_wait3A_72 : memref<10240xf32, #tpu.memory_space<vmem_shared>>)
    %dma_wait3A_73 = arith.constant 74 : i32
    %dma_wait3A_74 = arith.constant 0 : i32
    %dma_wait3A_75 = tpu.memref_slice %arg7[%dma_wait3A_73, %dma_wait3A_74] : memref<80x125xi32, #tpu.memory_space<vmem>> -> memref<1x125xi32, #tpu.memory_space<vmem>>
    %dma_wait3A_76 = tpu.memref_squeeze %dma_wait3A_75 : memref<1x125xi32, #tpu.memory_space<vmem>> -> memref<125xi32, #tpu.memory_space<vmem>>
    %dma_wait3A_77 = arith.constant 0 : i32
    %dma_wait3A_78 = tpu.memref_slice %arg32[%dma_wait3A_77] : memref<10240xf32, #tpu.memory_space<vmem_shared>> -> memref<10240xf32, #tpu.memory_space<vmem_shared>>
    tpu.wait_indirect_dma semaphore(%arg26 : memref<!tpu.dma_semaphore, #tpu.memory_space<semaphore_mem>>) src(%arg10 : memref<125xf32, #tpu.memory_space<vmem>>) dst(%dma_wait3A_78 : memref<10240xf32, #tpu.memory_space<vmem_shared>>)
    %dma_wait3A_79 = arith.constant 75 : i32
    %dma_wait3A_80 = arith.constant 0 : i32
    %dma_wait3A_81 = tpu.memref_slice %arg7[%dma_wait3A_79, %dma_wait3A_80] : memref<80x125xi32, #tpu.memory_space<vmem>> -> memref<1x125xi32, #tpu.memory_space<vmem>>
    %dma_wait3A_82 = tpu.memref_squeeze %dma_wait3A_81 : memref<1x125xi32, #tpu.memory_space<vmem>> -> memref<125xi32, #tpu.memory_space<vmem>>
    %dma_wait3A_83 = arith.constant 0 : i32
    %dma_wait3A_84 = tpu.memref_slice %arg32[%dma_wait3A_83] : memref<10240xf32, #tpu.memory_space<vmem_shared>> -> memref<10240xf32, #tpu.memory_space<vmem_shared>>
    tpu.wait_indirect_dma semaphore(%arg27 : memref<!tpu.dma_semaphore, #tpu.memory_space<semaphore_mem>>) src(%arg11 : memref<125xf32, #tpu.memory_space<vmem>>) dst(%dma_wait3A_84 : memref<10240xf32, #tpu.memory_space<vmem_shared>>)
    %dma_wait3A_85 = arith.constant 76 : i32
    %dma_wait3A_86 = arith.constant 0 : i32
    %dma_wait3A_87 = tpu.memref_slice %arg7[%dma_wait3A_85, %dma_wait3A_86] : memref<80x125xi32, #tpu.memory_space<vmem>> -> memref<1x125xi32, #tpu.memory_space<vmem>>
    %dma_wait3A_88 = tpu.memref_squeeze %dma_wait3A_87 : memref<1x125xi32, #tpu.memory_space<vmem>> -> memref<125xi32, #tpu.memory_space<vmem>>
    %dma_wait3A_89 = arith.constant 0 : i32
    %dma_wait3A_90 = tpu.memref_slice %arg32[%dma_wait3A_89] : memref<10240xf32, #tpu.memory_space<vmem_shared>> -> memref<10240xf32, #tpu.memory_space<vmem_shared>>
    tpu.wait_indirect_dma semaphore(%arg28 : memref<!tpu.dma_semaphore, #tpu.memory_space<semaphore_mem>>) src(%arg12 : memref<125xf32, #tpu.memory_space<vmem>>) dst(%dma_wait3A_90 : memref<10240xf32, #tpu.memory_space<vmem_shared>>)
    %dma_wait3A_91 = arith.constant 77 : i32
    %dma_wait3A_92 = arith.constant 0 : i32
    %dma_wait3A_93 = tpu.memref_slice %arg7[%dma_wait3A_91, %dma_wait3A_92] : memref<80x125xi32, #tpu.memory_space<vmem>> -> memref<1x125xi32, #tpu.memory_space<vmem>>
    %dma_wait3A_94 = tpu.memref_squeeze %dma_wait3A_93 : memref<1x125xi32, #tpu.memory_space<vmem>> -> memref<125xi32, #tpu.memory_space<vmem>>
    %dma_wait3A_95 = arith.constant 0 : i32
    %dma_wait3A_96 = tpu.memref_slice %arg32[%dma_wait3A_95] : memref<10240xf32, #tpu.memory_space<vmem_shared>> -> memref<10240xf32, #tpu.memory_space<vmem_shared>>
    tpu.wait_indirect_dma semaphore(%arg29 : memref<!tpu.dma_semaphore, #tpu.memory_space<semaphore_mem>>) src(%arg13 : memref<125xf32, #tpu.memory_space<vmem>>) dst(%dma_wait3A_96 : memref<10240xf32, #tpu.memory_space<vmem_shared>>)
    %dma_wait3A_97 = arith.constant 78 : i32
    %dma_wait3A_98 = arith.constant 0 : i32
    %dma_wait3A_99 = tpu.memref_slice %arg7[%dma_wait3A_97, %dma_wait3A_98] : memref<80x125xi32, #tpu.memory_space<vmem>> -> memref<1x125xi32, #tpu.memory_space<vmem>>
    %dma_wait3A_100 = tpu.memref_squeeze %dma_wait3A_99 : memref<1x125xi32, #tpu.memory_space<vmem>> -> memref<125xi32, #tpu.memory_space<vmem>>
    %dma_wait3A_101 = arith.constant 0 : i32
    %dma_wait3A_102 = tpu.memref_slice %arg32[%dma_wait3A_101] : memref<10240xf32, #tpu.memory_space<vmem_shared>> -> memref<10240xf32, #tpu.memory_space<vmem_shared>>
    tpu.wait_indirect_dma semaphore(%arg30 : memref<!tpu.dma_semaphore, #tpu.memory_space<semaphore_mem>>) src(%arg14 : memref<125xf32, #tpu.memory_space<vmem>>) dst(%dma_wait3A_102 : memref<10240xf32, #tpu.memory_space<vmem_shared>>)
    %dma_wait3A_103 = arith.constant 79 : i32
    %dma_wait3A_104 = arith.constant 0 : i32
    %dma_wait3A_105 = tpu.memref_slice %arg7[%dma_wait3A_103, %dma_wait3A_104] : memref<80x125xi32, #tpu.memory_space<vmem>> -> memref<1x125xi32, #tpu.memory_space<vmem>>
    %dma_wait3A_106 = tpu.memref_squeeze %dma_wait3A_105 : memref<1x125xi32, #tpu.memory_space<vmem>> -> memref<125xi32, #tpu.memory_space<vmem>>
    %dma_wait3A_107 = arith.constant 0 : i32
    %dma_wait3A_108 = tpu.memref_slice %arg32[%dma_wait3A_107] : memref<10240xf32, #tpu.memory_space<vmem_shared>> -> memref<10240xf32, #tpu.memory_space<vmem_shared>>
    tpu.wait_indirect_dma semaphore(%arg31 : memref<!tpu.dma_semaphore, #tpu.memory_space<semaphore_mem>>) src(%arg15 : memref<125xf32, #tpu.memory_space<vmem>>) dst(%dma_wait3A_108 : memref<10240xf32, #tpu.memory_space<vmem_shared>>)
    %barrier3A_109 = arith.constant 0 : index
    tpu.barrier barrier_id(%barrier3A_109)
    %mul3A_110 = arith.constant 640 : i32
    %mul3A_111 = arith.muli %arg1, %mul3A_110 : i32
    %mul3A_112 = arith.constant 640 : i32
    %mul3A_113 = arith.muli %arg1, %mul3A_112 : i32
    "tpu.region"() ({
      %run_scoped3A_114 = tpu.sem_alloc : memref<!tpu.dma_semaphore, #tpu.memory_space<semaphore_mem>>
      %dma_start3A_115 = tpu.memref_slice %arg5[%arg0, %mul3A_113] : memref<2x10240xf32, #tpu.memory_space<hbm>> -> memref<1x640xf32, #tpu.memory_space<hbm>>
      %dma_start3A_116 = tpu.memref_squeeze %dma_start3A_115 : memref<1x640xf32, #tpu.memory_space<hbm>> -> memref<640xf32, #tpu.memory_space<hbm>>
      %dma_start3A_117 = tpu.memref_slice %arg32[%mul3A_111] : memref<10240xf32, #tpu.memory_space<vmem_shared>> -> memref<640xf32, #tpu.memory_space<vmem_shared>>
      tpu.enqueue_dma source(%dma_start3A_117 : memref<640xf32, #tpu.memory_space<vmem_shared>>) target(%dma_start3A_116 : memref<640xf32, #tpu.memory_space<hbm>>) target_semaphore(%run_scoped3A_114 : memref<!tpu.dma_semaphore, #tpu.memory_space<semaphore_mem>>)
      %dma_wait3A_118 = tpu.memref_slice %arg5[%arg0, %mul3A_113] : memref<2x10240xf32, #tpu.memory_space<hbm>> -> memref<1x640xf32, #tpu.memory_space<hbm>>
      %dma_wait3A_119 = tpu.memref_squeeze %dma_wait3A_118 : memref<1x640xf32, #tpu.memory_space<hbm>> -> memref<640xf32, #tpu.memory_space<hbm>>
      %dma_wait3A_120 = tpu.memref_slice %arg32[%mul3A_111] : memref<10240xf32, #tpu.memory_space<vmem_shared>> -> memref<640xf32, #tpu.memory_space<vmem_shared>>
      tpu.wait_dma2 semaphore(%run_scoped3A_114 : memref<!tpu.dma_semaphore, #tpu.memory_space<semaphore_mem>>) src(%dma_wait3A_120 : memref<640xf32, #tpu.memory_space<vmem_shared>>) dst(%dma_wait3A_119 : memref<640xf32, #tpu.memory_space<hbm>>)
      tpu.yield
    }) : () -> ()
    return
  }
}

#map = affine_map<(d0, d1) -> (0, 0, 0, 0)>
#map1 = affine_map<(d0, d1) -> (0)>
#map2 = affine_map<(d0, d1) -> (0, 0)>
module attributes {stable_mosaic.version = 14 : i64} {
  func.func @_sc_degree(%arg0: i32, %arg1: i32, %arg2: memref<2x32x80x125xi32, #tpu.memory_space<hbm>>, %arg3: memref<128xf32, #tpu.memory_space<hbm>>, %arg4: memref<10240xf32, #tpu.memory_space<hbm>>, %arg5: memref<2x10240xf32, #tpu.memory_space<hbm>>, %arg6: memref<80x125xi32, #tpu.memory_space<vmem>>, %arg7: memref<128xf32, #tpu.memory_space<vmem>>, %arg8: memref<!tpu.dma_semaphore, #tpu.memory_space<semaphore_mem>>, %arg9: memref<!tpu.dma_semaphore, #tpu.memory_space<semaphore_mem>>, %arg10: memref<10240xf32, #tpu.memory_space<vmem_shared>>) attributes {dimension_semantics = [#tpu.dimension_semantics<core_parallel>, #tpu.dimension_semantics<subcore_parallel>], iteration_bounds = array<i64: 2, 16>, scalar_prefetch = 0 : i64, scratch_operands = 5 : i64, tpu.core_type = #tpu.core_type<sc_vector_subcore>, window_params = [{transform_indices = #map}, {transform_indices = #map1}, {transform_indices = #map1}, {transform_indices = #map2}]} {
    %mul3A = arith.constant 2 : i32
    %mul3A_0 = arith.muli %arg1, %mul3A : i32
    %add3A = arith.addi %mul3A_0, %arg0 : i32
    %run_scoped3A = arith.constant 1 : i32
    "tpu.region"() ({
      %run_scoped3A_15 = tpu.sem_alloc : memref<!tpu.dma_semaphore, #tpu.memory_space<semaphore_mem>>
      %dma_start3A = arith.constant 0 : i32
      %dma_start3A_16 = arith.constant 0 : i32
      %dma_start3A_17 = tpu.memref_slice %arg2[%run_scoped3A, %add3A, %dma_start3A, %dma_start3A_16] : memref<2x32x80x125xi32, #tpu.memory_space<hbm>> -> memref<1x1x80x125xi32, #tpu.memory_space<hbm>>
      %dma_start3A_18 = tpu.memref_squeeze %dma_start3A_17 : memref<1x1x80x125xi32, #tpu.memory_space<hbm>> -> memref<80x125xi32, #tpu.memory_space<hbm>>
      %dma_start3A_19 = arith.constant 0 : i32
      %dma_start3A_20 = arith.constant 0 : i32
      %dma_start3A_21 = tpu.memref_slice %arg2[%run_scoped3A, %add3A, %dma_start3A_19, %dma_start3A_20] : memref<2x32x80x125xi32, #tpu.memory_space<hbm>> -> memref<1x1x80x125xi32, #tpu.memory_space<hbm>>
      %dma_start3A_22 = tpu.memref_squeeze %dma_start3A_21 : memref<1x1x80x125xi32, #tpu.memory_space<hbm>> -> memref<80x125xi32, #tpu.memory_space<hbm>>
      tpu.enqueue_dma source(%dma_start3A_22 : memref<80x125xi32, #tpu.memory_space<hbm>>) target(%arg6 : memref<80x125xi32, #tpu.memory_space<vmem>>) target_semaphore(%run_scoped3A_15 : memref<!tpu.dma_semaphore, #tpu.memory_space<semaphore_mem>>)
      %dma_wait3A = arith.constant 0 : i32
      %dma_wait3A_23 = arith.constant 0 : i32
      %dma_wait3A_24 = tpu.memref_slice %arg2[%run_scoped3A, %add3A, %dma_wait3A, %dma_wait3A_23] : memref<2x32x80x125xi32, #tpu.memory_space<hbm>> -> memref<1x1x80x125xi32, #tpu.memory_space<hbm>>
      %dma_wait3A_25 = tpu.memref_squeeze %dma_wait3A_24 : memref<1x1x80x125xi32, #tpu.memory_space<hbm>> -> memref<80x125xi32, #tpu.memory_space<hbm>>
      %dma_wait3A_26 = arith.constant 0 : i32
      %dma_wait3A_27 = arith.constant 0 : i32
      %dma_wait3A_28 = tpu.memref_slice %arg2[%run_scoped3A, %add3A, %dma_wait3A_26, %dma_wait3A_27] : memref<2x32x80x125xi32, #tpu.memory_space<hbm>> -> memref<1x1x80x125xi32, #tpu.memory_space<hbm>>
      %dma_wait3A_29 = tpu.memref_squeeze %dma_wait3A_28 : memref<1x1x80x125xi32, #tpu.memory_space<hbm>> -> memref<80x125xi32, #tpu.memory_space<hbm>>
      tpu.wait_dma2 semaphore(%run_scoped3A_15 : memref<!tpu.dma_semaphore, #tpu.memory_space<semaphore_mem>>) src(%dma_wait3A_29 : memref<80x125xi32, #tpu.memory_space<hbm>>) dst(%arg6 : memref<80x125xi32, #tpu.memory_space<vmem>>)
      tpu.yield
    }) : () -> ()
    "tpu.region"() ({
      %run_scoped3A_15 = tpu.sem_alloc : memref<!tpu.dma_semaphore, #tpu.memory_space<semaphore_mem>>
      tpu.enqueue_dma source(%arg3 : memref<128xf32, #tpu.memory_space<hbm>>) target(%arg7 : memref<128xf32, #tpu.memory_space<vmem>>) target_semaphore(%run_scoped3A_15 : memref<!tpu.dma_semaphore, #tpu.memory_space<semaphore_mem>>)
      tpu.wait_dma2 semaphore(%run_scoped3A_15 : memref<!tpu.dma_semaphore, #tpu.memory_space<semaphore_mem>>) src(%arg3 : memref<128xf32, #tpu.memory_space<hbm>>) dst(%arg7 : memref<128xf32, #tpu.memory_space<vmem>>)
      tpu.yield
    }) : () -> ()
    %mul3A_1 = arith.constant 640 : i32
    %mul3A_2 = arith.muli %arg1, %mul3A_1 : i32
    %mul3A_3 = arith.constant 640 : i32
    %mul3A_4 = arith.muli %arg1, %mul3A_3 : i32
    "tpu.region"() ({
      %run_scoped3A_15 = tpu.sem_alloc : memref<!tpu.dma_semaphore, #tpu.memory_space<semaphore_mem>>
      %dma_start3A = tpu.memref_slice %arg10[%mul3A_4] : memref<10240xf32, #tpu.memory_space<vmem_shared>> -> memref<640xf32, #tpu.memory_space<vmem_shared>>
      %dma_start3A_16 = tpu.memref_slice %arg4[%mul3A_2] : memref<10240xf32, #tpu.memory_space<hbm>> -> memref<640xf32, #tpu.memory_space<hbm>>
      tpu.enqueue_dma source(%dma_start3A_16 : memref<640xf32, #tpu.memory_space<hbm>>) target(%dma_start3A : memref<640xf32, #tpu.memory_space<vmem_shared>>) target_semaphore(%run_scoped3A_15 : memref<!tpu.dma_semaphore, #tpu.memory_space<semaphore_mem>>)
      %dma_wait3A = tpu.memref_slice %arg10[%mul3A_4] : memref<10240xf32, #tpu.memory_space<vmem_shared>> -> memref<640xf32, #tpu.memory_space<vmem_shared>>
      %dma_wait3A_17 = tpu.memref_slice %arg4[%mul3A_2] : memref<10240xf32, #tpu.memory_space<hbm>> -> memref<640xf32, #tpu.memory_space<hbm>>
      tpu.wait_dma2 semaphore(%run_scoped3A_15 : memref<!tpu.dma_semaphore, #tpu.memory_space<semaphore_mem>>) src(%dma_wait3A_17 : memref<640xf32, #tpu.memory_space<hbm>>) dst(%dma_wait3A : memref<640xf32, #tpu.memory_space<vmem_shared>>)
      tpu.yield
    }) : () -> ()
    %barrier3A = arith.constant 0 : index
    tpu.barrier barrier_id(%barrier3A)
    %scan3A = arith.constant 0 : i32
    %scan3A_5 = arith.constant 0 : i32
    %scan3A_6 = arith.constant 40 : i32
    %scan3A_7 = arith.addi %scan3A_5, %scan3A_6 : i32
    %scan3A_8 = arith.constant 1 : i32
    scf.for %scan3A_15 = %scan3A_5 to %scan3A_7 step %scan3A_8  : i32 {
      %mul3A_16 = arith.constant 2 : i32
      %mul3A_17 = arith.muli %mul3A_16, %scan3A_15 : i32
      %dma_start3A = arith.constant 0 : i32
      %dma_start3A_18 = tpu.memref_slice %arg7[%dma_start3A] : memref<128xf32, #tpu.memory_space<vmem>> -> memref<125xf32, #tpu.memory_space<vmem>>
      %dma_start3A_19 = arith.constant 0 : i32
      %dma_start3A_20 = tpu.memref_slice %arg6[%mul3A_17, %dma_start3A_19] : memref<80x125xi32, #tpu.memory_space<vmem>> -> memref<1x125xi32, #tpu.memory_space<vmem>>
      %dma_start3A_21 = tpu.memref_squeeze %dma_start3A_20 : memref<1x125xi32, #tpu.memory_space<vmem>> -> memref<125xi32, #tpu.memory_space<vmem>>
      %dma_start3A_22 = arith.constant 0 : i32
      %dma_start3A_23 = tpu.memref_slice %arg10[%dma_start3A_22] : memref<10240xf32, #tpu.memory_space<vmem_shared>> -> memref<10240xf32, #tpu.memory_space<vmem_shared>>
      tpu.enqueue_indirect_dma source(%dma_start3A_18 : memref<125xf32, #tpu.memory_space<vmem>>) target(%dma_start3A_23 : memref<10240xf32, #tpu.memory_space<vmem_shared>>) offsets(%dma_start3A_21 : memref<125xi32, #tpu.memory_space<vmem>>) semaphore(%arg8 : memref<!tpu.dma_semaphore, #tpu.memory_space<semaphore_mem>>) {add = true}
      %add3A_24 = arith.constant 1 : i32
      %add3A_25 = arith.addi %mul3A_17, %add3A_24 : i32
      %dma_start3A_26 = arith.constant 0 : i32
      %dma_start3A_27 = tpu.memref_slice %arg7[%dma_start3A_26] : memref<128xf32, #tpu.memory_space<vmem>> -> memref<125xf32, #tpu.memory_space<vmem>>
      %dma_start3A_28 = arith.constant 0 : i32
      %dma_start3A_29 = tpu.memref_slice %arg6[%add3A_25, %dma_start3A_28] : memref<80x125xi32, #tpu.memory_space<vmem>> -> memref<1x125xi32, #tpu.memory_space<vmem>>
      %dma_start3A_30 = tpu.memref_squeeze %dma_start3A_29 : memref<1x125xi32, #tpu.memory_space<vmem>> -> memref<125xi32, #tpu.memory_space<vmem>>
      %dma_start3A_31 = arith.constant 0 : i32
      %dma_start3A_32 = tpu.memref_slice %arg10[%dma_start3A_31] : memref<10240xf32, #tpu.memory_space<vmem_shared>> -> memref<10240xf32, #tpu.memory_space<vmem_shared>>
      tpu.enqueue_indirect_dma source(%dma_start3A_27 : memref<125xf32, #tpu.memory_space<vmem>>) target(%dma_start3A_32 : memref<10240xf32, #tpu.memory_space<vmem_shared>>) offsets(%dma_start3A_30 : memref<125xi32, #tpu.memory_space<vmem>>) semaphore(%arg9 : memref<!tpu.dma_semaphore, #tpu.memory_space<semaphore_mem>>) {add = true}
      %dma_wait3A = arith.constant 0 : i32
      %dma_wait3A_33 = tpu.memref_slice %arg7[%dma_wait3A] : memref<128xf32, #tpu.memory_space<vmem>> -> memref<125xf32, #tpu.memory_space<vmem>>
      %dma_wait3A_34 = arith.constant 0 : i32
      %dma_wait3A_35 = tpu.memref_slice %arg6[%mul3A_17, %dma_wait3A_34] : memref<80x125xi32, #tpu.memory_space<vmem>> -> memref<1x125xi32, #tpu.memory_space<vmem>>
      %dma_wait3A_36 = tpu.memref_squeeze %dma_wait3A_35 : memref<1x125xi32, #tpu.memory_space<vmem>> -> memref<125xi32, #tpu.memory_space<vmem>>
      %dma_wait3A_37 = arith.constant 0 : i32
      %dma_wait3A_38 = tpu.memref_slice %arg10[%dma_wait3A_37] : memref<10240xf32, #tpu.memory_space<vmem_shared>> -> memref<10240xf32, #tpu.memory_space<vmem_shared>>
      tpu.wait_indirect_dma semaphore(%arg8 : memref<!tpu.dma_semaphore, #tpu.memory_space<semaphore_mem>>) src(%dma_wait3A_33 : memref<125xf32, #tpu.memory_space<vmem>>) dst(%dma_wait3A_38 : memref<10240xf32, #tpu.memory_space<vmem_shared>>)
      %add3A_39 = arith.constant 1 : i32
      %add3A_40 = arith.addi %mul3A_17, %add3A_39 : i32
      %dma_wait3A_41 = arith.constant 0 : i32
      %dma_wait3A_42 = tpu.memref_slice %arg7[%dma_wait3A_41] : memref<128xf32, #tpu.memory_space<vmem>> -> memref<125xf32, #tpu.memory_space<vmem>>
      %dma_wait3A_43 = arith.constant 0 : i32
      %dma_wait3A_44 = tpu.memref_slice %arg6[%add3A_40, %dma_wait3A_43] : memref<80x125xi32, #tpu.memory_space<vmem>> -> memref<1x125xi32, #tpu.memory_space<vmem>>
      %dma_wait3A_45 = tpu.memref_squeeze %dma_wait3A_44 : memref<1x125xi32, #tpu.memory_space<vmem>> -> memref<125xi32, #tpu.memory_space<vmem>>
      %dma_wait3A_46 = arith.constant 0 : i32
      %dma_wait3A_47 = tpu.memref_slice %arg10[%dma_wait3A_46] : memref<10240xf32, #tpu.memory_space<vmem_shared>> -> memref<10240xf32, #tpu.memory_space<vmem_shared>>
      tpu.wait_indirect_dma semaphore(%arg9 : memref<!tpu.dma_semaphore, #tpu.memory_space<semaphore_mem>>) src(%dma_wait3A_42 : memref<125xf32, #tpu.memory_space<vmem>>) dst(%dma_wait3A_47 : memref<10240xf32, #tpu.memory_space<vmem_shared>>)
    }
    %scan3A_9 = arith.constant 40 : i32
    %barrier3A_10 = arith.constant 0 : index
    tpu.barrier barrier_id(%barrier3A_10)
    %mul3A_11 = arith.constant 640 : i32
    %mul3A_12 = arith.muli %arg1, %mul3A_11 : i32
    %mul3A_13 = arith.constant 640 : i32
    %mul3A_14 = arith.muli %arg1, %mul3A_13 : i32
    "tpu.region"() ({
      %run_scoped3A_15 = tpu.sem_alloc : memref<!tpu.dma_semaphore, #tpu.memory_space<semaphore_mem>>
      %dma_start3A = tpu.memref_slice %arg5[%arg0, %mul3A_14] : memref<2x10240xf32, #tpu.memory_space<hbm>> -> memref<1x640xf32, #tpu.memory_space<hbm>>
      %dma_start3A_16 = tpu.memref_squeeze %dma_start3A : memref<1x640xf32, #tpu.memory_space<hbm>> -> memref<640xf32, #tpu.memory_space<hbm>>
      %dma_start3A_17 = tpu.memref_slice %arg10[%mul3A_12] : memref<10240xf32, #tpu.memory_space<vmem_shared>> -> memref<640xf32, #tpu.memory_space<vmem_shared>>
      tpu.enqueue_dma source(%dma_start3A_17 : memref<640xf32, #tpu.memory_space<vmem_shared>>) target(%dma_start3A_16 : memref<640xf32, #tpu.memory_space<hbm>>) target_semaphore(%run_scoped3A_15 : memref<!tpu.dma_semaphore, #tpu.memory_space<semaphore_mem>>)
      %dma_wait3A = tpu.memref_slice %arg5[%arg0, %mul3A_14] : memref<2x10240xf32, #tpu.memory_space<hbm>> -> memref<1x640xf32, #tpu.memory_space<hbm>>
      %dma_wait3A_18 = tpu.memref_squeeze %dma_wait3A : memref<1x640xf32, #tpu.memory_space<hbm>> -> memref<640xf32, #tpu.memory_space<hbm>>
      %dma_wait3A_19 = tpu.memref_slice %arg10[%mul3A_12] : memref<10240xf32, #tpu.memory_space<vmem_shared>> -> memref<640xf32, #tpu.memory_space<vmem_shared>>
      tpu.wait_dma2 semaphore(%run_scoped3A_15 : memref<!tpu.dma_semaphore, #tpu.memory_space<semaphore_mem>>) src(%dma_wait3A_19 : memref<640xf32, #tpu.memory_space<vmem_shared>>) dst(%dma_wait3A_18 : memref<640xf32, #tpu.memory_space<hbm>>)
      tpu.yield
    }) : () -> ()
    return
  }
}

module attributes {stable_mosaic.version = 14 : i64} {
  func.func @_tc1_body(%arg0: i32, %arg1: memref<2x2048xf32, #tpu.memory_space<vmem>>, %arg2: memref<2048x128xf32, #tpu.memory_space<vmem>>, %arg3: memref<128x64xf32, #tpu.memory_space<vmem>>, %arg4: memref<2048x64xf32, #tpu.memory_space<vmem>>) attributes {dimension_semantics = [#tpu.dimension_semantics<arbitrary>], iteration_bounds = array<i64: 5>, scalar_prefetch = 0 : i64, scratch_operands = 0 : i64, tpu.core_type = #tpu.core_type<tc>, window_params = [{transform_indices = @transform_0, window_bounds = array<i64: 2, 2048>}, {transform_indices = @transform_1, window_bounds = array<i64: 2048, 128>}, {pipeline_mode = #tpu.pipeline_mode<synchronous>, transform_indices = @transform_2, window_bounds = array<i64: 128, 64>}, {transform_indices = @transform_3, window_bounds = array<i64: 2048, 64>}]} {
    %get3A = arith.constant 0 : index
    %get3A_0 = arith.constant 0 : index
    %get3A_1 = vector.load %arg1[%get3A, %get3A_0] : memref<2x2048xf32, #tpu.memory_space<vmem>>, vector<1x2048xf32>
    %get3A_2 = vector.shape_cast %get3A_1 : vector<1x2048xf32> to vector<2048xf32>
    %get3A_3 = arith.constant 1 : index
    %get3A_4 = arith.constant 0 : index
    %get3A_5 = vector.load %arg1[%get3A_3, %get3A_4] : memref<2x2048xf32, #tpu.memory_space<vmem>>, vector<1x2048xf32>
    %get3A_6 = vector.shape_cast %get3A_5 : vector<1x2048xf32> to vector<2048xf32>
    %add3A = arith.addf %get3A_2, %get3A_6 : vector<2048xf32>
    %add3A_7 = arith.constant 1.000000e+00 : f32
    %add3A_8 = vector.broadcast %add3A_7 : f32 to vector<2048xf32>
    %add3A_9 = arith.addf %add3A, %add3A_8 : vector<2048xf32>
    %rsqrt3A = math.rsqrt %add3A_9 : vector<2048xf32>
    %broadcast_in_dim3A = vector.shape_cast %rsqrt3A : vector<2048xf32> to vector<2048x1xf32>
    %get3A_10 = arith.constant 0 : index
    %get3A_11 = arith.constant 0 : index
    %get3A_12 = vector.load %arg2[%get3A_10, %get3A_11] : memref<2048x128xf32, #tpu.memory_space<vmem>>, vector<2048x128xf32>
    %get3A_13 = arith.constant 0 : index
    %get3A_14 = arith.constant 0 : index
    %get3A_15 = vector.load %arg3[%get3A_13, %get3A_14] : memref<128x64xf32, #tpu.memory_space<vmem>>, vector<128x64xf32>
    %dot_general3A = arith.constant dense<0.000000e+00> : vector<2048x64xf32>
    %dot_general3A_16 = tpu.matmul %get3A_12, %get3A_15, %dot_general3A {dimension_numbers = #tpu.dot_dimension_numbers<[1], [0], [0], [1], [0, 0, 1, 1], [], []>, transpose_lhs_hint = false} : vector<2048x128xf32>, vector<128x64xf32>, vector<2048x64xf32> -> vector<2048x64xf32>
    %mul3A = vector.broadcast %broadcast_in_dim3A : vector<2048x1xf32> to vector<2048x64xf32>
    %mul3A_17 = arith.mulf %dot_general3A_16, %mul3A : vector<2048x64xf32>
    %swap3A = arith.constant 0 : index
    %swap3A_18 = arith.constant 0 : index
    %swap3A_19 = vector.load %arg4[%swap3A, %swap3A_18] : memref<2048x64xf32, #tpu.memory_space<vmem>>, vector<2048x64xf32>
    tpu.vector_store %arg4[%swap3A, %swap3A_18], %mul3A_17 {strides = array<i32>} : memref<2048x64xf32, #tpu.memory_space<vmem>>, vector<2048x64xf32>,
    return
  }
  func.func @transform_0(%arg0: i32) -> (i32, i32) {
    %c0_i32 = arith.constant 0 : i32
    %c0_i32_0 = arith.constant 0 : i32
    return %c0_i32, %arg0 : i32, i32
  }
  func.func @transform_1(%arg0: i32) -> (i32, i32) {
    %c0_i32 = arith.constant 0 : i32
    %c0_i32_0 = arith.constant 0 : i32
    return %arg0, %c0_i32 : i32, i32
  }
  func.func @transform_2(%arg0: i32) -> (i32, i32) {
    %c0_i32 = arith.constant 0 : i32
    %c0_i32_0 = arith.constant 0 : i32
    %c0_i32_1 = arith.constant 0 : i32
    return %c0_i32, %c0_i32_0 : i32, i32
  }
  func.func @transform_3(%arg0: i32) -> (i32, i32) {
    %c0_i32 = arith.constant 0 : i32
    %c0_i32_0 = arith.constant 0 : i32
    return %arg0, %c0_i32 : i32, i32
  }
}

module attributes {stable_mosaic.version = 14 : i64} {
  func.func @_tc2_body(%arg0: i32, %arg1: memref<2x2048xf32, #tpu.memory_space<vmem>>, %arg2: memref<2x2048x64xf32, #tpu.memory_space<vmem>>, %arg3: memref<2048x64xf32, #tpu.memory_space<vmem>>, %arg4: memref<64x1xf32, #tpu.memory_space<vmem>>, %arg5: memref<1x64xf32, #tpu.memory_space<vmem>>, %arg6: memref<16x128xf32, #tpu.memory_space<vmem>>) attributes {dimension_semantics = [#tpu.dimension_semantics<arbitrary>], iteration_bounds = array<i64: 5>, scalar_prefetch = 0 : i64, scratch_operands = 0 : i64, tpu.core_type = #tpu.core_type<tc>, window_params = [{transform_indices = @transform_0, window_bounds = array<i64: 2, 2048>}, {transform_indices = @transform_1, window_bounds = array<i64: 2, 2048, 64>}, {transform_indices = @transform_2, window_bounds = array<i64: 2048, 64>}, {pipeline_mode = #tpu.pipeline_mode<synchronous>, transform_indices = @transform_3, window_bounds = array<i64: 64, 1>}, {pipeline_mode = #tpu.pipeline_mode<synchronous>, transform_indices = @transform_4, window_bounds = array<i64: 1, 64>}, {transform_indices = @transform_5, window_bounds = array<i64: 16, 128>}]} {
    %get3A = arith.constant 0 : index
    %get3A_0 = arith.constant 0 : index
    %get3A_1 = vector.load %arg1[%get3A, %get3A_0] : memref<2x2048xf32, #tpu.memory_space<vmem>>, vector<1x2048xf32>
    %get3A_2 = vector.shape_cast %get3A_1 : vector<1x2048xf32> to vector<2048xf32>
    %get3A_3 = arith.constant 1 : index
    %get3A_4 = arith.constant 0 : index
    %get3A_5 = vector.load %arg1[%get3A_3, %get3A_4] : memref<2x2048xf32, #tpu.memory_space<vmem>>, vector<1x2048xf32>
    %get3A_6 = vector.shape_cast %get3A_5 : vector<1x2048xf32> to vector<2048xf32>
    %add3A = arith.addf %get3A_2, %get3A_6 : vector<2048xf32>
    %add3A_7 = arith.constant 1.000000e+00 : f32
    %add3A_8 = vector.broadcast %add3A_7 : f32 to vector<2048xf32>
    %add3A_9 = arith.addf %add3A, %add3A_8 : vector<2048xf32>
    %rsqrt3A = math.rsqrt %add3A_9 : vector<2048xf32>
    %broadcast_in_dim3A = vector.shape_cast %rsqrt3A : vector<2048xf32> to vector<2048x1xf32>
    %get3A_10 = arith.constant 0 : index
    %get3A_11 = arith.constant 0 : index
    %get3A_12 = arith.constant 0 : index
    %get3A_13 = vector.load %arg2[%get3A_10, %get3A_11, %get3A_12] : memref<2x2048x64xf32, #tpu.memory_space<vmem>>, vector<1x2048x64xf32>
    %get3A_14 = vector.shape_cast %get3A_13 : vector<1x2048x64xf32> to vector<2048x64xf32>
    %get3A_15 = arith.constant 1 : index
    %get3A_16 = arith.constant 0 : index
    %get3A_17 = arith.constant 0 : index
    %get3A_18 = vector.load %arg2[%get3A_15, %get3A_16, %get3A_17] : memref<2x2048x64xf32, #tpu.memory_space<vmem>>, vector<1x2048x64xf32>
    %get3A_19 = vector.shape_cast %get3A_18 : vector<1x2048x64xf32> to vector<2048x64xf32>
    %add3A_20 = arith.addf %get3A_14, %get3A_19 : vector<2048x64xf32>
    %get3A_21 = arith.constant 0 : index
    %get3A_22 = arith.constant 0 : index
    %get3A_23 = vector.load %arg3[%get3A_21, %get3A_22] : memref<2048x64xf32, #tpu.memory_space<vmem>>, vector<2048x64xf32>
    %add3A_24 = arith.addf %add3A_20, %get3A_23 : vector<2048x64xf32>
    %mul3A = vector.broadcast %broadcast_in_dim3A : vector<2048x1xf32> to vector<2048x64xf32>
    %mul3A_25 = arith.mulf %add3A_24, %mul3A : vector<2048x64xf32>
    %get3A_26 = arith.constant 0 : index
    %get3A_27 = arith.constant 0 : index
    %get3A_28 = vector.load %arg5[%get3A_26, %get3A_27] : memref<1x64xf32, #tpu.memory_space<vmem>>, vector<1x64xf32>
    %add3A_29 = vector.broadcast %get3A_28 : vector<1x64xf32> to vector<2048x64xf32>
    %add3A_30 = arith.addf %mul3A_25, %add3A_29 : vector<2048x64xf32>
    %max3A = arith.constant 0.000000e+00 : f32
    %max3A_31 = vector.broadcast %max3A : f32 to vector<2048x64xf32>
    %max3A_32 = arith.maximumf %add3A_30, %max3A_31 : vector<2048x64xf32>
    %get3A_33 = arith.constant 0 : index
    %get3A_34 = arith.constant 0 : index
    %get3A_35 = vector.load %arg4[%get3A_33, %get3A_34] : memref<64x1xf32, #tpu.memory_space<vmem>>, vector<64x1xf32>
    %dot_general3A = arith.constant dense<0.000000e+00> : vector<2048x1xf32>
    %dot_general3A_36 = tpu.matmul %max3A_32, %get3A_35, %dot_general3A {dimension_numbers = #tpu.dot_dimension_numbers<[1], [0], [0], [1], [0, 0, 1, 1], [], []>, transpose_lhs_hint = false} : vector<2048x64xf32>, vector<64x1xf32>, vector<2048x1xf32> -> vector<2048x1xf32>
    %mul3A_37 = arith.mulf %dot_general3A_36, %broadcast_in_dim3A : vector<2048x1xf32>
    %reshape3A = vector.shape_cast %mul3A_37 : vector<2048x1xf32> to vector<2048xf32>
    %reshape3A_38 = vector.shape_cast %reshape3A : vector<2048xf32> to vector<16x128xf32>
    %swap3A = arith.constant 0 : index
    %swap3A_39 = arith.constant 0 : index
    %swap3A_40 = vector.load %arg6[%swap3A, %swap3A_39] : memref<16x128xf32, #tpu.memory_space<vmem>>, vector<16x128xf32>
    tpu.vector_store %arg6[%swap3A, %swap3A_39], %reshape3A_38 {strides = array<i32>} : memref<16x128xf32, #tpu.memory_space<vmem>>, vector<16x128xf32>,
    return
  }
  func.func @transform_0(%arg0: i32) -> (i32, i32) {
    %c0_i32 = arith.constant 0 : i32
    %c0_i32_0 = arith.constant 0 : i32
    return %c0_i32, %arg0 : i32, i32
  }
  func.func @transform_1(%arg0: i32) -> (i32, i32, i32) {
    %c0_i32 = arith.constant 0 : i32
    %c0_i32_0 = arith.constant 0 : i32
    %c0_i32_1 = arith.constant 0 : i32
    return %c0_i32, %arg0, %c0_i32_0 : i32, i32, i32
  }
  func.func @transform_2(%arg0: i32) -> (i32, i32) {
    %c0_i32 = arith.constant 0 : i32
    %c0_i32_0 = arith.constant 0 : i32
    return %arg0, %c0_i32 : i32, i32
  }
  func.func @transform_3(%arg0: i32) -> (i32, i32) {
    %c0_i32 = arith.constant 0 : i32
    %c0_i32_0 = arith.constant 0 : i32
    %c0_i32_1 = arith.constant 0 : i32
    return %c0_i32, %c0_i32_0 : i32, i32
  }
  func.func @transform_4(%arg0: i32) -> (i32, i32) {
    %c0_i32 = arith.constant 0 : i32
    %c0_i32_0 = arith.constant 0 : i32
    %c0_i32_1 = arith.constant 0 : i32
    return %c0_i32, %c0_i32_0 : i32, i32
  }
  func.func @transform_5(%arg0: i32) -> (i32, i32) {
    %c0_i32 = arith.constant 0 : i32
    %c0_i32_0 = arith.constant 0 : i32
    return %arg0, %c0_i32 : i32, i32
  }
}

module attributes {stable_mosaic.version = 14 : i64} {
  func.func @_tc3_body(%arg0: memref<2x80x128xf32, #tpu.memory_space<vmem>>, %arg1: memref<2x80x128xf32, #tpu.memory_space<vmem>>, %arg2: memref<80x128xf32, #tpu.memory_space<vmem>>, %arg3: memref<1x1xf32, #tpu.memory_space<vmem>>, %arg4: memref<80x128xf32, #tpu.memory_space<vmem>>) attributes {dimension_semantics = [], scalar_prefetch = 0 : i64, scratch_operands = 0 : i64, tpu.core_type = #tpu.core_type<tc>} {
    %get3A = arith.constant 0 : index
    %get3A_0 = arith.constant 0 : index
    %get3A_1 = arith.constant 0 : index
    %get3A_2 = vector.load %arg0[%get3A, %get3A_0, %get3A_1] : memref<2x80x128xf32, #tpu.memory_space<vmem>>, vector<1x80x128xf32>
    %get3A_3 = vector.shape_cast %get3A_2 : vector<1x80x128xf32> to vector<80x128xf32>
    %get3A_4 = arith.constant 1 : index
    %get3A_5 = arith.constant 0 : index
    %get3A_6 = arith.constant 0 : index
    %get3A_7 = vector.load %arg0[%get3A_4, %get3A_5, %get3A_6] : memref<2x80x128xf32, #tpu.memory_space<vmem>>, vector<1x80x128xf32>
    %get3A_8 = vector.shape_cast %get3A_7 : vector<1x80x128xf32> to vector<80x128xf32>
    %add3A = arith.addf %get3A_3, %get3A_8 : vector<80x128xf32>
    %add3A_9 = arith.constant 1.000000e+00 : f32
    %add3A_10 = vector.broadcast %add3A_9 : f32 to vector<80x128xf32>
    %add3A_11 = arith.addf %add3A, %add3A_10 : vector<80x128xf32>
    %rsqrt3A = math.rsqrt %add3A_11 : vector<80x128xf32>
    %get3A_12 = arith.constant 0 : index
    %get3A_13 = arith.constant 0 : index
    %get3A_14 = arith.constant 0 : index
    %get3A_15 = vector.load %arg1[%get3A_12, %get3A_13, %get3A_14] : memref<2x80x128xf32, #tpu.memory_space<vmem>>, vector<1x80x128xf32>
    %get3A_16 = vector.shape_cast %get3A_15 : vector<1x80x128xf32> to vector<80x128xf32>
    %get3A_17 = arith.constant 1 : index
    %get3A_18 = arith.constant 0 : index
    %get3A_19 = arith.constant 0 : index
    %get3A_20 = vector.load %arg1[%get3A_17, %get3A_18, %get3A_19] : memref<2x80x128xf32, #tpu.memory_space<vmem>>, vector<1x80x128xf32>
    %get3A_21 = vector.shape_cast %get3A_20 : vector<1x80x128xf32> to vector<80x128xf32>
    %add3A_22 = arith.addf %get3A_16, %get3A_21 : vector<80x128xf32>
    %get3A_23 = arith.constant 0 : index
    %get3A_24 = arith.constant 0 : index
    %get3A_25 = vector.load %arg2[%get3A_23, %get3A_24] : memref<80x128xf32, #tpu.memory_space<vmem>>, vector<80x128xf32>
    %add3A_26 = arith.addf %add3A_22, %get3A_25 : vector<80x128xf32>
    %mul3A = arith.mulf %rsqrt3A, %add3A_26 : vector<80x128xf32>
    %get3A_27 = arith.constant 0 : index
    %get3A_28 = arith.constant 0 : index
    %get3A_29 = vector.load %arg3[%get3A_27, %get3A_28] : memref<1x1xf32, #tpu.memory_space<vmem>>, vector<1x1xf32>
    %add3A_30 = vector.broadcast %get3A_29 : vector<1x1xf32> to vector<80x128xf32>
    %add3A_31 = arith.addf %mul3A, %add3A_30 : vector<80x128xf32>
    %logistic3A = arith.negf %add3A_31 : vector<80x128xf32>
    %logistic3A_32 = math.exp %logistic3A : vector<80x128xf32>
    %logistic3A_33 = arith.constant 1.000000e+00 : f32
    %logistic3A_34 = vector.broadcast %logistic3A_33 : f32 to vector<80x128xf32>
    %logistic3A_35 = arith.addf %logistic3A_34, %logistic3A_32 : vector<80x128xf32>
    %logistic3A_36 = arith.divf %logistic3A_34, %logistic3A_35 : vector<80x128xf32>
    %swap3A = arith.constant 0 : index
    %swap3A_37 = arith.constant 0 : index
    %swap3A_38 = vector.load %arg4[%swap3A, %swap3A_37] : memref<80x128xf32, #tpu.memory_space<vmem>>, vector<80x128xf32>
    tpu.vector_store %arg4[%swap3A, %swap3A_37], %logistic3A_36 {strides = array<i32>} : memref<80x128xf32, #tpu.memory_space<vmem>>, vector<80x128xf32>,
    return
  }
}

</mosaic_0001>

<sc_bundles>
// kernel: kernel.11.cloned.1.call-start
scs
__scs_entry_jumppad:
0x0: {  	(pc) =	sbr.rel $0x88, $3  }
0x1: {  	(tag) =	ssettag $0x0;
	lr =	simm.s32 $0x1  }
0x2: {  	[smem:$0x3F9B] =	sst lr;
	_ =	strace $0xD0000000  }
0x3: {  	_ = 	snop  }
0x4: {  	_ = 	snop  }
0x5: {  	_ = 	snop  }
0x6: {  	_ = 	snop  }
0x7: {  	_ = 	snop  }
__scs_overlays_trampoline_lowered:
0x8: {  	[smem:$0x3FAA] =	sst s0  }
0x9: {  	[smem:$0x3FAB] =	sst s1  }
0xa: {  	[smem:$0x3FAC] =	sst s2  }
0xb: {  	[smem:$0x3FAD] =	sst s3  }
0xc: {  	[smem:$0x3FAE] =	sst s4  }
0xd: {  	[smem:$0x3FAF] =	sst s5  }
0xe: {  	[smem:$0x3FB0] =	sst s6  }
0xf: {  	[smem:$0x3FB1] =	sst s7  }
0x10: {  	[smem:$0x3FB2] =	sst s8  }
0x11: {  	[smem:$0x3FB3] =	sst s9;
	s0 =	simm.s32 @!p0 $0x0  }
0x12: {  	s1 =	sld [smem:$0x3F99];
	s0 =	simm.s32 @p0 $0x1  }
0x13: {  	[smem:$0x3FB4] =	sst s0;
	s0 =	simm.s32 @!p1 $0x0  }
0x14: {  	s2 =	sld [smem:$0x3F98];
	s0 =	simm.s32 @p1 $0x1  }
0x15: {  	[smem:$0x3FB5] =	sst s0;
	s0 =	simm.s32 @!p2 $0x0  }
0x16: {  	s3 =	sld [smem:$0x3FDB];
	s0 =	simm.s32 @p2 $0x1  }
0x17: {  	s4 =	simm.s32 $0x1BF5;
	[smem:$0x3FB7] =	sst s0  }
0x18: {  	s0 =	sld [smem:$0x3F9A];
	_ =	swait.ge [sflag:s4], $0x0  }
0x19: {  	s7 =	sld [smem:$0x3F9B]  }
0x1a: {  	s8 =	sadd.s32 $0xFFFFE003, lr  }
0x1b: {  	s9 =	sadd.s32 $0xFFFFFEF7, lr;
	s5 =	simm.s32 $0xFFFFFFFF;
	p2 =	slt.u32 s8, $0xFFFFF086  }
0x1c: {  	p1 =	slt.u32 s9, $0xF7A;
	s5 =	simm.s32 @!p2 $0x0  }
0x1d: {  	s5 =	simm.s32 @p1 $0x1;
	p0 =	seq.s32 s7, s2  }
0x1e: {  	s7 =	smul.u32 @!p0 $0xF7A, s2;
	p2 =	seq.s32 @!p0 s5, $0x0  }
0x1f: {  	s9 =	smul.u32 $0xF7A, s1;
	s8 =	simm.s32 @!p0 $0x1BF5;
	p2 =	por !p2, p0  }
0x20: {  	[sflag:s8] =	ssyncset.s32 @!p0 $0xFFFFF086;
	s6 =	sadd.s32 @!p0 s3, s7;
	s7 =	simm.s32 @!p0 $0x108  }
0x21: {  	s3 =	sadd.s32 s3, s9;
	s6 =	sadd.s32 @!p0 $0x88, s6;
	s7 =	simm.s32 @p2 $0x1082  }
0x22: {  	[simem:s7], [sflag:s8] =	dma.local @!p0 [hbm:s6], $0xF7A  }
0x23: {  	s9 =	sor.u32 $0xD0000000, s2;
	s6 =	simm.s32 $0x108;
	_ =	swait.ge @!p0 [sflag:s8], $0x0  }
0x24: {  	s3 =	sadd.s32 $0x88, s3;
	s6 =	simm.s32 @!p1 $0x1082;
	[sflag:s4] =	ssyncset.s32 $0xFFFFF086  }
0x25: {  	[simem:s6], [sflag:s4] =	dma.local [hbm:s3], $0xF7A  }
0x26: {  	[smem:$0x3F9B] =	sst s1;
	(tag) =	ssettag s2;
	_ =	strace s9  }
0x27: {  	s1 =	sld [smem:$0x3FAB]  }
0x28: {  	s2 =	sld [smem:$0x3FAC]  }
0x29: {  	s4 =	sld [smem:$0x3FAE]  }
0x2a: {  	p0 =	seq.s32 s5, $0x0;
	s5 =	sld [smem:$0x3FAF]  }
0x2b: {  	s6 =	sld [smem:$0x3FB0]  }
0x2c: {  	s7 =	sld [smem:$0x3FB1]  }
0x2d: {  	s3 =	simm.s32 $0x108;
	s8 =	sld [smem:$0x3FB2]  }
0x2e: {  	s3 =	simm.s32 @!p0 $0x1082;
	s9 =	sld [smem:$0x3FB3]  }
0x2f: {  	lr =	sadd.s32 s0, s3;
	s0 =	sld [smem:$0x3FAA]  }
0x30: {  	s3 =	sld [smem:$0x3FAD]  }
0x31: {  	[smem:$0x3FB6] =	sst s10  }
0x32: {  	s10 =	sld [smem:$0x3FB4];
	_ =	sdelay $0x3  }
0x33: {  	p0 =	seq.s32 s10, $0x1;
	s10 =	sld [smem:$0x3FB6];
	_ =	sdelay $0x3  }
0x34: {  	[smem:$0x3FB6] =	sst s10  }
0x35: {  	s10 =	sld [smem:$0x3FB5];
	_ =	sdelay $0x3  }
0x36: {  	p1 =	seq.s32 s10, $0x1;
	s10 =	sld [smem:$0x3FB6];
	_ =	sdelay $0x3  }
0x37: {  	[smem:$0x3FB6] =	sst s10  }
0x38: {  	s10 =	sld [smem:$0x3FB7]  }
0x39: {  	_ = 	snop;
	(pc) =	sbr.ind lr, $3  }
0x3a: {  	_ = 	snop  }
0x3b: {  	_ = 	snop  }
0x3c: {  	p2 =	seq.s32 s10, $0x1;
	s10 =	sld [smem:$0x3FB6]  }
0x3d: {  	_ =	shalt  }
0x3e: {  	_ =	shalt  }
0x3f: {  	_ =	shalt  }
0x40: {  	_ =	shalt  }
0x41: {  	_ =	shalt  }
0x42: {  	_ =	shalt  }
0x43: {  	_ =	shalt  }
0x44: {  	_ =	shalt  }
0x45: {  	_ =	shalt  }
0x46: {  	_ =	shalt  }
0x47: {  	_ =	shalt  }
0x48: {  	_ =	shalt  }
0x49: {  	_ =	shalt  }
0x4a: {  	_ =	shalt  }
0x4b: {  	_ =	shalt  }
0x4c: {  	_ =	shalt  }
0x4d: {  	_ =	shalt  }
0x4e: {  	_ =	shalt  }
0x4f: {  	_ =	shalt  }
0x50: {  	_ =	shalt  }
0x51: {  	_ =	shalt  }
0x52: {  	_ =	shalt  }
0x53: {  	_ =	shalt  }
0x54: {  	_ =	shalt  }
0x55: {  	_ =	shalt  }
0x56: {  	_ =	shalt  }
0x57: {  	_ =	shalt  }
0x58: {  	_ =	shalt  }
0x59: {  	_ =	shalt  }
0x5a: {  	_ =	shalt  }
0x5b: {  	_ =	shalt  }
0x5c: {  	_ =	shalt  }
0x5d: {  	_ =	shalt  }
0x5e: {  	_ =	shalt  }
0x5f: {  	_ =	shalt  }
0x60: {  	_ =	shalt  }
0x61: {  	_ =	shalt  }
0x62: {  	_ =	shalt  }
0x63: {  	_ =	shalt  }
0x64: {  	_ =	shalt  }
0x65: {  	_ =	shalt  }
0x66: {  	_ =	shalt  }
0x67: {  	_ =	shalt  }
0x68: {  	_ =	shalt  }
0x69: {  	_ =	shalt  }
0x6a: {  	_ =	shalt  }
0x6b: {  	_ =	shalt  }
0x6c: {  	_ =	shalt  }
0x6d: {  	_ =	shalt  }
0x6e: {  	_ =	shalt  }
0x6f: {  	_ =	shalt  }
0x70: {  	_ =	shalt  }
0x71: {  	_ =	shalt  }
0x72: {  	_ =	shalt  }
0x73: {  	_ =	shalt  }
0x74: {  	_ =	shalt  }
0x75: {  	_ =	shalt  }
0x76: {  	_ =	shalt  }
0x77: {  	_ =	shalt  }
0x78: {  	_ =	shalt  }
0x79: {  	_ =	shalt  }
0x7a: {  	_ =	shalt  }
0x7b: {  	_ =	shalt  }
0x7c: {  	_ =	shalt  }
0x7d: {  	_ =	shalt  }
0x7e: {  	_ =	shalt  }
0x7f: {  	_ =	shalt  }
0x80: {  	_ =	shalt  }
0x81: {  	_ =	shalt  }
0x82: {  	_ =	shalt  }
0x83: {  	_ =	shalt  }
0x84: {  	_ =	shalt  }
0x85: {  	_ =	shalt  }
0x86: {  	_ =	shalt  }
0x87: {  	_ =	shalt  }
.Lfunc_end0:
.L_simem_size_0:
called_computation.1_lowered:
.L_overlay_start_0:
0x88: {  	s2 =	sld [smem:$0x3FD9]  }
0x89: {  	s3 =	sld [smem:$0x3FFE];
	_ =	sdelay $0x1  }
0x8a: {  	s1 =	srdreg.scid  }
0x8b: {  	s0 =	sand.u32 $0x1, s1  }
0x8c: {  	s16 =	sshll.u32 s0, $0xA;
	s2 =	sadd.s32 s3, s2  }
0x8d: {  	s2 =	sadd.s32 s2, s16  }
0x8e: {  	[smem:$0x3FC2] =	sst s2  }
0x8f: {  	_ = 	snop  }
0x90: {  	(tm) =	ssettm $0x1  }
0x91: {  	s17 =	sld [smem:$0x3FFB];
	_ =	sdelay $0x3  }
0x92: {  	_ =	strace s17  }
0x93: {  	s2 =	sld [smem:$0x3FFC];
	_ =	sdelay $0x3  }
0x94: {  	_ =	strace s2  }
0x95: {  	s2 =	sld [smem:$0x3FFD];
	_ =	sdelay $0x3  }
0x96: {  	_ =	strace s2  }
0x97: {  	_ =	strace $0x8FFFFFFF  }
0x98: {  	s18 =	sld [smem:$0x3FDB];
	_ =	sdelay $0x1  }
0x99: {  	s19 =	simm.s32 $_scs_section_size  }
0x9a: {  	s4 =	simm.s32 $_size__tile_overlayer_lowered;
	s5 =	simm.s32 $_tile_overlayer_lowered  }
0x9b: {  	s22 =	simm.s32 $0x1BFF;
	s21 =	sshll.u32 s5, $0x1;
	s2 =	sadd.s32 s19, s18  }
0x9c: {  	s6 =	simm.s32 $0x0;
	s20 =	sshll.u32 s4, $0x1;
	s4 =	sadd.s32 s21, s2  }
0x9d: {  	[timem:s6], [sflag:s22] =	dma.local [hbm:s4], s20  }
0x9e: {  	_ =	swait.ge [sflag:s22], s20  }
0x9f: {  	s3 =	ssub.s32 $0x0, s20;
	[sflag:s22] =	ssyncset.done $0x0  }
0xa0: {  	[sflag:s22] =	ssyncadd.s32 s3;
	_ =	sdelay $0x1  }
0xa1: {  	s23 =	simm.s32 $0x1B8B  }
0xa2: {  	_ =	swait.ge [sflag:s23], $0x1  }
0xa3: {  	[sflag:s23] =	ssyncset.done $0x0  }
0xa4: {  	s25 =	simm.s32 $0x1B8E;
	s24 =	sld [smem:$0x3FFE];
	[sflag:s23] =	ssyncadd.s32 $0xFFFFFFFF  }
0xa5: {  	s26 =	simm.s32 $execute0_lowered;
	[smem:$0x3FD2] =	sst s25  }
0xa6: {  	s4 =	sshll.u32 s26, $0x1;
	_ =	strace $0x80000049;
	[dreg:$0x1] =	wrdreg $0xFFFFFFFF  }
0xa7: {  	s28 =	simm.s32 $_size_execute0_lowered;
	s2 =	sadd.s32 s2, s4;
	[dreg:$0x0] =	wrdreg $0x0  }
0xa8: {  	s4 =	sshll.u32 s28, $0x1;
	[dreg:$0x2] =	wrdreg s2  }
0xa9: {  	[dreg:$0x3] =	wrdreg s4  }
0xaa: {  	[dreg:$0x4] =	wrdreg $0xC0  }
0xab: {  	_ =	task [dreg:s6], $0x5FFFF  }
0xac: {  	[dreg:$0x1] =	wrdreg $0xFFFFFFFF  }
0xad: {  	[dreg:$0x0] =	wrdreg $0x60  }
0xae: {  	[dreg:$0x2] =	wrdreg s24  }
0xaf: {  	[dreg:$0x3] =	wrdreg $0x14A000  }
0xb0: {  	[dreg:$0x4] =	wrdreg $0x9  }
0xb1: {  	_ =	task.clear_ibuf [dreg:s6], $0x5FFFF;
	_ =	strace $0x90000049  }
0xb2: {  	s29 =	simm.s32 $0x9;
	_ =	strace $0x8000004B  }
0xb3: {  	_ =	swait.ge [sflag:s29], $0x1  }
0xb4: {  	[sflag:s29] =	ssyncadd.s32 $0xFFFFFFFF  }
0xb5: {  	_ =	strace $0x9000004B  }
0xb6: {  	_ =	sfence  }
0xb7: {  	s30 =	sld [smem:$0x0];
	_ =	sdelay $0x2  }
0xb8: {  	s31 =	sshll.u32 s1, $0xD;
	s1 =	sshrl.u32 s1, $0x2  }
0xb9: {  	s3 =	sand.u32 $0x4000, s31;
	s1 =	sadd.s32 s1, s30  }
0xba: {  	s0 =	sor.u32 s3, s0;
	s1 =	sshll.u32 s1, $0x11  }
0xbb: {  	s0 =	sor.u32 s1, s0  }
0xbc: {  	s0 =	sadd.s32 $0x8F2B, s0  }
0xbd: {  	[sflag:s0] =	ssyncadd.remote.s32 $0x1  }
0xbe: {  	_ =	sfence.sel $0xFFFF  }
0xbf: {  	[dreg:$0x0] =	wrdreg $0xFFFFFFFF;
	(pc) =	sbr.abs _section_cstart, $3  }
0xc0: {  	[dreg:$0x1] =	wrdreg $0xFFFFFFFF  }
0xc1: {  	_ =	task.clear_ibuf [dreg:s6], $0x2FFFF;
	_ =	strace $0x9FFFFFFF  }
0xc2: {  	(tm) =	ssettm $0x7FFFFFFF  }
0xc3: {  	_ =	shalt  }
tec
execute0_lowered:
.L_overlay_start_1:
0x0: {  	(tag) =	ssettag $0x1  }
0x1: {  	s0 =	srdreg.scid;
	s3 =	rddreg [dreg:$0x0]  }
0x2: {  	s8 =	stileid.u32;
	s2 =	rddreg [dreg:$0x1]  }
0x3: {  	s4 =	simm.s32 $0x0;
	s10 =	simm.s32 $0x11;
	s14 =	simm.s32 $0x7D  }
0x4: {  	s15 =	simm.s32 $0x5000;
	s19 =	simm.s32 $0x8E80;
	s28 =	simm.s32 $0x10B80  }
0x5: {  	s30 =	simm.s32 $0x12AC0;
	s31 =	simm.s32 $0x1;
	s11 =	simm.s32 $0x7  }
0x6: {  	s16 =	simm.s32 $0x8;
	s20 =	simm.s32 $0xB;
	s21 =	simm.s32 $0xC  }
0x7: {  	s29 =	simm.s32 $0x0;
	s0 =	sand.u32 $0x1, s0;
	s1 =	sshll.u32 s8, $0x1  }
0x8: {  	s5 =	smul.u32 $0xA000, s8;
	[smem:$0x7FF] =	sst s4;
	s4 =	sadd.s32 $0x17200, s3  }
0x9: {  	s26 =	sshll.u32 s8, $0x6;
	s1 =	sor.u32 s0, s1;
	s6 =	smul.u32 $0xA0000, s0  }
0xa: {  	_ =	strace $0x8000004A;
	s0 =	ssub.s32 $0x2, s0;
	s12 =	sor.u32 $0x1C11, s26  }
0xb: {  	s26 =	simm.s32 $0x10;
	s1 =	smul.u32 $0x2800, s1;
	s7 =	sshrl.u32 s5, $0x3  }
0xc: {  	s22 =	sshrl.u32 s0, $0x1;
	s24 =	sadd.s32 s5, s2;
	s6 =	sadd.s32 s5, s6  }
0xd: {  	s7 =	sadd.s32 s7, s3;
	s0 =	ssub.s32 s0, s22;
	s13 =	sshrl.u32 s24, $0x3  }
0xe: {  	s22 =	simm.s32 $0xD;
	s24 =	simm.s32 $0xE;
	s1 =	sshrl.u32 s1, $0x3  }
0xf: {  	s6 =	sshrl.u32 s6, $0x3;
	s25 =	sadd.s32 $0x2B200, s7;
	s0 =	smax.u32 s0, $0x1  }
.Ltmp0:
0x10: {  	s1 =	sadd.s32 s1, s3;
	[dreg:$0x5] =	wrdreg s25;
	(pc) =	sbr.rel .LBB2_1-.Ltmp0, $4  }
0x11: {  	s3 =	sadd.s32 s6, s3;
	[dreg:$0x7] =	wrdreg s0;
	s23 =	sadd.s32 $0x2200, s1  }
0x12: {  	s0 =	simm.s32 $0x5;
	s1 =	sadd.s32 $0xC200, s1;
	[dreg:$0x3] =	wrdreg s23  }
0x13: {  	s25 =	simm.s32 $0xF;
	s3 =	sadd.s32 $0x3F200, s3;
	[dreg:$0x4] =	wrdreg s1  }
0x14: {  	[dreg:$0x6] =	wrdreg s3;
	s23 =	simm.s32 $0xCD00;
	s1 =	simm.s32 $0x3  }
.LBB2_4:
0x15: {  	_ =	swait.ge [sflag:s16], $0x1F40  }
0x16: {  	[sflag:s16] =	ssyncset.done $0x0  }
0x17: {  	s8 =	simm.s32 $0x9;
	[sflag:s16] =	ssyncadd.s32 $0xFFFFE0C0  }
0x18: {  	[spmem:s2] =	stream.indirect.scatter.add.f32 [tilespmem:s30], [sflag:$0x10], $0x40, s3, s14, $0xb8;
	[tilespmem:$0x1EA00] =	vst v63  }
0x19: {  	_ =	swait.ge [sflag:s8], $0x1F40  }
0x1a: {  	[sflag:s8] =	ssyncset.done $0x0  }
0x1b: {  	s9 =	simm.s32 $0xA;
	[sflag:s8] =	ssyncadd.s32 $0xFFFFE0C0  }
0x1c: {  	_ =	swait.ge [sflag:s9], $0x1F40  }
0x1d: {  	[sflag:s9] =	ssyncset.done $0x0  }
0x1e: {  	[sflag:s9] =	ssyncadd.s32 $0xFFFFE0C0  }
0x1f: {  	_ =	swait.ge [sflag:s20], $0x1F40  }
0x20: {  	[sflag:s20] =	ssyncset.done $0x0  }
0x21: {  	[sflag:s20] =	ssyncadd.s32 $0xFFFFE0C0  }
0x22: {  	_ =	swait.ge [sflag:s21], $0x1F40  }
0x23: {  	[sflag:s21] =	ssyncset.done $0x0  }
0x24: {  	[sflag:s21] =	ssyncadd.s32 $0xFFFFE0C0  }
0x25: {  	_ =	swait.ge [sflag:s22], $0x1F40  }
0x26: {  	[sflag:s22] =	ssyncset.done $0x0  }
0x27: {  	[sflag:s22] =	ssyncadd.s32 $0xFFFFE0C0  }
0x28: {  	_ =	swait.ge [sflag:s24], $0x1F40  }
0x29: {  	[sflag:s24] =	ssyncset.done $0x0  }
0x2a: {  	[sflag:s24] =	ssyncadd.s32 $0xFFFFE0C0  }
0x2b: {  	_ =	swait.ge [sflag:s25], $0x1F40  }
0x2c: {  	[sflag:s25] =	ssyncset.done $0x0  }
0x2d: {  	[sflag:s25] =	ssyncadd.s32 $0xFFFFE0C0  }
0x2e: {  	_ =	swait.ge [sflag:s26], $0x1F40  }
0x2f: {  	[sflag:s26] =	ssyncset.done $0x0  }
0x30: {  	[sflag:s26] =	ssyncadd.s32 $0xFFFFE0C0  }
0x31: {  	[bflag:$0x0] =	sbarrier.arrive $0xFFFF  }
0x32: {  	s17 =	rddreg [dreg:$0x6]  }
0x33: {  	[hbm:s17], [sflag:s12] =	dma.local [spmem:s13], $0x1400  }
0x34: {  	_ =	swait.ge [sflag:s10], $0x1400  }
0x35: {  	s29 =	sadd.s32 $0x1, s29;
	s18 =	rddreg [dreg:$0x7]  }
0x36: {  	p0 =	sne.s32 s29, s18  }
.Ltmp1:
0x37: {  	_ = 	snop;
	(pc) =	sbr.rel @!p0 .LBB2_5-.Ltmp1, $3  }
0x38: {  	_ =	sdelay $0x1  }
0x39: {  	[sflag:s10] =	ssyncset.done $0x0  }
0x3a: {  	[sflag:s10] =	ssyncadd.s32 $0xFFFFEC00  }
.LBB2_1:
0x3b: {  	s3 =	simm.s32 $0x0;
	s5 =	rddreg [dreg:$0x3]  }
0x3c: {  	[tilespmem:s3], [sflag:$0x11] =	stream.linear.gather [hbm4b:s5+s3], $0x2800, $0x38;
	[tilespmem:$0x1EA00] =	vst v63  }
0x3d: {  	_ =	swait.ge [sflag:s10], $0x2800  }
0x3e: {  	[sflag:s10] =	ssyncset.done $0x0  }
0x3f: {  	s6 =	simm.s32 $0x2800;
	s7 =	rddreg [dreg:$0x4];
	[sflag:s10] =	ssyncadd.s32 $0xFFFFD800  }
0x40: {  	[tilespmem:s6], [sflag:$0x11] =	stream.linear.gather [hbm4b:s7+s3], $0x2800, $0x38;
	[tilespmem:$0x1EA00] =	vst v63  }
0x41: {  	_ =	swait.ge [sflag:s10], $0x2800  }
0x42: {  	[sflag:s10] =	ssyncset.done $0x0  }
0x43: {  	s8 =	rddreg [dreg:$0x5];
	[sflag:s10] =	ssyncadd.s32 $0xFFFFD800  }
0x44: {  	[spmem:s13], [sflag:s12] =	dma.local [hbm:s8], $0x1400  }
0x45: {  	_ =	swait.ge [sflag:s10], $0x1400  }
0x46: {  	[sflag:s10] =	ssyncset.done $0x0  }
0x47: {  	[sflag:s10] =	ssyncadd.s32 $0xFFFFEC00  }
0x48: {  	[bflag:$0x0] =	sbarrier.arrive $0xFFFF  }
0x49: {  	[tilespmem:s15], [sflag:$0x1] =	stream.indirect.gather [hbm4b:s4+s14], $0x40, s3, s14, $0xb8;
	[tilespmem:$0x1EA00] =	vst v63  }
0x4a: {  	s9 =	simm.s32 $0x80;
	s17 =	simm.s32 $0x6F40  }
0x4b: {  	[tilespmem:s17], [sflag:$0x2] =	stream.indirect.gather [hbm4b:s4+s14], $0x40, s9, s14, $0xb8;
	[tilespmem:$0x1EA00] =	vst v63  }
0x4c: {  	s18 =	simm.s32 $0x100  }
0x4d: {  	[tilespmem:s19], [sflag:$0x3] =	stream.indirect.gather [hbm4b:s4+s14], $0x40, s18, s14, $0xb8;
	[tilespmem:$0x1EA00] =	vst v63  }
0x4e: {  	s5 =	simm.s32 $0x180;
	s6 =	simm.s32 $0xADC0  }
0x4f: {  	[tilespmem:s6], [sflag:$0x4] =	stream.indirect.gather [hbm4b:s4+s14], $0x40, s5, s14, $0xb8;
	[tilespmem:$0x1EA00] =	vst v63  }
0x50: {  	s7 =	simm.s32 $0x200  }
0x51: {  	[tilespmem:s23], [sflag:$0x5] =	stream.indirect.gather [hbm4b:s4+s14], $0x40, s7, s14, $0xb8;
	[tilespmem:$0x1EA00] =	vst v63  }
0x52: {  	s8 =	simm.s32 $0x280;
	s9 =	simm.s32 $0xEC40  }
0x53: {  	[tilespmem:s9], [sflag:$0x6] =	stream.indirect.gather [hbm4b:s4+s14], $0x40, s8, s14, $0xb8;
	[tilespmem:$0x1EA00] =	vst v63  }
0x54: {  	s17 =	simm.s32 $0x300  }
0x55: {  	[tilespmem:s28], [sflag:$0x7] =	stream.indirect.gather [hbm4b:s4+s14], $0x40, s17, s14, $0xb8;
	[tilespmem:$0x1EA00] =	vst v63  }
0x56: {  	s18 =	simm.s32 $0x380;
	s5 =	simm.s32 $0x0  }
0x57: {  	[tilespmem:s30], [sflag:$0x8] =	stream.indirect.gather [hbm4b:s4+s14], $0x40, s18, s14, $0xb8;
	[tilespmem:$0x1EA00] =	vst v63  }
.LBB2_2:
0x58: {  	_ =	swait.ge [sflag:s31], $0x1F40  }
0x59: {  	s6 =	sshra.s32 s5, $0x2;
	[sflag:s31] =	ssyncset.done $0x0  }
0x5a: {  	p0 =	seq.s32 s5, $0x9000;
	s3 =	sadd.s32 $0x2800, s6;
	[sflag:s31] =	ssyncadd.s32 $0xFFFFE0C0  }
0x5b: {  	[spmem:s2] =	stream.indirect.scatter.add.f32 [tilespmem:s15], [sflag:$0x9], $0x40, s3, s14, $0xb8;
	[tilespmem:$0x1EA00] =	vst v63  }
0x5c: {  	s3 =	simm.s32 @p0 $0x2  }
0x5d: {  	_ =	swait.ge @p0 [sflag:s3], $0x1F40  }
0x5e: {  	s9 =	sshra.s32 @p0 s5, $0x2;
	s8 =	simm.s32 @p0 $0x6F40;
	[sflag:s3] =	ssyncset.done @p0 $0x0  }
0x5f: {  	s7 =	sadd.s32 @p0 $0x2880, s9;
	[sflag:s3] =	ssyncadd.s32 @p0 $0xFFFFE0C0;
	s3 =	simm.s32 @p0 $0x7D  }
0x60: {  	[spmem:s2] =	stream.indirect.scatter.add.f32 @p0 [tilespmem:s8], [sflag:$0xA], $0x40, s7, s3, $0xb8;
	[tilespmem:$0x1EA00] =	vst v63  }
0x61: {  	s7 =	simm.s32 @!p0 $0x9  }
0x62: {  	_ =	swait.ge @!p0 [sflag:s7], $0x1F40  }
0x63: {  	[sflag:s7] =	ssyncset.done @!p0 $0x0  }
0x64: {  	[sflag:s7] =	ssyncadd.s32 @!p0 $0xFFFFE0C0;
	s7 =	sshra.s32 @!p0 s5, $0x2  }
0x65: {  	s18 =	simm.s32 @!p0 $0x5000;
	s8 =	simm.s32 @!p0 $0x7D;
	s17 =	sadd.s32 @!p0 $0x400, s7  }
0x66: {  	[tilespmem:s18], [sflag:$0x1] =	stream.indirect.gather @!p0 [hbm4b:s4+s8], $0x40, s17, s8, $0xb8;
	[tilespmem:$0x1EA00] =	vst v63  }
0x67: {  	s17 =	simm.s32 @!p0 $0x2  }
0x68: {  	_ =	swait.ge @!p0 [sflag:s17], $0x1F40  }
0x69: {  	[sflag:s17] =	ssyncset.done @!p0 $0x0  }
0x6a: {  	s18 =	simm.s32 @!p0 $0x6F40;
	[sflag:s17] =	ssyncadd.s32 @!p0 $0xFFFFE0C0;
	s17 =	sadd.s32 @!p0 $0x2880, s7  }
0x6b: {  	[spmem:s2] =	stream.indirect.scatter.add.f32 @!p0 [tilespmem:s18], [sflag:$0xA], $0x40, s17, s8, $0xb8;
	[tilespmem:$0x1EA00] =	vst v63  }
0x6c: {  	s17 =	simm.s32 @!p0 $0xA  }
0x6d: {  	_ =	swait.ge @!p0 [sflag:s17], $0x1F40  }
0x6e: {  	[sflag:s17] =	ssyncset.done @!p0 $0x0  }
0x6f: {  	[sflag:s17] =	ssyncadd.s32 @!p0 $0xFFFFE0C0;
	s17 =	sadd.s32 @!p0 $0x480, s7  }
0x70: {  	[tilespmem:s18], [sflag:$0x2] =	stream.indirect.gather @!p0 [hbm4b:s4+s8], $0x40, s17, s8, $0xb8;
	[tilespmem:$0x1EA00] =	vst v63  }
0x71: {  	_ =	swait.ge [sflag:s1], $0x1F40  }
0x72: {  	[sflag:s1] =	ssyncset.done $0x0  }
0x73: {  	s18 =	sadd.s32 $0x2900, s6;
	s17 =	simm.s32 @p0 $0x4;
	[sflag:s1] =	ssyncadd.s32 $0xFFFFE0C0  }
0x74: {  	[spmem:s2] =	stream.indirect.scatter.add.f32 [tilespmem:s19], [sflag:$0xB], $0x40, s18, s14, $0xb8;
	[tilespmem:$0x1EA00] =	vst v63  }
0x75: {  	_ =	swait.ge @p0 [sflag:s17], $0x1F40  }
0x76: {  	[sflag:s17] =	ssyncset.done @p0 $0x0  }
0x77: {  	s18 =	simm.s32 @p0 $0xADC0;
	[sflag:s17] =	ssyncadd.s32 @p0 $0xFFFFE0C0;
	s17 =	sadd.s32 @p0 $0x2980, s9  }
0x78: {  	[spmem:s2] =	stream.indirect.scatter.add.f32 @p0 [tilespmem:s18], [sflag:$0xC], $0x40, s17, s3, $0xb8;
	[tilespmem:$0x1EA00] =	vst v63  }
0x79: {  	s17 =	simm.s32 @!p0 $0xB  }
0x7a: {  	_ =	swait.ge @!p0 [sflag:s17], $0x1F40  }
0x7b: {  	[sflag:s17] =	ssyncset.done @!p0 $0x0  }
0x7c: {  	s18 =	simm.s32 @!p0 $0x8E80;
	[sflag:s17] =	ssyncadd.s32 @!p0 $0xFFFFE0C0;
	s17 =	sadd.s32 @!p0 $0x500, s7  }
0x7d: {  	[tilespmem:s18], [sflag:$0x3] =	stream.indirect.gather @!p0 [hbm4b:s4+s8], $0x40, s17, s8, $0xb8;
	[tilespmem:$0x1EA00] =	vst v63  }
0x7e: {  	s17 =	simm.s32 @!p0 $0x4  }
0x7f: {  	_ =	swait.ge @!p0 [sflag:s17], $0x1F40  }
0x80: {  	[sflag:s17] =	ssyncset.done @!p0 $0x0  }
0x81: {  	s18 =	simm.s32 @!p0 $0xADC0;
	[sflag:s17] =	ssyncadd.s32 @!p0 $0xFFFFE0C0;
	s17 =	sadd.s32 @!p0 $0x2980, s7  }
0x82: {  	[spmem:s2] =	stream.indirect.scatter.add.f32 @!p0 [tilespmem:s18], [sflag:$0xC], $0x40, s17, s8, $0xb8;
	[tilespmem:$0x1EA00] =	vst v63  }
0x83: {  	s17 =	simm.s32 @!p0 $0xC  }
0x84: {  	_ =	swait.ge @!p0 [sflag:s17], $0x1F40  }
0x85: {  	[sflag:s17] =	ssyncset.done @!p0 $0x0  }
0x86: {  	[sflag:s17] =	ssyncadd.s32 @!p0 $0xFFFFE0C0;
	s17 =	sadd.s32 @!p0 $0x580, s7  }
0x87: {  	[tilespmem:s18], [sflag:$0x4] =	stream.indirect.gather @!p0 [hbm4b:s4+s8], $0x40, s17, s8, $0xb8;
	[tilespmem:$0x1EA00] =	vst v63  }
0x88: {  	_ =	swait.ge [sflag:s0], $0x1F40  }
0x89: {  	[sflag:s0] =	ssyncset.done $0x0  }
0x8a: {  	s18 =	sadd.s32 $0x2A00, s6;
	s17 =	simm.s32 @p0 $0x6;
	[sflag:s0] =	ssyncadd.s32 $0xFFFFE0C0  }
0x8b: {  	[spmem:s2] =	stream.indirect.scatter.add.f32 [tilespmem:s23], [sflag:$0xD], $0x40, s18, s14, $0xb8;
	[tilespmem:$0x1EA00] =	vst v63  }
0x8c: {  	_ =	swait.ge @p0 [sflag:s17], $0x1F40  }
0x8d: {  	[sflag:s17] =	ssyncset.done @p0 $0x0  }
0x8e: {  	s9 =	sadd.s32 @p0 $0x2A80, s9;
	[sflag:s17] =	ssyncadd.s32 @p0 $0xFFFFE0C0;
	s17 =	simm.s32 @p0 $0xEC40  }
0x8f: {  	[spmem:s2] =	stream.indirect.scatter.add.f32 @p0 [tilespmem:s17], [sflag:$0xE], $0x40, s9, s3, $0xb8;
	[tilespmem:$0x1EA00] =	vst v63  }
0x90: {  	s3 =	simm.s32 @!p0 $0xD  }
0x91: {  	_ =	swait.ge @!p0 [sflag:s3], $0x1F40  }
0x92: {  	[sflag:s3] =	ssyncset.done @!p0 $0x0  }
0x93: {  	s9 =	simm.s32 @!p0 $0xCD00;
	[sflag:s3] =	ssyncadd.s32 @!p0 $0xFFFFE0C0;
	s3 =	sadd.s32 @!p0 $0x600, s7  }
0x94: {  	[tilespmem:s9], [sflag:$0x5] =	stream.indirect.gather @!p0 [hbm4b:s4+s8], $0x40, s3, s8, $0xb8;
	[tilespmem:$0x1EA00] =	vst v63  }
0x95: {  	s3 =	simm.s32 @!p0 $0x6  }
0x96: {  	_ =	swait.ge @!p0 [sflag:s3], $0x1F40  }
0x97: {  	[sflag:s3] =	ssyncset.done @!p0 $0x0  }
0x98: {  	s9 =	simm.s32 @!p0 $0xEC40;
	[sflag:s3] =	ssyncadd.s32 @!p0 $0xFFFFE0C0;
	s3 =	sadd.s32 @!p0 $0x2A80, s7  }
0x99: {  	[spmem:s2] =	stream.indirect.scatter.add.f32 @!p0 [tilespmem:s9], [sflag:$0xE], $0x40, s3, s8, $0xb8;
	[tilespmem:$0x1EA00] =	vst v63  }
0x9a: {  	s3 =	simm.s32 @!p0 $0xE  }
0x9b: {  	_ =	swait.ge @!p0 [sflag:s3], $0x1F40  }
0x9c: {  	[sflag:s3] =	ssyncset.done @!p0 $0x0  }
0x9d: {  	[sflag:s3] =	ssyncadd.s32 @!p0 $0xFFFFE0C0;
	s3 =	sadd.s32 @!p0 $0x680, s7  }
0x9e: {  	[tilespmem:s9], [sflag:$0x6] =	stream.indirect.gather @!p0 [hbm4b:s4+s8], $0x40, s3, s8, $0xb8;
	[tilespmem:$0x1EA00] =	vst v63  }
.Ltmp2:
0x9f: {  	_ = 	snop;
	(pc) =	sbr.rel @p0 .LBB2_4-.Ltmp2, $4  }
0xa0: {  	_ =	swait.ge [sflag:s11], $0x1F40  }
0xa1: {  	[sflag:s11] =	ssyncset.done $0x0  }
0xa2: {  	s18 =	sadd.s32 $0x2B00, s6;
	s3 =	sadd.s32 $0x2B80, s6;
	[sflag:s11] =	ssyncadd.s32 $0xFFFFE0C0  }
0xa3: {  	[spmem:s2] =	stream.indirect.scatter.add.f32 [tilespmem:s28], [sflag:$0xF], $0x40, s18, s14, $0xb8;
	[tilespmem:$0x1EA00] =	vst v63  }
0xa4: {  	_ =	swait.ge [sflag:s25], $0x1F40  }
0xa5: {  	[sflag:s25] =	ssyncset.done $0x0  }
0xa6: {  	s7 =	sadd.s32 $0x700, s6;
	[sflag:s25] =	ssyncadd.s32 $0xFFFFE0C0  }
0xa7: {  	[tilespmem:s28], [sflag:$0x7] =	stream.indirect.gather [hbm4b:s4+s14], $0x40, s7, s14, $0xb8;
	[tilespmem:$0x1EA00] =	vst v63  }
0xa8: {  	_ =	swait.ge [sflag:s16], $0x1F40  }
0xa9: {  	[sflag:s16] =	ssyncset.done $0x0  }
0xaa: {  	[sflag:s16] =	ssyncadd.s32 $0xFFFFE0C0  }
0xab: {  	[spmem:s2] =	stream.indirect.scatter.add.f32 [tilespmem:s30], [sflag:$0x10], $0x40, s3, s14, $0xb8;
	[tilespmem:$0x1EA00] =	vst v63  }
.Ltmp3:
0xac: {  	_ = 	snop;
	(pc) =	sbr.rel .LBB2_2-.Ltmp3, $4  }
0xad: {  	_ =	swait.ge [sflag:s26], $0x1F40  }
0xae: {  	[sflag:s26] =	ssyncset.done $0x0  }
0xaf: {  	s18 =	sadd.s32 $0x780, s6;
	s5 =	sadd.s32 $0x1000, s5;
	[sflag:s26] =	ssyncadd.s32 $0xFFFFE0C0  }
0xb0: {  	[tilespmem:s30], [sflag:$0x8] =	stream.indirect.gather [hbm4b:s4+s14], $0x40, s18, s14, $0xb8;
	[tilespmem:$0x1EA00] =	vst v63  }
.LBB2_5:
0xb1: {  	_ =	sfence.sel $0x180000  }
0xb2: {  	[bflag:$0x0] =	sbarrier.arrive $0xFFFF  }
0xb3: {  	_ =	strace $0x9000004A  }
0xb4: {  	s0 =	stileid.u32;
	[bflag:$0x2] =	sbarrier.arrive $0xFFFF  }
0xb5: {  	p0 =	sne.s32 s0, $0x0;
	s0 =	rddreg [dreg:$0x2]  }
0xb6: {  	s0 =	sadd.s32 @!p0 $0x100000, s0  }
0xb7: {  	[sflag:s0] =	ssyncadd.tile.s32 @!p0 $0x1;
	_ =	shalt  }
.Lfunc_end2:
_tile_overlayer_lowered:
.L_overlay_start_2:
0xb8: {  	(tag) =	ssettag $0x2  }
0xb9: {  	s0 =	rddreg [dreg:$0x0];
	s2 =	stileid.u32  }
0xba: {  	s1 =	rddreg [dreg:$0x1];
	p0 =	sne.s32 s2, $0x0  }
0xbb: {  	s3 =	rddreg [dreg:$0x2];
	[bflag:$0x3] =	sbarrier.arrive $0xFFFF;
	s2 =	simm.s32 @!p0 $0x1C11  }
0xbc: {  	[timem:s3], [sflag:s2] =	dma.local @!p0 [hbm:s0], s1  }
0xbd: {  	s0 =	simm.s32 @!p0 $0x11  }
0xbe: {  	_ =	swait.ge @!p0 [sflag:s0], s1  }
0xbf: {  	s1 =	ssub.s32 @!p0 $0x0, s1;
	[sflag:s0] =	ssyncset.done @!p0 $0x0  }
0xc0: {  	[sflag:s0] =	ssyncadd.s32 @!p0 s1  }
0xc1: {  	[bflag:$0x3] =	sbarrier.arrive $0xFFFF  }
0xc2: {  	_ =	shalt  }

// kernel: kernel.14.cloned.1.call-start
scs
__scs_entry_jumppad:
0x0: {  	(pc) =	sbr.rel $0x88, $3  }
0x1: {  	(tag) =	ssettag $0x0;
	lr =	simm.s32 $0x1  }
0x2: {  	[smem:$0x3F9B] =	sst lr;
	_ =	strace $0xD0000000  }
0x3: {  	_ = 	snop  }
0x4: {  	_ = 	snop  }
0x5: {  	_ = 	snop  }
0x6: {  	_ = 	snop  }
0x7: {  	_ = 	snop  }
__scs_overlays_trampoline_lowered:
0x8: {  	[smem:$0x3FAA] =	sst s0  }
0x9: {  	[smem:$0x3FAB] =	sst s1  }
0xa: {  	[smem:$0x3FAC] =	sst s2  }
0xb: {  	[smem:$0x3FAD] =	sst s3  }
0xc: {  	[smem:$0x3FAE] =	sst s4  }
0xd: {  	[smem:$0x3FAF] =	sst s5  }
0xe: {  	[smem:$0x3FB0] =	sst s6  }
0xf: {  	[smem:$0x3FB1] =	sst s7  }
0x10: {  	[smem:$0x3FB2] =	sst s8  }
0x11: {  	[smem:$0x3FB3] =	sst s9;
	s0 =	simm.s32 @!p0 $0x0  }
0x12: {  	s1 =	sld [smem:$0x3F99];
	s0 =	simm.s32 @p0 $0x1  }
0x13: {  	[smem:$0x3FB4] =	sst s0;
	s0 =	simm.s32 @!p1 $0x0  }
0x14: {  	s2 =	sld [smem:$0x3F98];
	s0 =	simm.s32 @p1 $0x1  }
0x15: {  	[smem:$0x3FB5] =	sst s0;
	s0 =	simm.s32 @!p2 $0x0  }
0x16: {  	s3 =	sld [smem:$0x3FDB];
	s0 =	simm.s32 @p2 $0x1  }
0x17: {  	s4 =	simm.s32 $0x1BF5;
	[smem:$0x3FB7] =	sst s0  }
0x18: {  	s0 =	sld [smem:$0x3F9A];
	_ =	swait.ge [sflag:s4], $0x0  }
0x19: {  	s7 =	sld [smem:$0x3F9B]  }
0x1a: {  	s8 =	sadd.s32 $0xFFFFE003, lr  }
0x1b: {  	s9 =	sadd.s32 $0xFFFFFEF7, lr;
	s5 =	simm.s32 $0xFFFFFFFF;
	p2 =	slt.u32 s8, $0xFFFFF086  }
0x1c: {  	p1 =	slt.u32 s9, $0xF7A;
	s5 =	simm.s32 @!p2 $0x0  }
0x1d: {  	s5 =	simm.s32 @p1 $0x1;
	p0 =	seq.s32 s7, s2  }
0x1e: {  	s7 =	smul.u32 @!p0 $0xF7A, s2;
	p2 =	seq.s32 @!p0 s5, $0x0  }
0x1f: {  	s9 =	smul.u32 $0xF7A, s1;
	s8 =	simm.s32 @!p0 $0x1BF5;
	p2 =	por !p2, p0  }
0x20: {  	[sflag:s8] =	ssyncset.s32 @!p0 $0xFFFFF086;
	s6 =	sadd.s32 @!p0 s3, s7;
	s7 =	simm.s32 @!p0 $0x108  }
0x21: {  	s3 =	sadd.s32 s3, s9;
	s6 =	sadd.s32 @!p0 $0x88, s6;
	s7 =	simm.s32 @p2 $0x1082  }
0x22: {  	[simem:s7], [sflag:s8] =	dma.local @!p0 [hbm:s6], $0xF7A  }
0x23: {  	s9 =	sor.u32 $0xD0000000, s2;
	s6 =	simm.s32 $0x108;
	_ =	swait.ge @!p0 [sflag:s8], $0x0  }
0x24: {  	s3 =	sadd.s32 $0x88, s3;
	s6 =	simm.s32 @!p1 $0x1082;
	[sflag:s4] =	ssyncset.s32 $0xFFFFF086  }
0x25: {  	[simem:s6], [sflag:s4] =	dma.local [hbm:s3], $0xF7A  }
0x26: {  	[smem:$0x3F9B] =	sst s1;
	(tag) =	ssettag s2;
	_ =	strace s9  }
0x27: {  	s1 =	sld [smem:$0x3FAB]  }
0x28: {  	s2 =	sld [smem:$0x3FAC]  }
0x29: {  	s4 =	sld [smem:$0x3FAE]  }
0x2a: {  	p0 =	seq.s32 s5, $0x0;
	s5 =	sld [smem:$0x3FAF]  }
0x2b: {  	s6 =	sld [smem:$0x3FB0]  }
0x2c: {  	s7 =	sld [smem:$0x3FB1]  }
0x2d: {  	s3 =	simm.s32 $0x108;
	s8 =	sld [smem:$0x3FB2]  }
0x2e: {  	s3 =	simm.s32 @!p0 $0x1082;
	s9 =	sld [smem:$0x3FB3]  }
0x2f: {  	lr =	sadd.s32 s0, s3;
	s0 =	sld [smem:$0x3FAA]  }
0x30: {  	s3 =	sld [smem:$0x3FAD]  }
0x31: {  	[smem:$0x3FB6] =	sst s10  }
0x32: {  	s10 =	sld [smem:$0x3FB4];
	_ =	sdelay $0x3  }
0x33: {  	p0 =	seq.s32 s10, $0x1;
	s10 =	sld [smem:$0x3FB6];
	_ =	sdelay $0x3  }
0x34: {  	[smem:$0x3FB6] =	sst s10  }
0x35: {  	s10 =	sld [smem:$0x3FB5];
	_ =	sdelay $0x3  }
0x36: {  	p1 =	seq.s32 s10, $0x1;
	s10 =	sld [smem:$0x3FB6];
	_ =	sdelay $0x3  }
0x37: {  	[smem:$0x3FB6] =	sst s10  }
0x38: {  	s10 =	sld [smem:$0x3FB7]  }
0x39: {  	_ = 	snop;
	(pc) =	sbr.ind lr, $3  }
0x3a: {  	_ = 	snop  }
0x3b: {  	_ = 	snop  }
0x3c: {  	p2 =	seq.s32 s10, $0x1;
	s10 =	sld [smem:$0x3FB6]  }
0x3d: {  	_ =	shalt  }
0x3e: {  	_ =	shalt  }
0x3f: {  	_ =	shalt  }
0x40: {  	_ =	shalt  }
0x41: {  	_ =	shalt  }
0x42: {  	_ =	shalt  }
0x43: {  	_ =	shalt  }
0x44: {  	_ =	shalt  }
0x45: {  	_ =	shalt  }
0x46: {  	_ =	shalt  }
0x47: {  	_ =	shalt  }
0x48: {  	_ =	shalt  }
0x49: {  	_ =	shalt  }
0x4a: {  	_ =	shalt  }
0x4b: {  	_ =	shalt  }
0x4c: {  	_ =	shalt  }
0x4d: {  	_ =	shalt  }
0x4e: {  	_ =	shalt  }
0x4f: {  	_ =	shalt  }
0x50: {  	_ =	shalt  }
0x51: {  	_ =	shalt  }
0x52: {  	_ =	shalt  }
0x53: {  	_ =	shalt  }
0x54: {  	_ =	shalt  }
0x55: {  	_ =	shalt  }
0x56: {  	_ =	shalt  }
0x57: {  	_ =	shalt  }
0x58: {  	_ =	shalt  }
0x59: {  	_ =	shalt  }
0x5a: {  	_ =	shalt  }
0x5b: {  	_ =	shalt  }
0x5c: {  	_ =	shalt  }
0x5d: {  	_ =	shalt  }
0x5e: {  	_ =	shalt  }
0x5f: {  	_ =	shalt  }
0x60: {  	_ =	shalt  }
0x61: {  	_ =	shalt  }
0x62: {  	_ =	shalt  }
0x63: {  	_ =	shalt  }
0x64: {  	_ =	shalt  }
0x65: {  	_ =	shalt  }
0x66: {  	_ =	shalt  }
0x67: {  	_ =	shalt  }
0x68: {  	_ =	shalt  }
0x69: {  	_ =	shalt  }
0x6a: {  	_ =	shalt  }
0x6b: {  	_ =	shalt  }
0x6c: {  	_ =	shalt  }
0x6d: {  	_ =	shalt  }
0x6e: {  	_ =	shalt  }
0x6f: {  	_ =	shalt  }
0x70: {  	_ =	shalt  }
0x71: {  	_ =	shalt  }
0x72: {  	_ =	shalt  }
0x73: {  	_ =	shalt  }
0x74: {  	_ =	shalt  }
0x75: {  	_ =	shalt  }
0x76: {  	_ =	shalt  }
0x77: {  	_ =	shalt  }
0x78: {  	_ =	shalt  }
0x79: {  	_ =	shalt  }
0x7a: {  	_ =	shalt  }
0x7b: {  	_ =	shalt  }
0x7c: {  	_ =	shalt  }
0x7d: {  	_ =	shalt  }
0x7e: {  	_ =	shalt  }
0x7f: {  	_ =	shalt  }
0x80: {  	_ =	shalt  }
0x81: {  	_ =	shalt  }
0x82: {  	_ =	shalt  }
0x83: {  	_ =	shalt  }
0x84: {  	_ =	shalt  }
0x85: {  	_ =	shalt  }
0x86: {  	_ =	shalt  }
0x87: {  	_ =	shalt  }
.Lfunc_end0:
.L_simem_size_0:
called_computation.2_lowered:
.L_overlay_start_0:
0x88: {  	s2 =	sld [smem:$0x3FD9]  }
0x89: {  	s3 =	sld [smem:$0x3FFE];
	_ =	sdelay $0x1  }
0x8a: {  	s1 =	srdreg.scid  }
0x8b: {  	s0 =	sand.u32 $0x1, s1  }
0x8c: {  	s16 =	sshll.u32 s0, $0xA;
	s2 =	sadd.s32 s3, s2  }
0x8d: {  	s2 =	sadd.s32 s2, s16  }
0x8e: {  	[smem:$0x3FC2] =	sst s2  }
0x8f: {  	_ = 	snop  }
0x90: {  	(tm) =	ssettm $0x1  }
0x91: {  	s17 =	sld [smem:$0x3FFB];
	_ =	sdelay $0x3  }
0x92: {  	_ =	strace s17  }
0x93: {  	s2 =	sld [smem:$0x3FFC];
	_ =	sdelay $0x3  }
0x94: {  	_ =	strace s2  }
0x95: {  	s2 =	sld [smem:$0x3FFD];
	_ =	sdelay $0x3  }
0x96: {  	_ =	strace s2  }
0x97: {  	_ =	strace $0x8FFFFFFF  }
0x98: {  	s18 =	sld [smem:$0x3FDB];
	_ =	sdelay $0x1  }
0x99: {  	s19 =	simm.s32 $_scs_section_size  }
0x9a: {  	s4 =	simm.s32 $_size__tile_overlayer_lowered;
	s5 =	simm.s32 $_tile_overlayer_lowered  }
0x9b: {  	s22 =	simm.s32 $0x1BFF;
	s21 =	sshll.u32 s5, $0x1;
	s2 =	sadd.s32 s19, s18  }
0x9c: {  	s6 =	simm.s32 $0x0;
	s20 =	sshll.u32 s4, $0x1;
	s4 =	sadd.s32 s21, s2  }
0x9d: {  	[timem:s6], [sflag:s22] =	dma.local [hbm:s4], s20  }
0x9e: {  	_ =	swait.ge [sflag:s22], s20  }
0x9f: {  	s3 =	ssub.s32 $0x0, s20;
	[sflag:s22] =	ssyncset.done $0x0  }
0xa0: {  	[sflag:s22] =	ssyncadd.s32 s3;
	_ =	sdelay $0x1  }
0xa1: {  	s23 =	simm.s32 $0x1B8B  }
0xa2: {  	_ =	swait.ge [sflag:s23], $0x1  }
0xa3: {  	[sflag:s23] =	ssyncset.done $0x0  }
0xa4: {  	s25 =	simm.s32 $0x1B8E;
	s24 =	sld [smem:$0x3FFE];
	[sflag:s23] =	ssyncadd.s32 $0xFFFFFFFF  }
0xa5: {  	s26 =	simm.s32 $execute0_lowered;
	[smem:$0x3FD2] =	sst s25  }
0xa6: {  	s4 =	sshll.u32 s26, $0x1;
	_ =	strace $0x8000004C;
	[dreg:$0x1] =	wrdreg $0xFFFFFFFF  }
0xa7: {  	s28 =	simm.s32 $_size_execute0_lowered;
	s2 =	sadd.s32 s2, s4;
	[dreg:$0x0] =	wrdreg $0x0  }
0xa8: {  	s4 =	sshll.u32 s28, $0x1;
	[dreg:$0x2] =	wrdreg s2  }
0xa9: {  	[dreg:$0x3] =	wrdreg s4  }
0xaa: {  	[dreg:$0x4] =	wrdreg $0xC0  }
0xab: {  	_ =	task [dreg:s6], $0x5FFFF  }
0xac: {  	[dreg:$0x1] =	wrdreg $0xFFFFFFFF  }
0xad: {  	[dreg:$0x0] =	wrdreg $0x60  }
0xae: {  	[dreg:$0x2] =	wrdreg s24  }
0xaf: {  	[dreg:$0x3] =	wrdreg $0x54000  }
0xb0: {  	[dreg:$0x4] =	wrdreg $0x56800  }
0xb1: {  	[dreg:$0x5] =	wrdreg $0x9  }
0xb2: {  	_ =	task.clear_ibuf [dreg:s6], $0x6FFFF;
	_ =	strace $0x9000004C  }
0xb3: {  	s29 =	simm.s32 $0x9;
	_ =	strace $0x8000004E  }
0xb4: {  	_ =	swait.ge [sflag:s29], $0x1  }
0xb5: {  	[sflag:s29] =	ssyncadd.s32 $0xFFFFFFFF  }
0xb6: {  	_ =	strace $0x9000004E  }
0xb7: {  	_ =	sfence  }
0xb8: {  	s30 =	sld [smem:$0x0];
	_ =	sdelay $0x2  }
0xb9: {  	s31 =	sshll.u32 s1, $0xD;
	s1 =	sshrl.u32 s1, $0x2  }
0xba: {  	s3 =	sand.u32 $0x4000, s31;
	s1 =	sadd.s32 s1, s30  }
0xbb: {  	s0 =	sor.u32 s3, s0;
	s1 =	sshll.u32 s1, $0x11  }
0xbc: {  	s0 =	sor.u32 s1, s0  }
0xbd: {  	s0 =	sadd.s32 $0x8F2B, s0  }
0xbe: {  	[sflag:s0] =	ssyncadd.remote.s32 $0x1  }
0xbf: {  	_ =	sfence.sel $0xFFFF  }
0xc0: {  	[dreg:$0x0] =	wrdreg $0xFFFFFFFF;
	(pc) =	sbr.abs _section_cstart, $3  }
0xc1: {  	[dreg:$0x1] =	wrdreg $0xFFFFFFFF  }
0xc2: {  	_ =	task.clear_ibuf [dreg:s6], $0x2FFFF;
	_ =	strace $0x9FFFFFFF  }
0xc3: {  	(tm) =	ssettm $0x7FFFFFFF  }
tec
execute0_lowered:
.L_overlay_start_1:
0x0: {  	(tag) =	ssettag $0x1  }
0x1: {  	s0 =	rddreg [dreg:$0x0]  }
0x2: {  	s2 =	rddreg [dreg:$0x1]  }
0x3: {  	s3 =	rddreg [dreg:$0x2]  }
0x4: {  	s8 =	stileid.u32;
	s1 =	srdreg.scid;
	s7 =	simm.s32 $0x0  }
0x5: {  	s11 =	simm.s32 $0x11;
	s16 =	simm.s32 $0x7D;
	s17 =	simm.s32 $0x5000  }
0x6: {  	s30 =	simm.s32 $0x5300;
	s12 =	simm.s32 $0x3;
	s28 =	simm.s32 $0xD  }
0x7: {  	s29 =	simm.s32 $0xE;
	s31 =	simm.s32 $0xF;
	s4 =	smul.u32 $0x280, s8  }
0x8: {  	s1 =	sand.u32 $0x1, s1;
	s5 =	sshll.u32 s8, $0x1;
	[smem:$0x7FF] =	sst s7  }
0x9: {  	s25 =	sshll.u32 s8, $0x6;
	s5 =	sor.u32 s1, s5;
	s6 =	smul.u32 $0x2800, s1  }
0xa: {  	_ =	strace $0x8000004D;
	s1 =	ssub.s32 $0x2, s1;
	s13 =	sor.u32 $0x1C11, s25  }
0xb: {  	s25 =	simm.s32 $0x5200;
	s18 =	sshrl.u32 s4, $0x3;
	s5 =	smul.u32 $0x2800, s5  }
0xc: {  	s19 =	sshrl.u32 s1, $0x1;
	s21 =	sadd.s32 s4, s2;
	s7 =	sadd.s32 s18, s0  }
0xd: {  	s6 =	sadd.s32 s4, s6;
	s1 =	ssub.s32 s1, s19;
	s4 =	sadd.s32 s4, s3  }
0xe: {  	s14 =	sshrl.u32 s21, $0x3;
	s21 =	simm.s32 $0x5100;
	s18 =	simm.s32 $0x5  }
0xf: {  	s19 =	simm.s32 $0x7;
	s5 =	sshrl.u32 s5, $0x3;
	s22 =	sadd.s32 $0x16200, s7  }
0x10: {  	s6 =	sshrl.u32 s6, $0x3;
	s23 =	sadd.s32 $0x17200, s7;
	[dreg:$0x6] =	wrdreg s22  }
0x11: {  	s24 =	smax.u32 s1, $0x1;
	s26 =	sshrl.u32 s4, $0x3;
	[dreg:$0x7] =	wrdreg s23  }
0x12: {  	s1 =	simm.s32 $0x1;
	s5 =	sadd.s32 s5, s0;
	[dreg:$0x9] =	wrdreg s24  }
.Ltmp0:
0x13: {  	[dreg:$0xa] =	wrdreg s26;
	s20 =	sadd.s32 $0x2200, s5;
	(pc) =	sbr.rel .LBB2_1-.Ltmp0, $4  }
0x14: {  	s0 =	sadd.s32 s6, s0;
	s5 =	sadd.s32 $0xC200, s5;
	[dreg:$0x4] =	wrdreg s20  }
0x15: {  	s24 =	simm.s32 $0xB;
	s0 =	sadd.s32 $0x17800, s0;
	[dreg:$0x5] =	wrdreg s5  }
0x16: {  	s26 =	simm.s32 $0xC;
	s6 =	simm.s32 $0x0;
	[dreg:$0x8] =	wrdreg s0  }
0x17: {  	s0 =	simm.s32 $0x5380;
	s20 =	simm.s32 $0x8;
	s5 =	simm.s32 $0x10  }
.LBB2_4:
0x18: {  	_ =	swait.ge [sflag:s20], $0x7D  }
0x19: {  	[sflag:s20] =	ssyncset.done $0x0  }
0x1a: {  	s10 =	simm.s32 $0x9;
	[sflag:s20] =	ssyncadd.s32 $0xFFFFFF83  }
0x1b: {  	[spmem:s2] =	stream.indirect.scatter.add.f32 [tilespmem:s0], [sflag:$0x10], $0x1, s4, s16, $0xb8;
	[tilespmem:$0x5900] =	vst v63  }
0x1c: {  	_ =	swait.ge [sflag:s10], $0x7D  }
0x1d: {  	[sflag:s10] =	ssyncset.done $0x0  }
0x1e: {  	s15 =	simm.s32 $0xA;
	[sflag:s10] =	ssyncadd.s32 $0xFFFFFF83  }
0x1f: {  	_ =	swait.ge [sflag:s15], $0x7D  }
0x20: {  	[sflag:s15] =	ssyncset.done $0x0  }
0x21: {  	[sflag:s15] =	ssyncadd.s32 $0xFFFFFF83  }
0x22: {  	_ =	swait.ge [sflag:s24], $0x7D  }
0x23: {  	[sflag:s24] =	ssyncset.done $0x0  }
0x24: {  	[sflag:s24] =	ssyncadd.s32 $0xFFFFFF83  }
0x25: {  	_ =	swait.ge [sflag:s26], $0x7D  }
0x26: {  	[sflag:s26] =	ssyncset.done $0x0  }
0x27: {  	[sflag:s26] =	ssyncadd.s32 $0xFFFFFF83  }
0x28: {  	_ =	swait.ge [sflag:s28], $0x7D  }
0x29: {  	[sflag:s28] =	ssyncset.done $0x0  }
0x2a: {  	[sflag:s28] =	ssyncadd.s32 $0xFFFFFF83  }
0x2b: {  	_ =	swait.ge [sflag:s29], $0x7D  }
0x2c: {  	[sflag:s29] =	ssyncset.done $0x0  }
0x2d: {  	[sflag:s29] =	ssyncadd.s32 $0xFFFFFF83  }
0x2e: {  	_ =	swait.ge [sflag:s31], $0x7D  }
0x2f: {  	[sflag:s31] =	ssyncset.done $0x0  }
0x30: {  	[sflag:s31] =	ssyncadd.s32 $0xFFFFFF83  }
0x31: {  	_ =	swait.ge [sflag:s5], $0x7D  }
0x32: {  	[sflag:s5] =	ssyncset.done $0x0  }
0x33: {  	[sflag:s5] =	ssyncadd.s32 $0xFFFFFF83  }
0x34: {  	[bflag:$0x0] =	sbarrier.arrive $0xFFFF  }
0x35: {  	s22 =	rddreg [dreg:$0x8]  }
0x36: {  	[hbm:s22], [sflag:s13] =	dma.local [spmem:s14], $0x50  }
0x37: {  	_ =	swait.ge [sflag:s11], $0x50  }
0x38: {  	s6 =	sadd.s32 $0x1, s6;
	s23 =	rddreg [dreg:$0x9]  }
0x39: {  	p0 =	sne.s32 s6, s23  }
.Ltmp1:
0x3a: {  	_ = 	snop;
	(pc) =	sbr.rel @!p0 .LBB2_5-.Ltmp1, $3  }
0x3b: {  	_ =	sdelay $0x1  }
0x3c: {  	[sflag:s11] =	ssyncset.done $0x0  }
0x3d: {  	[sflag:s11] =	ssyncadd.s32 $0xFFFFFFB0  }
.LBB2_1:
0x3e: {  	s4 =	simm.s32 $0x0;
	s7 =	rddreg [dreg:$0x4]  }
0x3f: {  	[tilespmem:s4], [sflag:$0x11] =	stream.linear.gather [hbm4b:s7+s4], $0x2800, $0x38;
	[tilespmem:$0x5900] =	vst v63  }
0x40: {  	_ =	swait.ge [sflag:s11], $0x2800  }
0x41: {  	[sflag:s11] =	ssyncset.done $0x0  }
0x42: {  	s8 =	simm.s32 $0x2800;
	s23 =	rddreg [dreg:$0x5];
	[sflag:s11] =	ssyncadd.s32 $0xFFFFD800  }
0x43: {  	[tilespmem:s8], [sflag:$0x11] =	stream.linear.gather [hbm4b:s23+s4], $0x2800, $0x38;
	[tilespmem:$0x5900] =	vst v63  }
0x44: {  	_ =	swait.ge [sflag:s11], $0x2800  }
0x45: {  	[sflag:s11] =	ssyncset.done $0x0  }
0x46: {  	s8 =	rddreg [dreg:$0x6];
	[sflag:s11] =	ssyncadd.s32 $0xFFFFD800  }
0x47: {  	[spmem:s14], [sflag:s13] =	dma.local [hbm:s8], $0x50  }
0x48: {  	_ =	swait.ge [sflag:s11], $0x50  }
0x49: {  	[sflag:s11] =	ssyncset.done $0x0;
	s9 =	rddreg [dreg:$0x7]  }
0x4a: {  	s10 =	rddreg [dreg:$0xa];
	[sflag:s11] =	ssyncadd.s32 $0xFFFFFFB0  }
0x4b: {  	[spmem:s10], [sflag:s13] =	dma.local [hbm:s9], $0x50  }
0x4c: {  	_ =	swait.ge [sflag:s11], $0x50  }
0x4d: {  	[sflag:s11] =	ssyncset.done $0x0  }
0x4e: {  	[sflag:s11] =	ssyncadd.s32 $0xFFFFFFB0  }
0x4f: {  	[bflag:$0x0] =	sbarrier.arrive $0xFFFF  }
0x50: {  	[tilespmem:s17], [sflag:$0x1] =	stream.indirect.gather [spmem:s3], $0x1, s4, s16, $0xb8;
	[tilespmem:$0x5900] =	vst v63  }
0x51: {  	s15 =	simm.s32 $0x80;
	s22 =	simm.s32 $0x5080  }
0x52: {  	[tilespmem:s22], [sflag:$0x2] =	stream.indirect.gather [spmem:s3], $0x1, s15, s16, $0xb8;
	[tilespmem:$0x5900] =	vst v63  }
0x53: {  	s23 =	simm.s32 $0x100  }
0x54: {  	[tilespmem:s21], [sflag:$0x3] =	stream.indirect.gather [spmem:s3], $0x1, s23, s16, $0xb8;
	[tilespmem:$0x5900] =	vst v63  }
0x55: {  	s7 =	simm.s32 $0x180;
	s8 =	simm.s32 $0x5180  }
0x56: {  	[tilespmem:s8], [sflag:$0x4] =	stream.indirect.gather [spmem:s3], $0x1, s7, s16, $0xb8;
	[tilespmem:$0x5900] =	vst v63  }
0x57: {  	s9 =	simm.s32 $0x200  }
0x58: {  	[tilespmem:s25], [sflag:$0x5] =	stream.indirect.gather [spmem:s3], $0x1, s9, s16, $0xb8;
	[tilespmem:$0x5900] =	vst v63  }
0x59: {  	s10 =	simm.s32 $0x280;
	s15 =	simm.s32 $0x5280  }
0x5a: {  	[tilespmem:s15], [sflag:$0x6] =	stream.indirect.gather [spmem:s3], $0x1, s10, s16, $0xb8;
	[tilespmem:$0x5900] =	vst v63  }
0x5b: {  	s22 =	simm.s32 $0x300  }
0x5c: {  	[tilespmem:s30], [sflag:$0x7] =	stream.indirect.gather [spmem:s3], $0x1, s22, s16, $0xb8;
	[tilespmem:$0x5900] =	vst v63  }
0x5d: {  	s23 =	simm.s32 $0x380;
	s7 =	simm.s32 $0x0  }
0x5e: {  	[tilespmem:s0], [sflag:$0x8] =	stream.indirect.gather [spmem:s3], $0x1, s23, s16, $0xb8;
	[tilespmem:$0x5900] =	vst v63  }
.LBB2_2:
0x5f: {  	_ =	swait.ge [sflag:s1], $0x7D  }
0x60: {  	s8 =	sshra.s32 s7, $0x2;
	[sflag:s1] =	ssyncset.done $0x0  }
0x61: {  	p0 =	seq.s32 s7, $0x9000;
	s4 =	sadd.s32 $0x2800, s8;
	[sflag:s1] =	ssyncadd.s32 $0xFFFFFF83  }
0x62: {  	[spmem:s2] =	stream.indirect.scatter.add.f32 [tilespmem:s17], [sflag:$0x9], $0x1, s4, s16, $0xb8;
	[tilespmem:$0x5900] =	vst v63  }
0x63: {  	s4 =	simm.s32 @p0 $0x2  }
0x64: {  	_ =	swait.ge @p0 [sflag:s4], $0x7D  }
0x65: {  	s15 =	sshra.s32 @p0 s7, $0x2;
	s10 =	simm.s32 @p0 $0x5080;
	[sflag:s4] =	ssyncset.done @p0 $0x0  }
0x66: {  	s9 =	sadd.s32 @p0 $0x2880, s15;
	[sflag:s4] =	ssyncadd.s32 @p0 $0xFFFFFF83;
	s4 =	simm.s32 @p0 $0x7D  }
0x67: {  	[spmem:s2] =	stream.indirect.scatter.add.f32 @p0 [tilespmem:s10], [sflag:$0xA], $0x1, s9, s4, $0xb8;
	[tilespmem:$0x5900] =	vst v63  }
0x68: {  	s9 =	simm.s32 @!p0 $0x9  }
0x69: {  	_ =	swait.ge @!p0 [sflag:s9], $0x7D  }
0x6a: {  	[sflag:s9] =	ssyncset.done @!p0 $0x0  }
0x6b: {  	[sflag:s9] =	ssyncadd.s32 @!p0 $0xFFFFFF83;
	s9 =	sshra.s32 @!p0 s7, $0x2  }
0x6c: {  	s23 =	simm.s32 @!p0 $0x5000;
	s10 =	simm.s32 @!p0 $0x7D;
	s22 =	sadd.s32 @!p0 $0x400, s9  }
0x6d: {  	[tilespmem:s23], [sflag:$0x1] =	stream.indirect.gather @!p0 [spmem:s3], $0x1, s22, s10, $0xb8;
	[tilespmem:$0x5900] =	vst v63  }
0x6e: {  	s22 =	simm.s32 @!p0 $0x2  }
0x6f: {  	_ =	swait.ge @!p0 [sflag:s22], $0x7D  }
0x70: {  	[sflag:s22] =	ssyncset.done @!p0 $0x0  }
0x71: {  	s23 =	simm.s32 @!p0 $0x5080;
	[sflag:s22] =	ssyncadd.s32 @!p0 $0xFFFFFF83;
	s22 =	sadd.s32 @!p0 $0x2880, s9  }
0x72: {  	[spmem:s2] =	stream.indirect.scatter.add.f32 @!p0 [tilespmem:s23], [sflag:$0xA], $0x1, s22, s10, $0xb8;
	[tilespmem:$0x5900] =	vst v63  }
0x73: {  	s22 =	simm.s32 @!p0 $0xA  }
0x74: {  	_ =	swait.ge @!p0 [sflag:s22], $0x7D  }
0x75: {  	[sflag:s22] =	ssyncset.done @!p0 $0x0  }
0x76: {  	[sflag:s22] =	ssyncadd.s32 @!p0 $0xFFFFFF83;
	s22 =	sadd.s32 @!p0 $0x480, s9  }
0x77: {  	[tilespmem:s23], [sflag:$0x2] =	stream.indirect.gather @!p0 [spmem:s3], $0x1, s22, s10, $0xb8;
	[tilespmem:$0x5900] =	vst v63  }
0x78: {  	_ =	swait.ge [sflag:s12], $0x7D  }
0x79: {  	[sflag:s12] =	ssyncset.done $0x0  }
0x7a: {  	s23 =	sadd.s32 $0x2900, s8;
	s22 =	simm.s32 @p0 $0x4;
	[sflag:s12] =	ssyncadd.s32 $0xFFFFFF83  }
0x7b: {  	[spmem:s2] =	stream.indirect.scatter.add.f32 [tilespmem:s21], [sflag:$0xB], $0x1, s23, s16, $0xb8;
	[tilespmem:$0x5900] =	vst v63  }
0x7c: {  	_ =	swait.ge @p0 [sflag:s22], $0x7D  }
0x7d: {  	[sflag:s22] =	ssyncset.done @p0 $0x0  }
0x7e: {  	s23 =	simm.s32 @p0 $0x5180;
	[sflag:s22] =	ssyncadd.s32 @p0 $0xFFFFFF83;
	s22 =	sadd.s32 @p0 $0x2980, s15  }
0x7f: {  	[spmem:s2] =	stream.indirect.scatter.add.f32 @p0 [tilespmem:s23], [sflag:$0xC], $0x1, s22, s4, $0xb8;
	[tilespmem:$0x5900] =	vst v63  }
0x80: {  	s22 =	simm.s32 @!p0 $0xB  }
0x81: {  	_ =	swait.ge @!p0 [sflag:s22], $0x7D  }
0x82: {  	[sflag:s22] =	ssyncset.done @!p0 $0x0  }
0x83: {  	s23 =	simm.s32 @!p0 $0x5100;
	[sflag:s22] =	ssyncadd.s32 @!p0 $0xFFFFFF83;
	s22 =	sadd.s32 @!p0 $0x500, s9  }
0x84: {  	[tilespmem:s23], [sflag:$0x3] =	stream.indirect.gather @!p0 [spmem:s3], $0x1, s22, s10, $0xb8;
	[tilespmem:$0x5900] =	vst v63  }
0x85: {  	s22 =	simm.s32 @!p0 $0x4  }
0x86: {  	_ =	swait.ge @!p0 [sflag:s22], $0x7D  }
0x87: {  	[sflag:s22] =	ssyncset.done @!p0 $0x0  }
0x88: {  	s23 =	simm.s32 @!p0 $0x5180;
	[sflag:s22] =	ssyncadd.s32 @!p0 $0xFFFFFF83;
	s22 =	sadd.s32 @!p0 $0x2980, s9  }
0x89: {  	[spmem:s2] =	stream.indirect.scatter.add.f32 @!p0 [tilespmem:s23], [sflag:$0xC], $0x1, s22, s10, $0xb8;
	[tilespmem:$0x5900] =	vst v63  }
0x8a: {  	s22 =	simm.s32 @!p0 $0xC  }
0x8b: {  	_ =	swait.ge @!p0 [sflag:s22], $0x7D  }
0x8c: {  	[sflag:s22] =	ssyncset.done @!p0 $0x0  }
0x8d: {  	[sflag:s22] =	ssyncadd.s32 @!p0 $0xFFFFFF83;
	s22 =	sadd.s32 @!p0 $0x580, s9  }
0x8e: {  	[tilespmem:s23], [sflag:$0x4] =	stream.indirect.gather @!p0 [spmem:s3], $0x1, s22, s10, $0xb8;
	[tilespmem:$0x5900] =	vst v63  }
0x8f: {  	_ =	swait.ge [sflag:s18], $0x7D  }
0x90: {  	[sflag:s18] =	ssyncset.done $0x0  }
0x91: {  	s23 =	sadd.s32 $0x2A00, s8;
	s22 =	simm.s32 @p0 $0x6;
	[sflag:s18] =	ssyncadd.s32 $0xFFFFFF83  }
0x92: {  	[spmem:s2] =	stream.indirect.scatter.add.f32 [tilespmem:s25], [sflag:$0xD], $0x1, s23, s16, $0xb8;
	[tilespmem:$0x5900] =	vst v63  }
0x93: {  	_ =	swait.ge @p0 [sflag:s22], $0x7D  }
0x94: {  	[sflag:s22] =	ssyncset.done @p0 $0x0  }
0x95: {  	s15 =	sadd.s32 @p0 $0x2A80, s15;
	[sflag:s22] =	ssyncadd.s32 @p0 $0xFFFFFF83;
	s22 =	simm.s32 @p0 $0x5280  }
0x96: {  	[spmem:s2] =	stream.indirect.scatter.add.f32 @p0 [tilespmem:s22], [sflag:$0xE], $0x1, s15, s4, $0xb8;
	[tilespmem:$0x5900] =	vst v63  }
0x97: {  	s4 =	simm.s32 @!p0 $0xD  }
0x98: {  	_ =	swait.ge @!p0 [sflag:s4], $0x7D  }
0x99: {  	[sflag:s4] =	ssyncset.done @!p0 $0x0  }
0x9a: {  	s15 =	simm.s32 @!p0 $0x5200;
	[sflag:s4] =	ssyncadd.s32 @!p0 $0xFFFFFF83;
	s4 =	sadd.s32 @!p0 $0x600, s9  }
0x9b: {  	[tilespmem:s15], [sflag:$0x5] =	stream.indirect.gather @!p0 [spmem:s3], $0x1, s4, s10, $0xb8;
	[tilespmem:$0x5900] =	vst v63  }
0x9c: {  	s4 =	simm.s32 @!p0 $0x6  }
0x9d: {  	_ =	swait.ge @!p0 [sflag:s4], $0x7D  }
0x9e: {  	[sflag:s4] =	ssyncset.done @!p0 $0x0  }
0x9f: {  	s15 =	simm.s32 @!p0 $0x5280;
	[sflag:s4] =	ssyncadd.s32 @!p0 $0xFFFFFF83;
	s4 =	sadd.s32 @!p0 $0x2A80, s9  }
0xa0: {  	[spmem:s2] =	stream.indirect.scatter.add.f32 @!p0 [tilespmem:s15], [sflag:$0xE], $0x1, s4, s10, $0xb8;
	[tilespmem:$0x5900] =	vst v63  }
0xa1: {  	s4 =	simm.s32 @!p0 $0xE  }
0xa2: {  	_ =	swait.ge @!p0 [sflag:s4], $0x7D  }
0xa3: {  	[sflag:s4] =	ssyncset.done @!p0 $0x0  }
0xa4: {  	[sflag:s4] =	ssyncadd.s32 @!p0 $0xFFFFFF83;
	s4 =	sadd.s32 @!p0 $0x680, s9  }
0xa5: {  	[tilespmem:s15], [sflag:$0x6] =	stream.indirect.gather @!p0 [spmem:s3], $0x1, s4, s10, $0xb8;
	[tilespmem:$0x5900] =	vst v63  }
.Ltmp2:
0xa6: {  	_ = 	snop;
	(pc) =	sbr.rel @p0 .LBB2_4-.Ltmp2, $4  }
0xa7: {  	_ =	swait.ge [sflag:s19], $0x7D  }
0xa8: {  	[sflag:s19] =	ssyncset.done $0x0  }
0xa9: {  	s23 =	sadd.s32 $0x2B00, s8;
	s4 =	sadd.s32 $0x2B80, s8;
	[sflag:s19] =	ssyncadd.s32 $0xFFFFFF83  }
0xaa: {  	[spmem:s2] =	stream.indirect.scatter.add.f32 [tilespmem:s30], [sflag:$0xF], $0x1, s23, s16, $0xb8;
	[tilespmem:$0x5900] =	vst v63  }
0xab: {  	_ =	swait.ge [sflag:s31], $0x7D  }
0xac: {  	[sflag:s31] =	ssyncset.done $0x0  }
0xad: {  	s9 =	sadd.s32 $0x700, s8;
	[sflag:s31] =	ssyncadd.s32 $0xFFFFFF83  }
0xae: {  	[tilespmem:s30], [sflag:$0x7] =	stream.indirect.gather [spmem:s3], $0x1, s9, s16, $0xb8;
	[tilespmem:$0x5900] =	vst v63  }
0xaf: {  	_ =	swait.ge [sflag:s20], $0x7D  }
0xb0: {  	[sflag:s20] =	ssyncset.done $0x0  }
0xb1: {  	[sflag:s20] =	ssyncadd.s32 $0xFFFFFF83  }
0xb2: {  	[spmem:s2] =	stream.indirect.scatter.add.f32 [tilespmem:s0], [sflag:$0x10], $0x1, s4, s16, $0xb8;
	[tilespmem:$0x5900] =	vst v63  }
.Ltmp3:
0xb3: {  	_ = 	snop;
	(pc) =	sbr.rel .LBB2_2-.Ltmp3, $4  }
0xb4: {  	_ =	swait.ge [sflag:s5], $0x7D  }
0xb5: {  	[sflag:s5] =	ssyncset.done $0x0  }
0xb6: {  	s23 =	sadd.s32 $0x780, s8;
	s7 =	sadd.s32 $0x1000, s7;
	[sflag:s5] =	ssyncadd.s32 $0xFFFFFF83  }
0xb7: {  	[tilespmem:s0], [sflag:$0x8] =	stream.indirect.gather [spmem:s3], $0x1, s23, s16, $0xb8;
	[tilespmem:$0x5900] =	vst v63  }
.LBB2_5:
0xb8: {  	_ =	sfence.sel $0x180000  }
0xb9: {  	[bflag:$0x0] =	sbarrier.arrive $0xFFFF  }
0xba: {  	_ =	strace $0x9000004D  }
0xbb: {  	s0 =	stileid.u32;
	[bflag:$0x2] =	sbarrier.arrive $0xFFFF  }
0xbc: {  	p0 =	sne.s32 s0, $0x0;
	s0 =	rddreg [dreg:$0x3]  }
0xbd: {  	s0 =	sadd.s32 @!p0 $0x100000, s0  }
0xbe: {  	[sflag:s0] =	ssyncadd.tile.s32 @!p0 $0x1;
	_ =	shalt  }
.Lfunc_end2:
_tile_overlayer_lowered:
.L_overlay_start_2:
0xbf: {  	(tag) =	ssettag $0x2  }
0xc0: {  	s0 =	rddreg [dreg:$0x0];
	s2 =	stileid.u32  }
0xc1: {  	s1 =	rddreg [dreg:$0x1];
	p0 =	sne.s32 s2, $0x0  }
0xc2: {  	s3 =	rddreg [dreg:$0x2];
	[bflag:$0x3] =	sbarrier.arrive $0xFFFF;
	s2 =	simm.s32 @!p0 $0x1C11  }
0xc3: {  	[timem:s3], [sflag:s2] =	dma.local @!p0 [hbm:s0], s1  }
0xc4: {  	s0 =	simm.s32 @!p0 $0x11  }
0xc5: {  	_ =	swait.ge @!p0 [sflag:s0], s1  }
0xc6: {  	s1 =	ssub.s32 @!p0 $0x0, s1;
	[sflag:s0] =	ssyncset.done @!p0 $0x0  }
0xc7: {  	[sflag:s0] =	ssyncadd.s32 @!p0 s1  }
0xc8: {  	[bflag:$0x3] =	sbarrier.arrive $0xFFFF  }
0xc9: {  	_ =	shalt  }

// kernel: kernel.8.cloned.1.call-start
scs
__scs_entry_jumppad:
0x0: {  	(pc) =	sbr.rel $0x88, $3  }
0x1: {  	(tag) =	ssettag $0x0;
	lr =	simm.s32 $0x1  }
0x2: {  	[smem:$0x3F9B] =	sst lr;
	_ =	strace $0xD0000000  }
0x3: {  	_ = 	snop  }
0x4: {  	_ = 	snop  }
0x5: {  	_ = 	snop  }
0x6: {  	_ = 	snop  }
0x7: {  	_ = 	snop  }
__scs_overlays_trampoline_lowered:
0x8: {  	[smem:$0x3FAA] =	sst s0  }
0x9: {  	[smem:$0x3FAB] =	sst s1  }
0xa: {  	[smem:$0x3FAC] =	sst s2  }
0xb: {  	[smem:$0x3FAD] =	sst s3  }
0xc: {  	[smem:$0x3FAE] =	sst s4  }
0xd: {  	[smem:$0x3FAF] =	sst s5  }
0xe: {  	[smem:$0x3FB0] =	sst s6  }
0xf: {  	[smem:$0x3FB1] =	sst s7  }
0x10: {  	[smem:$0x3FB2] =	sst s8  }
0x11: {  	[smem:$0x3FB3] =	sst s9;
	s0 =	simm.s32 @!p0 $0x0  }
0x12: {  	s1 =	sld [smem:$0x3F99];
	s0 =	simm.s32 @p0 $0x1  }
0x13: {  	[smem:$0x3FB4] =	sst s0;
	s0 =	simm.s32 @!p1 $0x0  }
0x14: {  	s2 =	sld [smem:$0x3F98];
	s0 =	simm.s32 @p1 $0x1  }
0x15: {  	[smem:$0x3FB5] =	sst s0;
	s0 =	simm.s32 @!p2 $0x0  }
0x16: {  	s3 =	sld [smem:$0x3FDB];
	s0 =	simm.s32 @p2 $0x1  }
0x17: {  	s4 =	simm.s32 $0x1BF5;
	[smem:$0x3FB7] =	sst s0  }
0x18: {  	s0 =	sld [smem:$0x3F9A];
	_ =	swait.ge [sflag:s4], $0x0  }
0x19: {  	s7 =	sld [smem:$0x3F9B]  }
0x1a: {  	s8 =	sadd.s32 $0xFFFFE003, lr  }
0x1b: {  	s9 =	sadd.s32 $0xFFFFFEF7, lr;
	s5 =	simm.s32 $0xFFFFFFFF;
	p2 =	slt.u32 s8, $0xFFFFF086  }
0x1c: {  	p1 =	slt.u32 s9, $0xF7A;
	s5 =	simm.s32 @!p2 $0x0  }
0x1d: {  	s5 =	simm.s32 @p1 $0x1;
	p0 =	seq.s32 s7, s2  }
0x1e: {  	s7 =	smul.u32 @!p0 $0xF7A, s2;
	p2 =	seq.s32 @!p0 s5, $0x0  }
0x1f: {  	s9 =	smul.u32 $0xF7A, s1;
	s8 =	simm.s32 @!p0 $0x1BF5;
	p2 =	por !p2, p0  }
0x20: {  	[sflag:s8] =	ssyncset.s32 @!p0 $0xFFFFF086;
	s6 =	sadd.s32 @!p0 s3, s7;
	s7 =	simm.s32 @!p0 $0x108  }
0x21: {  	s3 =	sadd.s32 s3, s9;
	s6 =	sadd.s32 @!p0 $0x88, s6;
	s7 =	simm.s32 @p2 $0x1082  }
0x22: {  	[simem:s7], [sflag:s8] =	dma.local @!p0 [hbm:s6], $0xF7A  }
0x23: {  	s9 =	sor.u32 $0xD0000000, s2;
	s6 =	simm.s32 $0x108;
	_ =	swait.ge @!p0 [sflag:s8], $0x0  }
0x24: {  	s3 =	sadd.s32 $0x88, s3;
	s6 =	simm.s32 @!p1 $0x1082;
	[sflag:s4] =	ssyncset.s32 $0xFFFFF086  }
0x25: {  	[simem:s6], [sflag:s4] =	dma.local [hbm:s3], $0xF7A  }
0x26: {  	[smem:$0x3F9B] =	sst s1;
	(tag) =	ssettag s2;
	_ =	strace s9  }
0x27: {  	s1 =	sld [smem:$0x3FAB]  }
0x28: {  	s2 =	sld [smem:$0x3FAC]  }
0x29: {  	s4 =	sld [smem:$0x3FAE]  }
0x2a: {  	p0 =	seq.s32 s5, $0x0;
	s5 =	sld [smem:$0x3FAF]  }
0x2b: {  	s6 =	sld [smem:$0x3FB0]  }
0x2c: {  	s7 =	sld [smem:$0x3FB1]  }
0x2d: {  	s3 =	simm.s32 $0x108;
	s8 =	sld [smem:$0x3FB2]  }
0x2e: {  	s3 =	simm.s32 @!p0 $0x1082;
	s9 =	sld [smem:$0x3FB3]  }
0x2f: {  	lr =	sadd.s32 s0, s3;
	s0 =	sld [smem:$0x3FAA]  }
0x30: {  	s3 =	sld [smem:$0x3FAD]  }
0x31: {  	[smem:$0x3FB6] =	sst s10  }
0x32: {  	s10 =	sld [smem:$0x3FB4];
	_ =	sdelay $0x3  }
0x33: {  	p0 =	seq.s32 s10, $0x1;
	s10 =	sld [smem:$0x3FB6];
	_ =	sdelay $0x3  }
0x34: {  	[smem:$0x3FB6] =	sst s10  }
0x35: {  	s10 =	sld [smem:$0x3FB5];
	_ =	sdelay $0x3  }
0x36: {  	p1 =	seq.s32 s10, $0x1;
	s10 =	sld [smem:$0x3FB6];
	_ =	sdelay $0x3  }
0x37: {  	[smem:$0x3FB6] =	sst s10  }
0x38: {  	s10 =	sld [smem:$0x3FB7]  }
0x39: {  	_ = 	snop;
	(pc) =	sbr.ind lr, $3  }
0x3a: {  	_ = 	snop  }
0x3b: {  	_ = 	snop  }
0x3c: {  	p2 =	seq.s32 s10, $0x1;
	s10 =	sld [smem:$0x3FB6]  }
0x3d: {  	_ =	shalt  }
0x3e: {  	_ =	shalt  }
0x3f: {  	_ =	shalt  }
0x40: {  	_ =	shalt  }
0x41: {  	_ =	shalt  }
0x42: {  	_ =	shalt  }
0x43: {  	_ =	shalt  }
0x44: {  	_ =	shalt  }
0x45: {  	_ =	shalt  }
0x46: {  	_ =	shalt  }
0x47: {  	_ =	shalt  }
0x48: {  	_ =	shalt  }
0x49: {  	_ =	shalt  }
0x4a: {  	_ =	shalt  }
0x4b: {  	_ =	shalt  }
0x4c: {  	_ =	shalt  }
0x4d: {  	_ =	shalt  }
0x4e: {  	_ =	shalt  }
0x4f: {  	_ =	shalt  }
0x50: {  	_ =	shalt  }
0x51: {  	_ =	shalt  }
0x52: {  	_ =	shalt  }
0x53: {  	_ =	shalt  }
0x54: {  	_ =	shalt  }
0x55: {  	_ =	shalt  }
0x56: {  	_ =	shalt  }
0x57: {  	_ =	shalt  }
0x58: {  	_ =	shalt  }
0x59: {  	_ =	shalt  }
0x5a: {  	_ =	shalt  }
0x5b: {  	_ =	shalt  }
0x5c: {  	_ =	shalt  }
0x5d: {  	_ =	shalt  }
0x5e: {  	_ =	shalt  }
0x5f: {  	_ =	shalt  }
0x60: {  	_ =	shalt  }
0x61: {  	_ =	shalt  }
0x62: {  	_ =	shalt  }
0x63: {  	_ =	shalt  }
0x64: {  	_ =	shalt  }
0x65: {  	_ =	shalt  }
0x66: {  	_ =	shalt  }
0x67: {  	_ =	shalt  }
0x68: {  	_ =	shalt  }
0x69: {  	_ =	shalt  }
0x6a: {  	_ =	shalt  }
0x6b: {  	_ =	shalt  }
0x6c: {  	_ =	shalt  }
0x6d: {  	_ =	shalt  }
0x6e: {  	_ =	shalt  }
0x6f: {  	_ =	shalt  }
0x70: {  	_ =	shalt  }
0x71: {  	_ =	shalt  }
0x72: {  	_ =	shalt  }
0x73: {  	_ =	shalt  }
0x74: {  	_ =	shalt  }
0x75: {  	_ =	shalt  }
0x76: {  	_ =	shalt  }
0x77: {  	_ =	shalt  }
0x78: {  	_ =	shalt  }
0x79: {  	_ =	shalt  }
0x7a: {  	_ =	shalt  }
0x7b: {  	_ =	shalt  }
0x7c: {  	_ =	shalt  }
0x7d: {  	_ =	shalt  }
0x7e: {  	_ =	shalt  }
0x7f: {  	_ =	shalt  }
0x80: {  	_ =	shalt  }
0x81: {  	_ =	shalt  }
0x82: {  	_ =	shalt  }
0x83: {  	_ =	shalt  }
0x84: {  	_ =	shalt  }
0x85: {  	_ =	shalt  }
0x86: {  	_ =	shalt  }
0x87: {  	_ =	shalt  }
.Lfunc_end0:
.L_simem_size_0:
called_computation_lowered:
.L_overlay_start_0:
0x88: {  	s2 =	sld [smem:$0x3FD9]  }
0x89: {  	s3 =	sld [smem:$0x3FFE];
	_ =	sdelay $0x1  }
0x8a: {  	s1 =	srdreg.scid  }
0x8b: {  	s0 =	sand.u32 $0x1, s1  }
0x8c: {  	s17 =	sshll.u32 s0, $0xA;
	s2 =	sadd.s32 s3, s2  }
0x8d: {  	s2 =	sadd.s32 s2, s17  }
0x8e: {  	[smem:$0x3FC2] =	sst s2  }
0x8f: {  	_ = 	snop  }
0x90: {  	s2 =	sld [smem:$0x3FD0];
	(tm) =	ssettm $0x1  }
0x91: {  	s18 =	sld [smem:$0x3FFB];
	_ =	sdelay $0x3  }
0x92: {  	_ =	strace s18  }
0x93: {  	s3 =	sld [smem:$0x3FFC];
	_ =	sdelay $0x3  }
0x94: {  	_ =	strace s3  }
0x95: {  	s3 =	sld [smem:$0x3FFD];
	_ =	sdelay $0x3  }
0x96: {  	_ =	strace s3  }
0x97: {  	_ =	strace $0x8FFFFFFF  }
0x98: {  	s19 =	sld [smem:$0x3FDB];
	_ =	sdelay $0x1  }
0x99: {  	s4 =	simm.s32 $_scs_section_size  }
0x9a: {  	s5 =	simm.s32 $_size__tile_overlayer_lowered;
	s6 =	simm.s32 $_tile_overlayer_lowered  }
0x9b: {  	s22 =	simm.s32 $0x1BFF;
	s21 =	sshll.u32 s6, $0x1;
	s3 =	sadd.s32 s4, s19  }
0x9c: {  	s7 =	simm.s32 $0x0;
	s20 =	sshll.u32 s5, $0x1;
	s5 =	sadd.s32 s21, s3  }
0x9d: {  	[timem:s7], [sflag:s22] =	dma.local [hbm:s5], s20  }
0x9e: {  	_ =	swait.ge [sflag:s22], s20  }
0x9f: {  	s4 =	ssub.s32 $0x0, s20;
	[sflag:s22] =	ssyncset.done $0x0  }
0xa0: {  	[sflag:s22] =	ssyncadd.s32 s4;
	_ =	sdelay $0x1  }
0xa1: {  	s23 =	simm.s32 $0x1B8B  }
0xa2: {  	_ =	swait.ge [sflag:s23], $0x1  }
0xa3: {  	[sflag:s23] =	ssyncset.done $0x0  }
0xa4: {  	s25 =	simm.s32 $0x1B8E;
	s24 =	sld [smem:$0x3FFE];
	[sflag:s23] =	ssyncadd.s32 $0xFFFFFFFF  }
0xa5: {  	s26 =	simm.s32 $execute0_lowered;
	[smem:$0x3FD2] =	sst s25  }
0xa6: {  	s5 =	sshll.u32 s26, $0x1;
	_ =	strace $0x80000046;
	[dreg:$0x1] =	wrdreg $0xFFFFFFFF  }
0xa7: {  	s28 =	simm.s32 $_size_execute0_lowered;
	s3 =	sadd.s32 s3, s5;
	[dreg:$0x0] =	wrdreg $0x0  }
0xa8: {  	s5 =	sshll.u32 s28, $0x1;
	[dreg:$0x2] =	wrdreg s3  }
0xa9: {  	[dreg:$0x3] =	wrdreg s5  }
0xaa: {  	[dreg:$0x4] =	wrdreg $0xC0  }
0xab: {  	_ =	task [dreg:s7], $0x5FFFF  }
0xac: {  	[dreg:$0x1] =	wrdreg $0xFFFFFFFF  }
0xad: {  	[dreg:$0x0] =	wrdreg $0x60  }
0xae: {  	[dreg:$0x2] =	wrdreg s24  }
0xaf: {  	[dreg:$0x3] =	wrdreg s2  }
0xb0: {  	[dreg:$0x4] =	wrdreg $0x28800  }
0xb1: {  	[dreg:$0x5] =	wrdreg $0x9  }
0xb2: {  	_ =	task.clear_ibuf [dreg:s7], $0x6FFFF;
	_ =	strace $0x90000046  }
0xb3: {  	s29 =	simm.s32 $0x9;
	_ =	strace $0x80000048  }
0xb4: {  	_ =	swait.ge [sflag:s29], $0x1  }
0xb5: {  	[sflag:s29] =	ssyncadd.s32 $0xFFFFFFFF  }
0xb6: {  	_ =	strace $0x90000048  }
0xb7: {  	_ =	sfence  }
0xb8: {  	s30 =	sld [smem:$0x0];
	_ =	sdelay $0x2  }
0xb9: {  	s31 =	sshll.u32 s1, $0xD;
	s1 =	sshrl.u32 s1, $0x2  }
0xba: {  	s3 =	sand.u32 $0x4000, s31;
	s1 =	sadd.s32 s1, s30  }
0xbb: {  	s0 =	sor.u32 s3, s0;
	s1 =	sshll.u32 s1, $0x11  }
0xbc: {  	s0 =	sor.u32 s1, s0  }
0xbd: {  	s0 =	sadd.s32 $0x8F2B, s0  }
0xbe: {  	[sflag:s0] =	ssyncadd.remote.s32 $0x1  }
0xbf: {  	_ =	sfence.sel $0xFFFF  }
0xc0: {  	[dreg:$0x0] =	wrdreg $0xFFFFFFFF;
	(pc) =	sbr.abs _section_cstart, $3  }
0xc1: {  	[dreg:$0x1] =	wrdreg $0xFFFFFFFF  }
0xc2: {  	_ =	task.clear_ibuf [dreg:s7], $0x2FFFF;
	_ =	strace $0x9FFFFFFF  }
0xc3: {  	(tm) =	ssettm $0x7FFFFFFF  }
tec
execute0_lowered:
.L_overlay_start_1:
0x0: {  	(tag) =	ssettag $0x1  }
0x1: {  	s5 =	rddreg [dreg:$0x0]  }
0x2: {  	s2 =	rddreg [dreg:$0x1]  }
0x3: {  	s3 =	rddreg [dreg:$0x2]  }
0x4: {  	s0 =	rddreg [dreg:$0x3]  }
0x5: {  	s1 =	stileid.u32;
	s4 =	srdreg.scid  }
0x6: {  	s13 =	simm.s32 $0x7D;
	s14 =	simm.s32 $0x1;
	s15 =	simm.s32 $0x2  }
0x7: {  	s16 =	simm.s32 $0x0;
	s6 =	smul.u32 $0x280, s1;
	s7 =	sand.u32 $0x1, s4  }
0x8: {  	s8 =	sshll.u32 s1, $0x1;
	s4 =	simm.s32 $0x0;
	s31 =	sshll.u32 s1, $0x6  }
0x9: {  	s9 =	smul.u32 $0x2800, s7;
	s8 =	sor.u32 s7, s8;
	[smem:$0x7FF] =	sst s4  }
0xa: {  	s7 =	ssub.s32 $0x2, s7;
	s10 =	sshrl.u32 s6, $0x3;
	s8 =	smul.u32 $0x2800, s8  }
0xb: {  	_ =	strace $0x80000047;
	s11 =	sshrl.u32 s7, $0x1;
	s12 =	sadd.s32 s6, s3  }
0xc: {  	s10 =	sadd.s32 s10, s5;
	s9 =	sadd.s32 s6, s9;
	s30 =	ssub.s32 s7, s11  }
0xd: {  	s11 =	sor.u32 $0x1C03, s31;
	s12 =	sshrl.u32 s12, $0x3;
	s9 =	sshrl.u32 s9, $0x3  }
0xe: {  	s8 =	sshrl.u32 s8, $0x3;
	s6 =	sadd.s32 $0x16200, s10;
	s10 =	simm.s32 $0x2800  }
0xf: {  	s9 =	sadd.s32 s9, s5;
	s5 =	sadd.s32 s5, s8;
	s8 =	smax.u32 s30, $0x1  }
0x10: {  	s5 =	sadd.s32 $0xC200, s5;
	s7 =	sadd.s32 $0x16800, s9;
	s9 =	simm.s32 $0x3  }
.LBB2_1:
0x11: {  	[tilespmem:s4], [sflag:$0x3] =	stream.linear.gather [hbm4b:s5+s4], $0x2800, $0x38;
	[tilespmem:$0x2B00] =	vst v63  }
0x12: {  	_ =	swait.ge [sflag:s9], $0x2800  }
0x13: {  	[sflag:s9] =	ssyncset.done $0x0  }
0x14: {  	[sflag:s9] =	ssyncadd.s32 $0xFFFFD800  }
0x15: {  	[tilespmem:s10], [sflag:$0x3] =	stream.linear.gather [hbm4b:s2+s4], $0x80, $0x38;
	[tilespmem:$0x2B00] =	vst v63  }
0x16: {  	_ =	swait.ge [sflag:s9], $0x80  }
0x17: {  	[sflag:s9] =	ssyncset.done $0x0  }
0x18: {  	[sflag:s9] =	ssyncadd.s32 $0xFFFFFF80  }
0x19: {  	[spmem:s12], [sflag:s11] =	dma.local [hbm:s6], $0x50  }
0x1a: {  	_ =	swait.ge [sflag:s9], $0x50  }
0x1b: {  	[sflag:s9] =	ssyncset.done $0x0  }
0x1c: {  	[sflag:s9] =	ssyncadd.s32 $0xFFFFFFB0  }
0x1d: {  	s17 =	simm.s32 $0x0;
	[bflag:$0x0] =	sbarrier.arrive $0xFFFF  }
0x1e: {  	[spmem:s3] =	stream.indirect.scatter.add.f32 [tilespmem:s10], [sflag:$0x1], $0x1, s17, s13, $0xb8;
	[tilespmem:$0x2B00] =	vst v63  }
0x1f: {  	s31 =	simm.s32 $0x80  }
0x20: {  	[spmem:s3] =	stream.indirect.scatter.add.f32 [tilespmem:s10], [sflag:$0x2], $0x1, s31, s13, $0xb8;
	[tilespmem:$0x2B00] =	vst v63  }
0x21: {  	_ =	swait.ge [sflag:s14], $0x7D  }
0x22: {  	[sflag:s14] =	ssyncset.done $0x0  }
0x23: {  	[sflag:s14] =	ssyncadd.s32 $0xFFFFFF83  }
0x24: {  	_ =	swait.ge [sflag:s15], $0x7D  }
0x25: {  	s18 =	simm.s32 $0x800;
	s17 =	simm.s32 $0x400;
	[sflag:s15] =	ssyncset.done $0x0  }
.LBB2_2:
0x26: {  	s19 =	sshra.s32 s17, $0x2  }
0x27: {  	[sflag:s15] =	ssyncadd.s32 $0xFFFFFF83;
	s17 =	smov.u32 s18;
	s20 =	sadd.s32 $0x400, s18  }
0x28: {  	[spmem:s3] =	stream.indirect.scatter.add.f32 [tilespmem:s10], [sflag:$0x1], $0x1, s19, s13, $0xb8;
	[tilespmem:$0x2B00] =	vst v63  }
0x29: {  	p0 =	sne.s32 s18, $0x9C00;
	s18 =	sadd.s32 $0x80, s19  }
0x2a: {  	[spmem:s3] =	stream.indirect.scatter.add.f32 [tilespmem:s10], [sflag:$0x2], $0x1, s18, s13, $0xb8;
	[tilespmem:$0x2B00] =	vst v63  }
.Ltmp0:
0x2b: {  	_ =	swait.ge [sflag:s14], $0x7D;
	(pc) =	sbr.rel @p0 .LBB2_2-.Ltmp0, $4  }
0x2c: {  	[sflag:s14] =	ssyncset.done $0x0  }
0x2d: {  	[sflag:s14] =	ssyncadd.s32 $0xFFFFFF83  }
0x2e: {  	_ =	swait.ge [sflag:s15], $0x7D  }
0x2f: {  	s18 =	smov.u32 s20;
	[sflag:s15] =	ssyncset.done $0x0  }
0x30: {  	s17 =	sshra.s32 s17, $0x2;
	[sflag:s15] =	ssyncadd.s32 $0xFFFFFF83  }
0x31: {  	[spmem:s3] =	stream.indirect.scatter.add.f32 [tilespmem:s10], [sflag:$0x1], $0x1, s17, s13, $0xb8;
	[tilespmem:$0x2B00] =	vst v63  }
0x32: {  	s17 =	sadd.s32 $0x80, s17  }
0x33: {  	[spmem:s3] =	stream.indirect.scatter.add.f32 [tilespmem:s10], [sflag:$0x2], $0x1, s17, s13, $0xb8;
	[tilespmem:$0x2B00] =	vst v63  }
0x34: {  	_ =	swait.ge [sflag:s14], $0x7D  }
0x35: {  	[sflag:s14] =	ssyncset.done $0x0  }
0x36: {  	[sflag:s14] =	ssyncadd.s32 $0xFFFFFF83  }
0x37: {  	_ =	swait.ge [sflag:s15], $0x7D  }
0x38: {  	s16 =	sadd.s32 $0x1, s16;
	[sflag:s15] =	ssyncset.done $0x0  }
0x39: {  	p0 =	sne.s32 s16, s8;
	[sflag:s15] =	ssyncadd.s32 $0xFFFFFF83  }
.Ltmp1:
0x3a: {  	[bflag:$0x0] =	sbarrier.arrive $0xFFFF;
	(pc) =	sbr.rel @p0 .LBB2_1-.Ltmp1, $4  }
0x3b: {  	[hbm:s7], [sflag:s11] =	dma.local [spmem:s12], $0x50  }
0x3c: {  	_ =	swait.ge [sflag:s9], $0x50  }
0x3d: {  	[sflag:s9] =	ssyncset.done $0x0  }
0x3e: {  	[sflag:s9] =	ssyncadd.s32 $0xFFFFFFB0  }
0x3f: {  	_ =	sfence.sel $0x180000  }
0x40: {  	[bflag:$0x0] =	sbarrier.arrive $0xFFFF  }
0x41: {  	p0 =	sne.s32 s1, $0x0;
	_ =	strace $0x90000047  }
0x42: {  	s0 =	sadd.s32 @!p0 $0x100000, s0;
	[bflag:$0x2] =	sbarrier.arrive $0xFFFF  }
0x43: {  	[sflag:s0] =	ssyncadd.tile.s32 @!p0 $0x1;
	_ =	shalt  }
.Lfunc_end2:
_tile_overlayer_lowered:
.L_overlay_start_2:
0x44: {  	(tag) =	ssettag $0x2  }
0x45: {  	s0 =	rddreg [dreg:$0x0];
	s2 =	stileid.u32  }
0x46: {  	s1 =	rddreg [dreg:$0x1];
	p0 =	sne.s32 s2, $0x0  }
0x47: {  	s3 =	rddreg [dreg:$0x2];
	[bflag:$0x3] =	sbarrier.arrive $0xFFFF;
	s2 =	simm.s32 @!p0 $0x1C03  }
0x48: {  	[timem:s3], [sflag:s2] =	dma.local @!p0 [hbm:s0], s1  }
0x49: {  	s0 =	simm.s32 @!p0 $0x3  }
0x4a: {  	_ =	swait.ge @!p0 [sflag:s0], s1  }
0x4b: {  	s1 =	ssub.s32 @!p0 $0x0, s1;
	[sflag:s0] =	ssyncset.done @!p0 $0x0  }
0x4c: {  	[sflag:s0] =	ssyncadd.s32 @!p0 s1  }
0x4d: {  	[bflag:$0x3] =	sbarrier.arrive $0xFFFF  }
0x4e: {  	_ =	shalt  }

</sc_bundles>
